<compile_context>
chip_gen: v7x
topology: tpu7x:2x2x1
jax: 0.10.2.dev20260603
libtpu: 0.0.44.dev20260713+nightly
codegen_flags: <defaults>
</compile_context>

<pallas_src>
import functools

import jax
import jax.numpy as jnp
from jax import lax
from jax.experimental import pallas as pl
from jax.experimental.pallas import tpu as pltpu
from jax.experimental.pallas import tpu_sc as plsc

N = 10000
E = 320000
F = 16
CH = 1000
ROWS = E // CH
NC, NS = 2, 16
NW = NC * NS
RPW = ROWS // NW
NPT = N // NS

assert ROWS * CH == E and RPW * NW == ROWS and NPT * NS == N

_MESH = plsc.VectorSubcoreMesh(core_axis_name="c", subcore_axis_name="s")



@functools.partial(
    pl.kernel,
    out_type=(jax.ShapeDtypeStruct((N,), jnp.float32),
              jax.ShapeDtypeStruct((N,), jnp.float32)),
    mesh=_MESH,
    scratch_types=[
        pltpu.VMEM((RPW, CH), jnp.int32),
        pltpu.VMEM((CH,), jnp.float32),
        pltpu.VMEM_SHARED((N,), jnp.float32),
        pltpu.SemaphoreType.DMA,
    ],
    compiler_params=pltpu.CompilerParams(use_tc_tiling_on_sc=False),
)
def _deg_kernel(dst_hbm, ones_hbm, zeros_hbm, out0_hbm, out1_hbm,
                dst_v, ones_v, acc, sem):
    c = lax.axis_index("c")
    s = lax.axis_index("s")
    wid = s * NC + c
    pltpu.sync_copy(dst_hbm.at[pl.ds(wid * RPW, RPW)], dst_v)
    pltpu.sync_copy(ones_hbm, ones_v)

    @pl.when(s == 0)
    def _():
        pltpu.sync_copy(zeros_hbm, acc)

    plsc.subcore_barrier()

    descs = [pltpu.async_copy(ones_v, acc.at[dst_v.at[j]], sem, add=True)
             for j in range(RPW)]
    for d in descs:
        d.wait()
    plsc.subcore_barrier()

    @pl.when((s == 0) & (c == 0))
    def _():
        pltpu.sync_copy(acc, out0_hbm)

    @pl.when((s == 0) & (c == 1))
    def _():
        pltpu.sync_copy(acc, out1_hbm)


def _make_prop_kernel(Fw):
    @functools.partial(
        pl.kernel,
        out_type=jax.ShapeDtypeStruct((NC, N, Fw), jnp.float32),
        mesh=_MESH,
        scratch_types=[
            pltpu.VMEM((RPW, CH), jnp.int32),
            pltpu.VMEM((RPW, CH), jnp.int32),
            pltpu.VMEM((4, CH, Fw), jnp.float32),
            pltpu.VMEM_SHARED((N, Fw), jnp.float32),
            [pltpu.SemaphoreType.DMA] * 4,
            [pltpu.SemaphoreType.DMA] * 4,
        ],
        compiler_params=pltpu.CompilerParams(use_tc_tiling_on_sc=False),
    )
    def prop(src_hbm, dst_hbm, g_hbm, zeros_hbm, out_hbm,
             src_v, dst_v, buf, acc, gsems, ssems):
        c = lax.axis_index("c")
        s = lax.axis_index("s")
        wid = s * NC + c
        NB = 4
        pltpu.sync_copy(src_hbm.at[pl.ds(wid * RPW, RPW)], src_v)
        pltpu.sync_copy(dst_hbm.at[pl.ds(wid * RPW, RPW)], dst_v)

        pltpu.sync_copy(zeros_hbm.at[pl.ds(s * NPT, NPT)],
                        acc.at[pl.ds(s * NPT, NPT)])

        def fire_gather(j):
            return pltpu.async_copy(g_hbm.at[src_v.at[j]], buf.at[j % NB],
                                    gsems[j % NB])

        def fire_scatter(j):
            return pltpu.async_copy(buf.at[j % NB], acc.at[dst_v.at[j]],
                                    ssems[j % NB], add=True)

        gd = {0: fire_gather(0)}
        if RPW > 1:
            gd[1] = fire_gather(1)
        plsc.subcore_barrier()
        sd = {}
        waited = set()
        for j in range(RPW):
            gd[j].wait()
            sd[j] = fire_scatter(j)
            jj = j + 2
            if jj < RPW:
                if jj - NB >= 0:
                    sd[jj - NB].wait()
                    waited.add(jj - NB)
                gd[jj] = fire_gather(jj)
        for j in range(RPW):
            if j not in waited:
                sd[j].wait()
        plsc.subcore_barrier()
        pltpu.sync_copy(acc.at[pl.ds(s * NPT, NPT)],
                        out_hbm.at[c].at[pl.ds(s * NPT, NPT)])

    return prop


_prop_kernel = _make_prop_kernel(F)



NP8 = N // 8


def _tc_a1_body(x_ref, w1b_ref, h_ref):
    hP = jnp.dot(x_ref[:, 0, :], w1b_ref[0],
                 preferred_element_type=jnp.float32)
    for b in range(1, 8):
        hP = hP + jnp.dot(x_ref[:, b, :], w1b_ref[b],
                          preferred_element_type=jnp.float32)
    h_ref[...] = hP


def _tc_a2_body(d0_ref, d1_ref, s_ref, h_ref, dis_ref, g_ref):
    d = d0_ref[...] + d1_ref[...] + 1.0
    dis2 = lax.rsqrt(d)
    disP = jnp.dot(dis2, s_ref[...],
                   preferred_element_type=jnp.float32)
    dis_ref[...] = disP
    g_ref[...] = h_ref[...] * disP


def _tc_b_body(p_ref, g1_ref, dis_ref, b1p_ref, g2_ref):
    disP = dis_ref[...]
    z = (p_ref[0] + p_ref[1] + g1_ref[...]) * disP + b1p_ref[...][None, :]
    g2_ref[...] = jnp.maximum(z, 0.0) * disP


def _tc_c_body(p_ref, g2_ref, dis_ref, w2p_ref, b2p_ref, gsum_ref, out_ref):
    zP = (p_ref[0] + p_ref[1] + g2_ref[...]) * dis_ref[...]
    h2 = jnp.dot(zP, w2p_ref[...],
                 preferred_element_type=jnp.float32)
    h2 = h2 + b2p_ref[...][None, :]
    m = jnp.max(h2, axis=1, keepdims=True)
    e = jnp.exp(h2 - m)
    gs = jnp.dot(e, gsum_ref[...],
                 preferred_element_type=jnp.float32)
    out_ref[...] = h2 - m - jnp.log(gs)


_tc_a1 = pl.pallas_call(
    _tc_a1_body, out_shape=jax.ShapeDtypeStruct((NP8, 128), jnp.float32))
_tc_a2 = pl.pallas_call(
    _tc_a2_body,
    out_shape=(jax.ShapeDtypeStruct((NP8, 128), jnp.float32),
               jax.ShapeDtypeStruct((NP8, 128), jnp.float32)))
_tc_b = pl.pallas_call(
    _tc_b_body, out_shape=jax.ShapeDtypeStruct((NP8, 128), jnp.float32))
_tc_c = pl.pallas_call(
    _tc_c_body, out_shape=jax.ShapeDtypeStruct((NP8, 32), jnp.float32))


def kernel(x, edge_index, W1, b1, W2, b2):
    ei = edge_index.astype(jnp.int32)
    src2 = ei[0].reshape(ROWS, CH)
    dst2 = ei[1].reshape(ROWS, CH)
    ones_ch = jnp.ones((CH,), jnp.float32)
    zeros_n = jnp.zeros((N,), jnp.float32)
    zeros_nf = jnp.zeros((N, F), jnp.float32)

    eye8 = jnp.eye(8, dtype=jnp.float32)
    S = jnp.kron(eye8, jnp.ones((1, F), jnp.float32))
    W1B = jnp.stack([jnp.pad(W1, ((0, 0), (F * b, 128 - F * (b + 1))))
                     for b in range(8)])
    W2P = jnp.kron(eye8, W2)
    b1P = jnp.tile(b1, 8)
    b2P = jnp.tile(b2, 8)
    G = jnp.kron(eye8, jnp.ones((4, 4), jnp.float32))
    xp = x.reshape(NP8, 8, 128)

    deg0, deg1 = _deg_kernel(dst2, ones_ch, zeros_n)
    hP = _tc_a1(xp, W1B)
    d0 = deg0.reshape(NP8, 8)
    d1 = deg1.reshape(NP8, 8)
    disP, g1P = _tc_a2(d0, d1, S, hP)
    p1 = _prop_kernel(src2, dst2, g1P.reshape(N, F), zeros_nf)
    g2P = _tc_b(p1.reshape(2, NP8, 128), g1P, disP, b1P)
    p2 = _prop_kernel(src2, dst2, g2P.reshape(N, F), zeros_nf)
    outP = _tc_c(p2.reshape(2, NP8, 128), g2P, disP, W2P, b2P, G)
    return outP.reshape(N, 4)

# --- scband reference (transcript-rebuilt; emitter-appended) ---
"""Pipeline reference for scband-gcn-8675833938683 (READ-ONLY COPY).

The authoritative reference and input builder live on the scoring server;
editing this copy changes nothing except your own understanding.
"""

import jax, jax.numpy as jnp
import numpy as np

N_NODES = 10000
N_EDGES = 320000


def gcn_conv(x, edge_index, W, b, num_nodes):
    # PyG GCNConv: add self-loops, symmetric normalization, x @ W, scatter-add, + bias
    src = edge_index[0]
    dst = edge_index[1]
    loop = jnp.arange(num_nodes, dtype=edge_index.dtype)
    src = jnp.concatenate([src, loop])
    dst = jnp.concatenate([dst, loop])
    h = x @ W
    ones = jnp.ones(src.shape[0], dtype=h.dtype)
    deg = jnp.zeros(num_nodes, dtype=h.dtype).at[dst].add(ones)
    deg_inv_sqrt = jnp.where(deg > 0, deg ** -0.5, 0.0)
    norm = deg_inv_sqrt[src] * deg_inv_sqrt[dst]
    msg = h[src] * norm[:, None]
    out = jnp.zeros_like(h).at[dst].add(msg)
    return out + b


def setup_inputs(seed: int = 0) -> dict:
    key = jax.random.key(seed)
    k1, k2, k3, k4 = jax.random.split(key, 4)
    x = jax.random.normal(k1, (N_NODES, 128), dtype=jnp.float32)
    edge_index = jax.random.randint(k2, (2, N_EDGES), 0, N_NODES, dtype=jnp.int64)
    W1 = jax.random.normal(k3, (128, 16), dtype=jnp.float32) * (1.0 / np.sqrt(128))
    b1 = jnp.zeros((16,), dtype=jnp.float32)
    W2 = jax.random.normal(k4, (16, 4), dtype=jnp.float32) * (1.0 / np.sqrt(16))
    b2 = jnp.zeros((4,), dtype=jnp.float32)
    return {"x": x, "edge_index": edge_index, "W1": W1, "b1": b1, "W2": W2, "b2": b2}


def reference(x, edge_index, W1, b1, W2, b2):
    num_nodes = x.shape[0]
    h = gcn_conv(x, edge_index, W1, b1, num_nodes)
    h = jax.nn.relu(h)
    # dropout: eval mode (training=False) -> identity
    h = gcn_conv(h, edge_index, W2, b2, num_nodes)
    return jax.nn.log_softmax(h, axis=1)

if __name__ == "__main__":
    import jax
    _d = setup_inputs()
    print(jax.jit(kernel)(*tuple(_d.values())))

</pallas_src>

<mosaic_0001>
#map = affine_map<(d0, d1) -> (0, 0)>
#map1 = affine_map<(d0, d1) -> (0)>
module attributes {stable_mosaic.version = 14 : i64} {
  func.func @_deg_kernel(%arg0: i32, %arg1: i32, %arg2: memref<320x1000xi32, #tpu.memory_space<hbm>>, %arg3: memref<1000xf32, #tpu.memory_space<hbm>>, %arg4: memref<10000xf32, #tpu.memory_space<hbm>>, %arg5: memref<10000xf32, #tpu.memory_space<hbm>>, %arg6: memref<10000xf32, #tpu.memory_space<hbm>>, %arg7: memref<10x1000xi32, #tpu.memory_space<vmem>>, %arg8: memref<1000xf32, #tpu.memory_space<vmem>>, %arg9: memref<10000xf32, #tpu.memory_space<vmem_shared>>, %arg10: memref<!tpu.dma_semaphore, #tpu.memory_space<semaphore_mem>>) attributes {dimension_semantics = [#tpu.dimension_semantics<core_parallel>, #tpu.dimension_semantics<subcore_parallel>], iteration_bounds = array<i64: 2, 16>, scalar_prefetch = 0 : i64, scratch_operands = 4 : i64, tpu.core_type = #tpu.core_type<sc_vector_subcore>, window_params = [{transform_indices = #map}, {transform_indices = #map1}, {transform_indices = #map1}, {transform_indices = #map1}, {transform_indices = #map1}]} {
    %mul3A = arith.constant 2 : i32
    %mul3A_0 = arith.muli %arg1, %mul3A : i32
    %add3A = arith.addi %mul3A_0, %arg0 : i32
    %mul3A_1 = arith.constant 10 : i32
    %mul3A_2 = arith.muli %add3A, %mul3A_1 : i32
    "tpu.region"() ({
      %run_scoped3A = tpu.sem_alloc : memref<!tpu.dma_semaphore, #tpu.memory_space<semaphore_mem>>
      %dma_start3A_139 = arith.constant 0 : i32
      %dma_start3A_140 = tpu.memref_slice %arg2[%mul3A_2, %dma_start3A_139] : memref<320x1000xi32, #tpu.memory_space<hbm>> -> memref<10x1000xi32, #tpu.memory_space<hbm>>
      %dma_start3A_141 = arith.constant 0 : i32
      %dma_start3A_142 = tpu.memref_slice %arg2[%mul3A_2, %dma_start3A_141] : memref<320x1000xi32, #tpu.memory_space<hbm>> -> memref<10x1000xi32, #tpu.memory_space<hbm>>
      tpu.enqueue_dma source(%dma_start3A_142 : memref<10x1000xi32, #tpu.memory_space<hbm>>) target(%arg7 : memref<10x1000xi32, #tpu.memory_space<vmem>>) target_semaphore(%run_scoped3A : memref<!tpu.dma_semaphore, #tpu.memory_space<semaphore_mem>>)
      %dma_wait3A_143 = arith.constant 0 : i32
      %dma_wait3A_144 = tpu.memref_slice %arg2[%mul3A_2, %dma_wait3A_143] : memref<320x1000xi32, #tpu.memory_space<hbm>> -> memref<10x1000xi32, #tpu.memory_space<hbm>>
      %dma_wait3A_145 = arith.constant 0 : i32
      %dma_wait3A_146 = tpu.memref_slice %arg2[%mul3A_2, %dma_wait3A_145] : memref<320x1000xi32, #tpu.memory_space<hbm>> -> memref<10x1000xi32, #tpu.memory_space<hbm>>
      tpu.wait_dma2 semaphore(%run_scoped3A : memref<!tpu.dma_semaphore, #tpu.memory_space<semaphore_mem>>) src(%dma_wait3A_146 : memref<10x1000xi32, #tpu.memory_space<hbm>>) dst(%arg7 : memref<10x1000xi32, #tpu.memory_space<vmem>>)
      tpu.yield
    }) : () -> ()
    "tpu.region"() ({
      %run_scoped3A = tpu.sem_alloc : memref<!tpu.dma_semaphore, #tpu.memory_space<semaphore_mem>>
      tpu.enqueue_dma source(%arg3 : memref<1000xf32, #tpu.memory_space<hbm>>) target(%arg8 : memref<1000xf32, #tpu.memory_space<vmem>>) target_semaphore(%run_scoped3A : memref<!tpu.dma_semaphore, #tpu.memory_space<semaphore_mem>>)
      tpu.wait_dma2 semaphore(%run_scoped3A : memref<!tpu.dma_semaphore, #tpu.memory_space<semaphore_mem>>) src(%arg3 : memref<1000xf32, #tpu.memory_space<hbm>>) dst(%arg8 : memref<1000xf32, #tpu.memory_space<vmem>>)
      tpu.yield
    }) : () -> ()
    %eq3A = arith.constant 0 : i32
    %eq3A_3 = arith.cmpi eq, %arg1, %eq3A : i32
    %convert_element_type3A = arith.extui %eq3A_3 : i1 to i32
    %cond3A = arith.constant 0 : i32
    %cond3A_4 = arith.cmpi ne, %convert_element_type3A, %cond3A : i32
    scf.if %cond3A_4 {
      "tpu.region"() ({
        %run_scoped3A = tpu.sem_alloc : memref<!tpu.dma_semaphore, #tpu.memory_space<semaphore_mem>>
        tpu.enqueue_dma source(%arg4 : memref<10000xf32, #tpu.memory_space<hbm>>) target(%arg9 : memref<10000xf32, #tpu.memory_space<vmem_shared>>) target_semaphore(%run_scoped3A : memref<!tpu.dma_semaphore, #tpu.memory_space<semaphore_mem>>)
        tpu.wait_dma2 semaphore(%run_scoped3A : memref<!tpu.dma_semaphore, #tpu.memory_space<semaphore_mem>>) src(%arg4 : memref<10000xf32, #tpu.memory_space<hbm>>) dst(%arg9 : memref<10000xf32, #tpu.memory_space<vmem_shared>>)
        tpu.yield
      }) : () -> ()
    } else {
    }
    %barrier3A = arith.constant 0 : index
    tpu.barrier barrier_id(%barrier3A)
    %dma_start3A = arith.constant 0 : i32
    %dma_start3A_5 = arith.constant 0 : i32
    %dma_start3A_6 = tpu.memref_slice %arg7[%dma_start3A, %dma_start3A_5] : memref<10x1000xi32, #tpu.memory_space<vmem>> -> memref<1x1000xi32, #tpu.memory_space<vmem>>
    %dma_start3A_7 = tpu.memref_squeeze %dma_start3A_6 : memref<1x1000xi32, #tpu.memory_space<vmem>> -> memref<1000xi32, #tpu.memory_space<vmem>>
    %dma_start3A_8 = arith.constant 0 : i32
    %dma_start3A_9 = tpu.memref_slice %arg9[%dma_start3A_8] : memref<10000xf32, #tpu.memory_space<vmem_shared>> -> memref<10000xf32, #tpu.memory_space<vmem_shared>>
    tpu.enqueue_indirect_dma source(%arg8 : memref<1000xf32, #tpu.memory_space<vmem>>) target(%dma_start3A_9 : memref<10000xf32, #tpu.memory_space<vmem_shared>>) offsets(%dma_start3A_7 : memref<1000xi32, #tpu.memory_space<vmem>>) semaphore(%arg10 : memref<!tpu.dma_semaphore, #tpu.memory_space<semaphore_mem>>) {add = true}
    %dma_start3A_10 = arith.constant 1 : i32
    %dma_start3A_11 = arith.constant 0 : i32
    %dma_start3A_12 = tpu.memref_slice %arg7[%dma_start3A_10, %dma_start3A_11] : memref<10x1000xi32, #tpu.memory_space<vmem>> -> memref<1x1000xi32, #tpu.memory_space<vmem>>
    %dma_start3A_13 = tpu.memref_squeeze %dma_start3A_12 : memref<1x1000xi32, #tpu.memory_space<vmem>> -> memref<1000xi32, #tpu.memory_space<vmem>>
    %dma_start3A_14 = arith.constant 0 : i32
    %dma_start3A_15 = tpu.memref_slice %arg9[%dma_start3A_14] : memref<10000xf32, #tpu.memory_space<vmem_shared>> -> memref<10000xf32, #tpu.memory_space<vmem_shared>>
    tpu.enqueue_indirect_dma source(%arg8 : memref<1000xf32, #tpu.memory_space<vmem>>) target(%dma_start3A_15 : memref<10000xf32, #tpu.memory_space<vmem_shared>>) offsets(%dma_start3A_13 : memref<1000xi32, #tpu.memory_space<vmem>>) semaphore(%arg10 : memref<!tpu.dma_semaphore, #tpu.memory_space<semaphore_mem>>) {add = true}
    %dma_start3A_16 = arith.constant 2 : i32
    %dma_start3A_17 = arith.constant 0 : i32
    %dma_start3A_18 = tpu.memref_slice %arg7[%dma_start3A_16, %dma_start3A_17] : memref<10x1000xi32, #tpu.memory_space<vmem>> -> memref<1x1000xi32, #tpu.memory_space<vmem>>
    %dma_start3A_19 = tpu.memref_squeeze %dma_start3A_18 : memref<1x1000xi32, #tpu.memory_space<vmem>> -> memref<1000xi32, #tpu.memory_space<vmem>>
    %dma_start3A_20 = arith.constant 0 : i32
    %dma_start3A_21 = tpu.memref_slice %arg9[%dma_start3A_20] : memref<10000xf32, #tpu.memory_space<vmem_shared>> -> memref<10000xf32, #tpu.memory_space<vmem_shared>>
    tpu.enqueue_indirect_dma source(%arg8 : memref<1000xf32, #tpu.memory_space<vmem>>) target(%dma_start3A_21 : memref<10000xf32, #tpu.memory_space<vmem_shared>>) offsets(%dma_start3A_19 : memref<1000xi32, #tpu.memory_space<vmem>>) semaphore(%arg10 : memref<!tpu.dma_semaphore, #tpu.memory_space<semaphore_mem>>) {add = true}
    %dma_start3A_22 = arith.constant 3 : i32
    %dma_start3A_23 = arith.constant 0 : i32
    %dma_start3A_24 = tpu.memref_slice %arg7[%dma_start3A_22, %dma_start3A_23] : memref<10x1000xi32, #tpu.memory_space<vmem>> -> memref<1x1000xi32, #tpu.memory_space<vmem>>
    %dma_start3A_25 = tpu.memref_squeeze %dma_start3A_24 : memref<1x1000xi32, #tpu.memory_space<vmem>> -> memref<1000xi32, #tpu.memory_space<vmem>>
    %dma_start3A_26 = arith.constant 0 : i32
    %dma_start3A_27 = tpu.memref_slice %arg9[%dma_start3A_26] : memref<10000xf32, #tpu.memory_space<vmem_shared>> -> memref<10000xf32, #tpu.memory_space<vmem_shared>>
    tpu.enqueue_indirect_dma source(%arg8 : memref<1000xf32, #tpu.memory_space<vmem>>) target(%dma_start3A_27 : memref<10000xf32, #tpu.memory_space<vmem_shared>>) offsets(%dma_start3A_25 : memref<1000xi32, #tpu.memory_space<vmem>>) semaphore(%arg10 : memref<!tpu.dma_semaphore, #tpu.memory_space<semaphore_mem>>) {add = true}
    %dma_start3A_28 = arith.constant 4 : i32
    %dma_start3A_29 = arith.constant 0 : i32
    %dma_start3A_30 = tpu.memref_slice %arg7[%dma_start3A_28, %dma_start3A_29] : memref<10x1000xi32, #tpu.memory_space<vmem>> -> memref<1x1000xi32, #tpu.memory_space<vmem>>
    %dma_start3A_31 = tpu.memref_squeeze %dma_start3A_30 : memref<1x1000xi32, #tpu.memory_space<vmem>> -> memref<1000xi32, #tpu.memory_space<vmem>>
    %dma_start3A_32 = arith.constant 0 : i32
    %dma_start3A_33 = tpu.memref_slice %arg9[%dma_start3A_32] : memref<10000xf32, #tpu.memory_space<vmem_shared>> -> memref<10000xf32, #tpu.memory_space<vmem_shared>>
    tpu.enqueue_indirect_dma source(%arg8 : memref<1000xf32, #tpu.memory_space<vmem>>) target(%dma_start3A_33 : memref<10000xf32, #tpu.memory_space<vmem_shared>>) offsets(%dma_start3A_31 : memref<1000xi32, #tpu.memory_space<vmem>>) semaphore(%arg10 : memref<!tpu.dma_semaphore, #tpu.memory_space<semaphore_mem>>) {add = true}
    %dma_start3A_34 = arith.constant 5 : i32
    %dma_start3A_35 = arith.constant 0 : i32
    %dma_start3A_36 = tpu.memref_slice %arg7[%dma_start3A_34, %dma_start3A_35] : memref<10x1000xi32, #tpu.memory_space<vmem>> -> memref<1x1000xi32, #tpu.memory_space<vmem>>
    %dma_start3A_37 = tpu.memref_squeeze %dma_start3A_36 : memref<1x1000xi32, #tpu.memory_space<vmem>> -> memref<1000xi32, #tpu.memory_space<vmem>>
    %dma_start3A_38 = arith.constant 0 : i32
    %dma_start3A_39 = tpu.memref_slice %arg9[%dma_start3A_38] : memref<10000xf32, #tpu.memory_space<vmem_shared>> -> memref<10000xf32, #tpu.memory_space<vmem_shared>>
    tpu.enqueue_indirect_dma source(%arg8 : memref<1000xf32, #tpu.memory_space<vmem>>) target(%dma_start3A_39 : memref<10000xf32, #tpu.memory_space<vmem_shared>>) offsets(%dma_start3A_37 : memref<1000xi32, #tpu.memory_space<vmem>>) semaphore(%arg10 : memref<!tpu.dma_semaphore, #tpu.memory_space<semaphore_mem>>) {add = true}
    %dma_start3A_40 = arith.constant 6 : i32
    %dma_start3A_41 = arith.constant 0 : i32
    %dma_start3A_42 = tpu.memref_slice %arg7[%dma_start3A_40, %dma_start3A_41] : memref<10x1000xi32, #tpu.memory_space<vmem>> -> memref<1x1000xi32, #tpu.memory_space<vmem>>
    %dma_start3A_43 = tpu.memref_squeeze %dma_start3A_42 : memref<1x1000xi32, #tpu.memory_space<vmem>> -> memref<1000xi32, #tpu.memory_space<vmem>>
    %dma_start3A_44 = arith.constant 0 : i32
    %dma_start3A_45 = tpu.memref_slice %arg9[%dma_start3A_44] : memref<10000xf32, #tpu.memory_space<vmem_shared>> -> memref<10000xf32, #tpu.memory_space<vmem_shared>>
    tpu.enqueue_indirect_dma source(%arg8 : memref<1000xf32, #tpu.memory_space<vmem>>) target(%dma_start3A_45 : memref<10000xf32, #tpu.memory_space<vmem_shared>>) offsets(%dma_start3A_43 : memref<1000xi32, #tpu.memory_space<vmem>>) semaphore(%arg10 : memref<!tpu.dma_semaphore, #tpu.memory_space<semaphore_mem>>) {add = true}
    %dma_start3A_46 = arith.constant 7 : i32
    %dma_start3A_47 = arith.constant 0 : i32
    %dma_start3A_48 = tpu.memref_slice %arg7[%dma_start3A_46, %dma_start3A_47] : memref<10x1000xi32, #tpu.memory_space<vmem>> -> memref<1x1000xi32, #tpu.memory_space<vmem>>
    %dma_start3A_49 = tpu.memref_squeeze %dma_start3A_48 : memref<1x1000xi32, #tpu.memory_space<vmem>> -> memref<1000xi32, #tpu.memory_space<vmem>>
    %dma_start3A_50 = arith.constant 0 : i32
    %dma_start3A_51 = tpu.memref_slice %arg9[%dma_start3A_50] : memref<10000xf32, #tpu.memory_space<vmem_shared>> -> memref<10000xf32, #tpu.memory_space<vmem_shared>>
    tpu.enqueue_indirect_dma source(%arg8 : memref<1000xf32, #tpu.memory_space<vmem>>) target(%dma_start3A_51 : memref<10000xf32, #tpu.memory_space<vmem_shared>>) offsets(%dma_start3A_49 : memref<1000xi32, #tpu.memory_space<vmem>>) semaphore(%arg10 : memref<!tpu.dma_semaphore, #tpu.memory_space<semaphore_mem>>) {add = true}
    %dma_start3A_52 = arith.constant 8 : i32
    %dma_start3A_53 = arith.constant 0 : i32
    %dma_start3A_54 = tpu.memref_slice %arg7[%dma_start3A_52, %dma_start3A_53] : memref<10x1000xi32, #tpu.memory_space<vmem>> -> memref<1x1000xi32, #tpu.memory_space<vmem>>
    %dma_start3A_55 = tpu.memref_squeeze %dma_start3A_54 : memref<1x1000xi32, #tpu.memory_space<vmem>> -> memref<1000xi32, #tpu.memory_space<vmem>>
    %dma_start3A_56 = arith.constant 0 : i32
    %dma_start3A_57 = tpu.memref_slice %arg9[%dma_start3A_56] : memref<10000xf32, #tpu.memory_space<vmem_shared>> -> memref<10000xf32, #tpu.memory_space<vmem_shared>>
    tpu.enqueue_indirect_dma source(%arg8 : memref<1000xf32, #tpu.memory_space<vmem>>) target(%dma_start3A_57 : memref<10000xf32, #tpu.memory_space<vmem_shared>>) offsets(%dma_start3A_55 : memref<1000xi32, #tpu.memory_space<vmem>>) semaphore(%arg10 : memref<!tpu.dma_semaphore, #tpu.memory_space<semaphore_mem>>) {add = true}
    %dma_start3A_58 = arith.constant 9 : i32
    %dma_start3A_59 = arith.constant 0 : i32
    %dma_start3A_60 = tpu.memref_slice %arg7[%dma_start3A_58, %dma_start3A_59] : memref<10x1000xi32, #tpu.memory_space<vmem>> -> memref<1x1000xi32, #tpu.memory_space<vmem>>
    %dma_start3A_61 = tpu.memref_squeeze %dma_start3A_60 : memref<1x1000xi32, #tpu.memory_space<vmem>> -> memref<1000xi32, #tpu.memory_space<vmem>>
    %dma_start3A_62 = arith.constant 0 : i32
    %dma_start3A_63 = tpu.memref_slice %arg9[%dma_start3A_62] : memref<10000xf32, #tpu.memory_space<vmem_shared>> -> memref<10000xf32, #tpu.memory_space<vmem_shared>>
    tpu.enqueue_indirect_dma source(%arg8 : memref<1000xf32, #tpu.memory_space<vmem>>) target(%dma_start3A_63 : memref<10000xf32, #tpu.memory_space<vmem_shared>>) offsets(%dma_start3A_61 : memref<1000xi32, #tpu.memory_space<vmem>>) semaphore(%arg10 : memref<!tpu.dma_semaphore, #tpu.memory_space<semaphore_mem>>) {add = true}
    %dma_wait3A = arith.constant 0 : i32
    %dma_wait3A_64 = arith.constant 0 : i32
    %dma_wait3A_65 = tpu.memref_slice %arg7[%dma_wait3A, %dma_wait3A_64] : memref<10x1000xi32, #tpu.memory_space<vmem>> -> memref<1x1000xi32, #tpu.memory_space<vmem>>
    %dma_wait3A_66 = tpu.memref_squeeze %dma_wait3A_65 : memref<1x1000xi32, #tpu.memory_space<vmem>> -> memref<1000xi32, #tpu.memory_space<vmem>>
    %dma_wait3A_67 = arith.constant 0 : i32
    %dma_wait3A_68 = tpu.memref_slice %arg9[%dma_wait3A_67] : memref<10000xf32, #tpu.memory_space<vmem_shared>> -> memref<10000xf32, #tpu.memory_space<vmem_shared>>
    tpu.wait_indirect_dma semaphore(%arg10 : memref<!tpu.dma_semaphore, #tpu.memory_space<semaphore_mem>>) src(%arg8 : memref<1000xf32, #tpu.memory_space<vmem>>) dst(%dma_wait3A_68 : memref<10000xf32, #tpu.memory_space<vmem_shared>>)
    %dma_wait3A_69 = arith.constant 1 : i32
    %dma_wait3A_70 = arith.constant 0 : i32
    %dma_wait3A_71 = tpu.memref_slice %arg7[%dma_wait3A_69, %dma_wait3A_70] : memref<10x1000xi32, #tpu.memory_space<vmem>> -> memref<1x1000xi32, #tpu.memory_space<vmem>>
    %dma_wait3A_72 = tpu.memref_squeeze %dma_wait3A_71 : memref<1x1000xi32, #tpu.memory_space<vmem>> -> memref<1000xi32, #tpu.memory_space<vmem>>
    %dma_wait3A_73 = arith.constant 0 : i32
    %dma_wait3A_74 = tpu.memref_slice %arg9[%dma_wait3A_73] : memref<10000xf32, #tpu.memory_space<vmem_shared>> -> memref<10000xf32, #tpu.memory_space<vmem_shared>>
    tpu.wait_indirect_dma semaphore(%arg10 : memref<!tpu.dma_semaphore, #tpu.memory_space<semaphore_mem>>) src(%arg8 : memref<1000xf32, #tpu.memory_space<vmem>>) dst(%dma_wait3A_74 : memref<10000xf32, #tpu.memory_space<vmem_shared>>)
    %dma_wait3A_75 = arith.constant 2 : i32
    %dma_wait3A_76 = arith.constant 0 : i32
    %dma_wait3A_77 = tpu.memref_slice %arg7[%dma_wait3A_75, %dma_wait3A_76] : memref<10x1000xi32, #tpu.memory_space<vmem>> -> memref<1x1000xi32, #tpu.memory_space<vmem>>
    %dma_wait3A_78 = tpu.memref_squeeze %dma_wait3A_77 : memref<1x1000xi32, #tpu.memory_space<vmem>> -> memref<1000xi32, #tpu.memory_space<vmem>>
    %dma_wait3A_79 = arith.constant 0 : i32
    %dma_wait3A_80 = tpu.memref_slice %arg9[%dma_wait3A_79] : memref<10000xf32, #tpu.memory_space<vmem_shared>> -> memref<10000xf32, #tpu.memory_space<vmem_shared>>
    tpu.wait_indirect_dma semaphore(%arg10 : memref<!tpu.dma_semaphore, #tpu.memory_space<semaphore_mem>>) src(%arg8 : memref<1000xf32, #tpu.memory_space<vmem>>) dst(%dma_wait3A_80 : memref<10000xf32, #tpu.memory_space<vmem_shared>>)
    %dma_wait3A_81 = arith.constant 3 : i32
    %dma_wait3A_82 = arith.constant 0 : i32
    %dma_wait3A_83 = tpu.memref_slice %arg7[%dma_wait3A_81, %dma_wait3A_82] : memref<10x1000xi32, #tpu.memory_space<vmem>> -> memref<1x1000xi32, #tpu.memory_space<vmem>>
    %dma_wait3A_84 = tpu.memref_squeeze %dma_wait3A_83 : memref<1x1000xi32, #tpu.memory_space<vmem>> -> memref<1000xi32, #tpu.memory_space<vmem>>
    %dma_wait3A_85 = arith.constant 0 : i32
    %dma_wait3A_86 = tpu.memref_slice %arg9[%dma_wait3A_85] : memref<10000xf32, #tpu.memory_space<vmem_shared>> -> memref<10000xf32, #tpu.memory_space<vmem_shared>>
    tpu.wait_indirect_dma semaphore(%arg10 : memref<!tpu.dma_semaphore, #tpu.memory_space<semaphore_mem>>) src(%arg8 : memref<1000xf32, #tpu.memory_space<vmem>>) dst(%dma_wait3A_86 : memref<10000xf32, #tpu.memory_space<vmem_shared>>)
    %dma_wait3A_87 = arith.constant 4 : i32
    %dma_wait3A_88 = arith.constant 0 : i32
    %dma_wait3A_89 = tpu.memref_slice %arg7[%dma_wait3A_87, %dma_wait3A_88] : memref<10x1000xi32, #tpu.memory_space<vmem>> -> memref<1x1000xi32, #tpu.memory_space<vmem>>
    %dma_wait3A_90 = tpu.memref_squeeze %dma_wait3A_89 : memref<1x1000xi32, #tpu.memory_space<vmem>> -> memref<1000xi32, #tpu.memory_space<vmem>>
    %dma_wait3A_91 = arith.constant 0 : i32
    %dma_wait3A_92 = tpu.memref_slice %arg9[%dma_wait3A_91] : memref<10000xf32, #tpu.memory_space<vmem_shared>> -> memref<10000xf32, #tpu.memory_space<vmem_shared>>
    tpu.wait_indirect_dma semaphore(%arg10 : memref<!tpu.dma_semaphore, #tpu.memory_space<semaphore_mem>>) src(%arg8 : memref<1000xf32, #tpu.memory_space<vmem>>) dst(%dma_wait3A_92 : memref<10000xf32, #tpu.memory_space<vmem_shared>>)
    %dma_wait3A_93 = arith.constant 5 : i32
    %dma_wait3A_94 = arith.constant 0 : i32
    %dma_wait3A_95 = tpu.memref_slice %arg7[%dma_wait3A_93, %dma_wait3A_94] : memref<10x1000xi32, #tpu.memory_space<vmem>> -> memref<1x1000xi32, #tpu.memory_space<vmem>>
    %dma_wait3A_96 = tpu.memref_squeeze %dma_wait3A_95 : memref<1x1000xi32, #tpu.memory_space<vmem>> -> memref<1000xi32, #tpu.memory_space<vmem>>
    %dma_wait3A_97 = arith.constant 0 : i32
    %dma_wait3A_98 = tpu.memref_slice %arg9[%dma_wait3A_97] : memref<10000xf32, #tpu.memory_space<vmem_shared>> -> memref<10000xf32, #tpu.memory_space<vmem_shared>>
    tpu.wait_indirect_dma semaphore(%arg10 : memref<!tpu.dma_semaphore, #tpu.memory_space<semaphore_mem>>) src(%arg8 : memref<1000xf32, #tpu.memory_space<vmem>>) dst(%dma_wait3A_98 : memref<10000xf32, #tpu.memory_space<vmem_shared>>)
    %dma_wait3A_99 = arith.constant 6 : i32
    %dma_wait3A_100 = arith.constant 0 : i32
    %dma_wait3A_101 = tpu.memref_slice %arg7[%dma_wait3A_99, %dma_wait3A_100] : memref<10x1000xi32, #tpu.memory_space<vmem>> -> memref<1x1000xi32, #tpu.memory_space<vmem>>
    %dma_wait3A_102 = tpu.memref_squeeze %dma_wait3A_101 : memref<1x1000xi32, #tpu.memory_space<vmem>> -> memref<1000xi32, #tpu.memory_space<vmem>>
    %dma_wait3A_103 = arith.constant 0 : i32
    %dma_wait3A_104 = tpu.memref_slice %arg9[%dma_wait3A_103] : memref<10000xf32, #tpu.memory_space<vmem_shared>> -> memref<10000xf32, #tpu.memory_space<vmem_shared>>
    tpu.wait_indirect_dma semaphore(%arg10 : memref<!tpu.dma_semaphore, #tpu.memory_space<semaphore_mem>>) src(%arg8 : memref<1000xf32, #tpu.memory_space<vmem>>) dst(%dma_wait3A_104 : memref<10000xf32, #tpu.memory_space<vmem_shared>>)
    %dma_wait3A_105 = arith.constant 7 : i32
    %dma_wait3A_106 = arith.constant 0 : i32
    %dma_wait3A_107 = tpu.memref_slice %arg7[%dma_wait3A_105, %dma_wait3A_106] : memref<10x1000xi32, #tpu.memory_space<vmem>> -> memref<1x1000xi32, #tpu.memory_space<vmem>>
    %dma_wait3A_108 = tpu.memref_squeeze %dma_wait3A_107 : memref<1x1000xi32, #tpu.memory_space<vmem>> -> memref<1000xi32, #tpu.memory_space<vmem>>
    %dma_wait3A_109 = arith.constant 0 : i32
    %dma_wait3A_110 = tpu.memref_slice %arg9[%dma_wait3A_109] : memref<10000xf32, #tpu.memory_space<vmem_shared>> -> memref<10000xf32, #tpu.memory_space<vmem_shared>>
    tpu.wait_indirect_dma semaphore(%arg10 : memref<!tpu.dma_semaphore, #tpu.memory_space<semaphore_mem>>) src(%arg8 : memref<1000xf32, #tpu.memory_space<vmem>>) dst(%dma_wait3A_110 : memref<10000xf32, #tpu.memory_space<vmem_shared>>)
    %dma_wait3A_111 = arith.constant 8 : i32
    %dma_wait3A_112 = arith.constant 0 : i32
    %dma_wait3A_113 = tpu.memref_slice %arg7[%dma_wait3A_111, %dma_wait3A_112] : memref<10x1000xi32, #tpu.memory_space<vmem>> -> memref<1x1000xi32, #tpu.memory_space<vmem>>
    %dma_wait3A_114 = tpu.memref_squeeze %dma_wait3A_113 : memref<1x1000xi32, #tpu.memory_space<vmem>> -> memref<1000xi32, #tpu.memory_space<vmem>>
    %dma_wait3A_115 = arith.constant 0 : i32
    %dma_wait3A_116 = tpu.memref_slice %arg9[%dma_wait3A_115] : memref<10000xf32, #tpu.memory_space<vmem_shared>> -> memref<10000xf32, #tpu.memory_space<vmem_shared>>
    tpu.wait_indirect_dma semaphore(%arg10 : memref<!tpu.dma_semaphore, #tpu.memory_space<semaphore_mem>>) src(%arg8 : memref<1000xf32, #tpu.memory_space<vmem>>) dst(%dma_wait3A_116 : memref<10000xf32, #tpu.memory_space<vmem_shared>>)
    %dma_wait3A_117 = arith.constant 9 : i32
    %dma_wait3A_118 = arith.constant 0 : i32
    %dma_wait3A_119 = tpu.memref_slice %arg7[%dma_wait3A_117, %dma_wait3A_118] : memref<10x1000xi32, #tpu.memory_space<vmem>> -> memref<1x1000xi32, #tpu.memory_space<vmem>>
    %dma_wait3A_120 = tpu.memref_squeeze %dma_wait3A_119 : memref<1x1000xi32, #tpu.memory_space<vmem>> -> memref<1000xi32, #tpu.memory_space<vmem>>
    %dma_wait3A_121 = arith.constant 0 : i32
    %dma_wait3A_122 = tpu.memref_slice %arg9[%dma_wait3A_121] : memref<10000xf32, #tpu.memory_space<vmem_shared>> -> memref<10000xf32, #tpu.memory_space<vmem_shared>>
    tpu.wait_indirect_dma semaphore(%arg10 : memref<!tpu.dma_semaphore, #tpu.memory_space<semaphore_mem>>) src(%arg8 : memref<1000xf32, #tpu.memory_space<vmem>>) dst(%dma_wait3A_122 : memref<10000xf32, #tpu.memory_space<vmem_shared>>)
    %barrier3A_123 = arith.constant 0 : index
    tpu.barrier barrier_id(%barrier3A_123)
    %eq3A_124 = arith.constant 0 : i32
    %eq3A_125 = arith.cmpi eq, %arg1, %eq3A_124 : i32
    %eq3A_126 = arith.constant 0 : i32
    %eq3A_127 = arith.cmpi eq, %arg0, %eq3A_126 : i32
    %and3A = arith.andi %eq3A_125, %eq3A_127 : i1
    %convert_element_type3A_128 = arith.extui %and3A : i1 to i32
    %cond3A_129 = arith.constant 0 : i32
    %cond3A_130 = arith.cmpi ne, %convert_element_type3A_128, %cond3A_129 : i32
    scf.if %cond3A_130 {
      "tpu.region"() ({
        %run_scoped3A = tpu.sem_alloc : memref<!tpu.dma_semaphore, #tpu.memory_space<semaphore_mem>>
        tpu.enqueue_dma source(%arg9 : memref<10000xf32, #tpu.memory_space<vmem_shared>>) target(%arg5 : memref<10000xf32, #tpu.memory_space<hbm>>) target_semaphore(%run_scoped3A : memref<!tpu.dma_semaphore, #tpu.memory_space<semaphore_mem>>)
        tpu.wait_dma2 semaphore(%run_scoped3A : memref<!tpu.dma_semaphore, #tpu.memory_space<semaphore_mem>>) src(%arg9 : memref<10000xf32, #tpu.memory_space<vmem_shared>>) dst(%arg5 : memref<10000xf32, #tpu.memory_space<hbm>>)
        tpu.yield
      }) : () -> ()
    } else {
    }
    %eq3A_131 = arith.constant 0 : i32
    %eq3A_132 = arith.cmpi eq, %arg1, %eq3A_131 : i32
    %eq3A_133 = arith.constant 1 : i32
    %eq3A_134 = arith.cmpi eq, %arg0, %eq3A_133 : i32
    %and3A_135 = arith.andi %eq3A_132, %eq3A_134 : i1
    %convert_element_type3A_136 = arith.extui %and3A_135 : i1 to i32
    %cond3A_137 = arith.constant 0 : i32
    %cond3A_138 = arith.cmpi ne, %convert_element_type3A_136, %cond3A_137 : i32
    scf.if %cond3A_138 {
      "tpu.region"() ({
        %run_scoped3A = tpu.sem_alloc : memref<!tpu.dma_semaphore, #tpu.memory_space<semaphore_mem>>
        tpu.enqueue_dma source(%arg9 : memref<10000xf32, #tpu.memory_space<vmem_shared>>) target(%arg6 : memref<10000xf32, #tpu.memory_space<hbm>>) target_semaphore(%run_scoped3A : memref<!tpu.dma_semaphore, #tpu.memory_space<semaphore_mem>>)
        tpu.wait_dma2 semaphore(%run_scoped3A : memref<!tpu.dma_semaphore, #tpu.memory_space<semaphore_mem>>) src(%arg9 : memref<10000xf32, #tpu.memory_space<vmem_shared>>) dst(%arg6 : memref<10000xf32, #tpu.memory_space<hbm>>)
        tpu.yield
      }) : () -> ()
    } else {
    }
    return
  }
}

#map = affine_map<(d0, d1) -> (0, 0)>
#map1 = affine_map<(d0, d1) -> (0, 0, 0)>
module attributes {stable_mosaic.version = 14 : i64} {
  func.func @prop(%arg0: i32, %arg1: i32, %arg2: memref<320x1000xi32, #tpu.memory_space<hbm>>, %arg3: memref<320x1000xi32, #tpu.memory_space<hbm>>, %arg4: memref<10000x16xf32, #tpu.memory_space<hbm>>, %arg5: memref<10000x16xf32, #tpu.memory_space<hbm>>, %arg6: memref<2x10000x16xf32, #tpu.memory_space<hbm>>, %arg7: memref<10x1000xi32, #tpu.memory_space<vmem>>, %arg8: memref<10x1000xi32, #tpu.memory_space<vmem>>, %arg9: memref<4x1000x16xf32, #tpu.memory_space<vmem>>, %arg10: memref<10000x16xf32, #tpu.memory_space<vmem_shared>>, %arg11: memref<!tpu.dma_semaphore, #tpu.memory_space<semaphore_mem>>, %arg12: memref<!tpu.dma_semaphore, #tpu.memory_space<semaphore_mem>>, %arg13: memref<!tpu.dma_semaphore, #tpu.memory_space<semaphore_mem>>, %arg14: memref<!tpu.dma_semaphore, #tpu.memory_space<semaphore_mem>>, %arg15: memref<!tpu.dma_semaphore, #tpu.memory_space<semaphore_mem>>, %arg16: memref<!tpu.dma_semaphore, #tpu.memory_space<semaphore_mem>>, %arg17: memref<!tpu.dma_semaphore, #tpu.memory_space<semaphore_mem>>, %arg18: memref<!tpu.dma_semaphore, #tpu.memory_space<semaphore_mem>>) attributes {dimension_semantics = [#tpu.dimension_semantics<core_parallel>, #tpu.dimension_semantics<subcore_parallel>], iteration_bounds = array<i64: 2, 16>, scalar_prefetch = 0 : i64, scratch_operands = 12 : i64, tpu.core_type = #tpu.core_type<sc_vector_subcore>, window_params = [{transform_indices = #map}, {transform_indices = #map}, {transform_indices = #map}, {transform_indices = #map}, {transform_indices = #map1}]} {
    %mul3A = arith.constant 2 : i32
    %mul3A_0 = arith.muli %arg1, %mul3A : i32
    %add3A = arith.addi %mul3A_0, %arg0 : i32
    %mul3A_1 = arith.constant 10 : i32
    %mul3A_2 = arith.muli %add3A, %mul3A_1 : i32
    "tpu.region"() ({
      %run_scoped3A = tpu.sem_alloc : memref<!tpu.dma_semaphore, #tpu.memory_space<semaphore_mem>>
      %dma_start3A_492 = arith.constant 0 : i32
      %dma_start3A_493 = tpu.memref_slice %arg2[%mul3A_2, %dma_start3A_492] : memref<320x1000xi32, #tpu.memory_space<hbm>> -> memref<10x1000xi32, #tpu.memory_space<hbm>>
      %dma_start3A_494 = arith.constant 0 : i32
      %dma_start3A_495 = tpu.memref_slice %arg2[%mul3A_2, %dma_start3A_494] : memref<320x1000xi32, #tpu.memory_space<hbm>> -> memref<10x1000xi32, #tpu.memory_space<hbm>>
      tpu.enqueue_dma source(%dma_start3A_495 : memref<10x1000xi32, #tpu.memory_space<hbm>>) target(%arg7 : memref<10x1000xi32, #tpu.memory_space<vmem>>) target_semaphore(%run_scoped3A : memref<!tpu.dma_semaphore, #tpu.memory_space<semaphore_mem>>)
      %dma_wait3A_496 = arith.constant 0 : i32
      %dma_wait3A_497 = tpu.memref_slice %arg2[%mul3A_2, %dma_wait3A_496] : memref<320x1000xi32, #tpu.memory_space<hbm>> -> memref<10x1000xi32, #tpu.memory_space<hbm>>
      %dma_wait3A_498 = arith.constant 0 : i32
      %dma_wait3A_499 = tpu.memref_slice %arg2[%mul3A_2, %dma_wait3A_498] : memref<320x1000xi32, #tpu.memory_space<hbm>> -> memref<10x1000xi32, #tpu.memory_space<hbm>>
      tpu.wait_dma2 semaphore(%run_scoped3A : memref<!tpu.dma_semaphore, #tpu.memory_space<semaphore_mem>>) src(%dma_wait3A_499 : memref<10x1000xi32, #tpu.memory_space<hbm>>) dst(%arg7 : memref<10x1000xi32, #tpu.memory_space<vmem>>)
      tpu.yield
    }) : () -> ()
    %mul3A_3 = arith.constant 10 : i32
    %mul3A_4 = arith.muli %add3A, %mul3A_3 : i32
    "tpu.region"() ({
      %run_scoped3A = tpu.sem_alloc : memref<!tpu.dma_semaphore, #tpu.memory_space<semaphore_mem>>
      %dma_start3A_492 = arith.constant 0 : i32
      %dma_start3A_493 = tpu.memref_slice %arg3[%mul3A_4, %dma_start3A_492] : memref<320x1000xi32, #tpu.memory_space<hbm>> -> memref<10x1000xi32, #tpu.memory_space<hbm>>
      %dma_start3A_494 = arith.constant 0 : i32
      %dma_start3A_495 = tpu.memref_slice %arg3[%mul3A_4, %dma_start3A_494] : memref<320x1000xi32, #tpu.memory_space<hbm>> -> memref<10x1000xi32, #tpu.memory_space<hbm>>
      tpu.enqueue_dma source(%dma_start3A_495 : memref<10x1000xi32, #tpu.memory_space<hbm>>) target(%arg8 : memref<10x1000xi32, #tpu.memory_space<vmem>>) target_semaphore(%run_scoped3A : memref<!tpu.dma_semaphore, #tpu.memory_space<semaphore_mem>>)
      %dma_wait3A_496 = arith.constant 0 : i32
      %dma_wait3A_497 = tpu.memref_slice %arg3[%mul3A_4, %dma_wait3A_496] : memref<320x1000xi32, #tpu.memory_space<hbm>> -> memref<10x1000xi32, #tpu.memory_space<hbm>>
      %dma_wait3A_498 = arith.constant 0 : i32
      %dma_wait3A_499 = tpu.memref_slice %arg3[%mul3A_4, %dma_wait3A_498] : memref<320x1000xi32, #tpu.memory_space<hbm>> -> memref<10x1000xi32, #tpu.memory_space<hbm>>
      tpu.wait_dma2 semaphore(%run_scoped3A : memref<!tpu.dma_semaphore, #tpu.memory_space<semaphore_mem>>) src(%dma_wait3A_499 : memref<10x1000xi32, #tpu.memory_space<hbm>>) dst(%arg8 : memref<10x1000xi32, #tpu.memory_space<vmem>>)
      tpu.yield
    }) : () -> ()
    %mul3A_5 = arith.constant 625 : i32
    %mul3A_6 = arith.muli %arg1, %mul3A_5 : i32
    %mul3A_7 = arith.constant 625 : i32
    %mul3A_8 = arith.muli %arg1, %mul3A_7 : i32
    "tpu.region"() ({
      %run_scoped3A = tpu.sem_alloc : memref<!tpu.dma_semaphore, #tpu.memory_space<semaphore_mem>>
      %dma_start3A_492 = arith.constant 0 : i32
      %dma_start3A_493 = tpu.memref_slice %arg10[%mul3A_8, %dma_start3A_492] : memref<10000x16xf32, #tpu.memory_space<vmem_shared>> -> memref<625x16xf32, #tpu.memory_space<vmem_shared>>
      %dma_start3A_494 = arith.constant 0 : i32
      %dma_start3A_495 = tpu.memref_slice %arg5[%mul3A_6, %dma_start3A_494] : memref<10000x16xf32, #tpu.memory_space<hbm>> -> memref<625x16xf32, #tpu.memory_space<hbm>>
      tpu.enqueue_dma source(%dma_start3A_495 : memref<625x16xf32, #tpu.memory_space<hbm>>) target(%dma_start3A_493 : memref<625x16xf32, #tpu.memory_space<vmem_shared>>) target_semaphore(%run_scoped3A : memref<!tpu.dma_semaphore, #tpu.memory_space<semaphore_mem>>)
      %dma_wait3A_496 = arith.constant 0 : i32
      %dma_wait3A_497 = tpu.memref_slice %arg10[%mul3A_8, %dma_wait3A_496] : memref<10000x16xf32, #tpu.memory_space<vmem_shared>> -> memref<625x16xf32, #tpu.memory_space<vmem_shared>>
      %dma_wait3A_498 = arith.constant 0 : i32
      %dma_wait3A_499 = tpu.memref_slice %arg5[%mul3A_6, %dma_wait3A_498] : memref<10000x16xf32, #tpu.memory_space<hbm>> -> memref<625x16xf32, #tpu.memory_space<hbm>>
      tpu.wait_dma2 semaphore(%run_scoped3A : memref<!tpu.dma_semaphore, #tpu.memory_space<semaphore_mem>>) src(%dma_wait3A_499 : memref<625x16xf32, #tpu.memory_space<hbm>>) dst(%dma_wait3A_497 : memref<625x16xf32, #tpu.memory_space<vmem_shared>>)
      tpu.yield
    }) : () -> ()
    %dma_start3A = arith.constant 0 : i32
    %dma_start3A_9 = arith.constant 0 : i32
    %dma_start3A_10 = arith.constant 0 : i32
    %dma_start3A_11 = arith.constant 0 : i32
    %dma_start3A_12 = tpu.memref_slice %arg9[%dma_start3A_9, %dma_start3A_10, %dma_start3A_11] : memref<4x1000x16xf32, #tpu.memory_space<vmem>> -> memref<1x1000x16xf32, #tpu.memory_space<vmem>>
    %dma_start3A_13 = tpu.memref_squeeze %dma_start3A_12 : memref<1x1000x16xf32, #tpu.memory_space<vmem>> -> memref<1000x16xf32, #tpu.memory_space<vmem>>
    %dma_start3A_14 = arith.constant 0 : i32
    %dma_start3A_15 = tpu.memref_slice %arg7[%dma_start3A, %dma_start3A_14] : memref<10x1000xi32, #tpu.memory_space<vmem>> -> memref<1x1000xi32, #tpu.memory_space<vmem>>
    %dma_start3A_16 = tpu.memref_squeeze %dma_start3A_15 : memref<1x1000xi32, #tpu.memory_space<vmem>> -> memref<1000xi32, #tpu.memory_space<vmem>>
    %dma_start3A_17 = arith.constant 0 : i32
    %dma_start3A_18 = arith.constant 0 : i32
    %dma_start3A_19 = tpu.memref_slice %arg4[%dma_start3A_17, %dma_start3A_18] : memref<10000x16xf32, #tpu.memory_space<hbm>> -> memref<10000x16xf32, #tpu.memory_space<hbm>>
    tpu.enqueue_indirect_dma source(%dma_start3A_19 : memref<10000x16xf32, #tpu.memory_space<hbm>>) target(%dma_start3A_13 : memref<1000x16xf32, #tpu.memory_space<vmem>>) offsets(%dma_start3A_16 : memref<1000xi32, #tpu.memory_space<vmem>>) semaphore(%arg11 : memref<!tpu.dma_semaphore, #tpu.memory_space<semaphore_mem>>)
    %dma_start3A_20 = arith.constant 1 : i32
    %dma_start3A_21 = arith.constant 1 : i32
    %dma_start3A_22 = arith.constant 0 : i32
    %dma_start3A_23 = arith.constant 0 : i32
    %dma_start3A_24 = tpu.memref_slice %arg9[%dma_start3A_21, %dma_start3A_22, %dma_start3A_23] : memref<4x1000x16xf32, #tpu.memory_space<vmem>> -> memref<1x1000x16xf32, #tpu.memory_space<vmem>>
    %dma_start3A_25 = tpu.memref_squeeze %dma_start3A_24 : memref<1x1000x16xf32, #tpu.memory_space<vmem>> -> memref<1000x16xf32, #tpu.memory_space<vmem>>
    %dma_start3A_26 = arith.constant 0 : i32
    %dma_start3A_27 = tpu.memref_slice %arg7[%dma_start3A_20, %dma_start3A_26] : memref<10x1000xi32, #tpu.memory_space<vmem>> -> memref<1x1000xi32, #tpu.memory_space<vmem>>
    %dma_start3A_28 = tpu.memref_squeeze %dma_start3A_27 : memref<1x1000xi32, #tpu.memory_space<vmem>> -> memref<1000xi32, #tpu.memory_space<vmem>>
    %dma_start3A_29 = arith.constant 0 : i32
    %dma_start3A_30 = arith.constant 0 : i32
    %dma_start3A_31 = tpu.memref_slice %arg4[%dma_start3A_29, %dma_start3A_30] : memref<10000x16xf32, #tpu.memory_space<hbm>> -> memref<10000x16xf32, #tpu.memory_space<hbm>>
    tpu.enqueue_indirect_dma source(%dma_start3A_31 : memref<10000x16xf32, #tpu.memory_space<hbm>>) target(%dma_start3A_25 : memref<1000x16xf32, #tpu.memory_space<vmem>>) offsets(%dma_start3A_28 : memref<1000xi32, #tpu.memory_space<vmem>>) semaphore(%arg12 : memref<!tpu.dma_semaphore, #tpu.memory_space<semaphore_mem>>)
    %barrier3A = arith.constant 0 : index
    tpu.barrier barrier_id(%barrier3A)
    %dma_wait3A = arith.constant 0 : i32
    %dma_wait3A_32 = arith.constant 0 : i32
    %dma_wait3A_33 = arith.constant 0 : i32
    %dma_wait3A_34 = arith.constant 0 : i32
    %dma_wait3A_35 = tpu.memref_slice %arg9[%dma_wait3A_32, %dma_wait3A_33, %dma_wait3A_34] : memref<4x1000x16xf32, #tpu.memory_space<vmem>> -> memref<1x1000x16xf32, #tpu.memory_space<vmem>>
    %dma_wait3A_36 = tpu.memref_squeeze %dma_wait3A_35 : memref<1x1000x16xf32, #tpu.memory_space<vmem>> -> memref<1000x16xf32, #tpu.memory_space<vmem>>
    %dma_wait3A_37 = arith.constant 0 : i32
    %dma_wait3A_38 = tpu.memref_slice %arg7[%dma_wait3A, %dma_wait3A_37] : memref<10x1000xi32, #tpu.memory_space<vmem>> -> memref<1x1000xi32, #tpu.memory_space<vmem>>
    %dma_wait3A_39 = tpu.memref_squeeze %dma_wait3A_38 : memref<1x1000xi32, #tpu.memory_space<vmem>> -> memref<1000xi32, #tpu.memory_space<vmem>>
    %dma_wait3A_40 = arith.constant 0 : i32
    %dma_wait3A_41 = arith.constant 0 : i32
    %dma_wait3A_42 = tpu.memref_slice %arg4[%dma_wait3A_40, %dma_wait3A_41] : memref<10000x16xf32, #tpu.memory_space<hbm>> -> memref<10000x16xf32, #tpu.memory_space<hbm>>
    tpu.wait_indirect_dma semaphore(%arg11 : memref<!tpu.dma_semaphore, #tpu.memory_space<semaphore_mem>>) src(%dma_wait3A_42 : memref<10000x16xf32, #tpu.memory_space<hbm>>) dst(%dma_wait3A_36 : memref<1000x16xf32, #tpu.memory_space<vmem>>)
    %dma_start3A_43 = arith.constant 0 : i32
    %dma_start3A_44 = arith.constant 0 : i32
    %dma_start3A_45 = arith.constant 0 : i32
    %dma_start3A_46 = arith.constant 0 : i32
    %dma_start3A_47 = tpu.memref_slice %arg9[%dma_start3A_43, %dma_start3A_45, %dma_start3A_46] : memref<4x1000x16xf32, #tpu.memory_space<vmem>> -> memref<1x1000x16xf32, #tpu.memory_space<vmem>>
    %dma_start3A_48 = tpu.memref_squeeze %dma_start3A_47 : memref<1x1000x16xf32, #tpu.memory_space<vmem>> -> memref<1000x16xf32, #tpu.memory_space<vmem>>
    %dma_start3A_49 = arith.constant 0 : i32
    %dma_start3A_50 = tpu.memref_slice %arg8[%dma_start3A_44, %dma_start3A_49] : memref<10x1000xi32, #tpu.memory_space<vmem>> -> memref<1x1000xi32, #tpu.memory_space<vmem>>
    %dma_start3A_51 = tpu.memref_squeeze %dma_start3A_50 : memref<1x1000xi32, #tpu.memory_space<vmem>> -> memref<1000xi32, #tpu.memory_space<vmem>>
    %dma_start3A_52 = arith.constant 0 : i32
    %dma_start3A_53 = arith.constant 0 : i32
    %dma_start3A_54 = tpu.memref_slice %arg10[%dma_start3A_52, %dma_start3A_53] : memref<10000x16xf32, #tpu.memory_space<vmem_shared>> -> memref<10000x16xf32, #tpu.memory_space<vmem_shared>>
    tpu.enqueue_indirect_dma source(%dma_start3A_48 : memref<1000x16xf32, #tpu.memory_space<vmem>>) target(%dma_start3A_54 : memref<10000x16xf32, #tpu.memory_space<vmem_shared>>) offsets(%dma_start3A_51 : memref<1000xi32, #tpu.memory_space<vmem>>) semaphore(%arg15 : memref<!tpu.dma_semaphore, #tpu.memory_space<semaphore_mem>>) {add = true}
    %dma_start3A_55 = arith.constant 2 : i32
    %dma_start3A_56 = arith.constant 2 : i32
    %dma_start3A_57 = arith.constant 0 : i32
    %dma_start3A_58 = arith.constant 0 : i32
    %dma_start3A_59 = tpu.memref_slice %arg9[%dma_start3A_56, %dma_start3A_57, %dma_start3A_58] : memref<4x1000x16xf32, #tpu.memory_space<vmem>> -> memref<1x1000x16xf32, #tpu.memory_space<vmem>>
    %dma_start3A_60 = tpu.memref_squeeze %dma_start3A_59 : memref<1x1000x16xf32, #tpu.memory_space<vmem>> -> memref<1000x16xf32, #tpu.memory_space<vmem>>
    %dma_start3A_61 = arith.constant 0 : i32
    %dma_start3A_62 = tpu.memref_slice %arg7[%dma_start3A_55, %dma_start3A_61] : memref<10x1000xi32, #tpu.memory_space<vmem>> -> memref<1x1000xi32, #tpu.memory_space<vmem>>
    %dma_start3A_63 = tpu.memref_squeeze %dma_start3A_62 : memref<1x1000xi32, #tpu.memory_space<vmem>> -> memref<1000xi32, #tpu.memory_space<vmem>>
    %dma_start3A_64 = arith.constant 0 : i32
    %dma_start3A_65 = arith.constant 0 : i32
    %dma_start3A_66 = tpu.memref_slice %arg4[%dma_start3A_64, %dma_start3A_65] : memref<10000x16xf32, #tpu.memory_space<hbm>> -> memref<10000x16xf32, #tpu.memory_space<hbm>>
    tpu.enqueue_indirect_dma source(%dma_start3A_66 : memref<10000x16xf32, #tpu.memory_space<hbm>>) target(%dma_start3A_60 : memref<1000x16xf32, #tpu.memory_space<vmem>>) offsets(%dma_start3A_63 : memref<1000xi32, #tpu.memory_space<vmem>>) semaphore(%arg13 : memref<!tpu.dma_semaphore, #tpu.memory_space<semaphore_mem>>)
    %dma_wait3A_67 = arith.constant 1 : i32
    %dma_wait3A_68 = arith.constant 1 : i32
    %dma_wait3A_69 = arith.constant 0 : i32
    %dma_wait3A_70 = arith.constant 0 : i32
    %dma_wait3A_71 = tpu.memref_slice %arg9[%dma_wait3A_68, %dma_wait3A_69, %dma_wait3A_70] : memref<4x1000x16xf32, #tpu.memory_space<vmem>> -> memref<1x1000x16xf32, #tpu.memory_space<vmem>>
    %dma_wait3A_72 = tpu.memref_squeeze %dma_wait3A_71 : memref<1x1000x16xf32, #tpu.memory_space<vmem>> -> memref<1000x16xf32, #tpu.memory_space<vmem>>
    %dma_wait3A_73 = arith.constant 0 : i32
    %dma_wait3A_74 = tpu.memref_slice %arg7[%dma_wait3A_67, %dma_wait3A_73] : memref<10x1000xi32, #tpu.memory_space<vmem>> -> memref<1x1000xi32, #tpu.memory_space<vmem>>
    %dma_wait3A_75 = tpu.memref_squeeze %dma_wait3A_74 : memref<1x1000xi32, #tpu.memory_space<vmem>> -> memref<1000xi32, #tpu.memory_space<vmem>>
    %dma_wait3A_76 = arith.constant 0 : i32
    %dma_wait3A_77 = arith.constant 0 : i32
    %dma_wait3A_78 = tpu.memref_slice %arg4[%dma_wait3A_76, %dma_wait3A_77] : memref<10000x16xf32, #tpu.memory_space<hbm>> -> memref<10000x16xf32, #tpu.memory_space<hbm>>
    tpu.wait_indirect_dma semaphore(%arg12 : memref<!tpu.dma_semaphore, #tpu.memory_space<semaphore_mem>>) src(%dma_wait3A_78 : memref<10000x16xf32, #tpu.memory_space<hbm>>) dst(%dma_wait3A_72 : memref<1000x16xf32, #tpu.memory_space<vmem>>)
    %dma_start3A_79 = arith.constant 1 : i32
    %dma_start3A_80 = arith.constant 1 : i32
    %dma_start3A_81 = arith.constant 0 : i32
    %dma_start3A_82 = arith.constant 0 : i32
    %dma_start3A_83 = tpu.memref_slice %arg9[%dma_start3A_79, %dma_start3A_81, %dma_start3A_82] : memref<4x1000x16xf32, #tpu.memory_space<vmem>> -> memref<1x1000x16xf32, #tpu.memory_space<vmem>>
    %dma_start3A_84 = tpu.memref_squeeze %dma_start3A_83 : memref<1x1000x16xf32, #tpu.memory_space<vmem>> -> memref<1000x16xf32, #tpu.memory_space<vmem>>
    %dma_start3A_85 = arith.constant 0 : i32
    %dma_start3A_86 = tpu.memref_slice %arg8[%dma_start3A_80, %dma_start3A_85] : memref<10x1000xi32, #tpu.memory_space<vmem>> -> memref<1x1000xi32, #tpu.memory_space<vmem>>
    %dma_start3A_87 = tpu.memref_squeeze %dma_start3A_86 : memref<1x1000xi32, #tpu.memory_space<vmem>> -> memref<1000xi32, #tpu.memory_space<vmem>>
    %dma_start3A_88 = arith.constant 0 : i32
    %dma_start3A_89 = arith.constant 0 : i32
    %dma_start3A_90 = tpu.memref_slice %arg10[%dma_start3A_88, %dma_start3A_89] : memref<10000x16xf32, #tpu.memory_space<vmem_shared>> -> memref<10000x16xf32, #tpu.memory_space<vmem_shared>>
    tpu.enqueue_indirect_dma source(%dma_start3A_84 : memref<1000x16xf32, #tpu.memory_space<vmem>>) target(%dma_start3A_90 : memref<10000x16xf32, #tpu.memory_space<vmem_shared>>) offsets(%dma_start3A_87 : memref<1000xi32, #tpu.memory_space<vmem>>) semaphore(%arg16 : memref<!tpu.dma_semaphore, #tpu.memory_space<semaphore_mem>>) {add = true}
    %dma_start3A_91 = arith.constant 3 : i32
    %dma_start3A_92 = arith.constant 3 : i32
    %dma_start3A_93 = arith.constant 0 : i32
    %dma_start3A_94 = arith.constant 0 : i32
    %dma_start3A_95 = tpu.memref_slice %arg9[%dma_start3A_92, %dma_start3A_93, %dma_start3A_94] : memref<4x1000x16xf32, #tpu.memory_space<vmem>> -> memref<1x1000x16xf32, #tpu.memory_space<vmem>>
    %dma_start3A_96 = tpu.memref_squeeze %dma_start3A_95 : memref<1x1000x16xf32, #tpu.memory_space<vmem>> -> memref<1000x16xf32, #tpu.memory_space<vmem>>
    %dma_start3A_97 = arith.constant 0 : i32
    %dma_start3A_98 = tpu.memref_slice %arg7[%dma_start3A_91, %dma_start3A_97] : memref<10x1000xi32, #tpu.memory_space<vmem>> -> memref<1x1000xi32, #tpu.memory_space<vmem>>
    %dma_start3A_99 = tpu.memref_squeeze %dma_start3A_98 : memref<1x1000xi32, #tpu.memory_space<vmem>> -> memref<1000xi32, #tpu.memory_space<vmem>>
    %dma_start3A_100 = arith.constant 0 : i32
    %dma_start3A_101 = arith.constant 0 : i32
    %dma_start3A_102 = tpu.memref_slice %arg4[%dma_start3A_100, %dma_start3A_101] : memref<10000x16xf32, #tpu.memory_space<hbm>> -> memref<10000x16xf32, #tpu.memory_space<hbm>>
    tpu.enqueue_indirect_dma source(%dma_start3A_102 : memref<10000x16xf32, #tpu.memory_space<hbm>>) target(%dma_start3A_96 : memref<1000x16xf32, #tpu.memory_space<vmem>>) offsets(%dma_start3A_99 : memref<1000xi32, #tpu.memory_space<vmem>>) semaphore(%arg14 : memref<!tpu.dma_semaphore, #tpu.memory_space<semaphore_mem>>)
    %dma_wait3A_103 = arith.constant 2 : i32
    %dma_wait3A_104 = arith.constant 2 : i32
    %dma_wait3A_105 = arith.constant 0 : i32
    %dma_wait3A_106 = arith.constant 0 : i32
    %dma_wait3A_107 = tpu.memref_slice %arg9[%dma_wait3A_104, %dma_wait3A_105, %dma_wait3A_106] : memref<4x1000x16xf32, #tpu.memory_space<vmem>> -> memref<1x1000x16xf32, #tpu.memory_space<vmem>>
    %dma_wait3A_108 = tpu.memref_squeeze %dma_wait3A_107 : memref<1x1000x16xf32, #tpu.memory_space<vmem>> -> memref<1000x16xf32, #tpu.memory_space<vmem>>
    %dma_wait3A_109 = arith.constant 0 : i32
    %dma_wait3A_110 = tpu.memref_slice %arg7[%dma_wait3A_103, %dma_wait3A_109] : memref<10x1000xi32, #tpu.memory_space<vmem>> -> memref<1x1000xi32, #tpu.memory_space<vmem>>
    %dma_wait3A_111 = tpu.memref_squeeze %dma_wait3A_110 : memref<1x1000xi32, #tpu.memory_space<vmem>> -> memref<1000xi32, #tpu.memory_space<vmem>>
    %dma_wait3A_112 = arith.constant 0 : i32
    %dma_wait3A_113 = arith.constant 0 : i32
    %dma_wait3A_114 = tpu.memref_slice %arg4[%dma_wait3A_112, %dma_wait3A_113] : memref<10000x16xf32, #tpu.memory_space<hbm>> -> memref<10000x16xf32, #tpu.memory_space<hbm>>
    tpu.wait_indirect_dma semaphore(%arg13 : memref<!tpu.dma_semaphore, #tpu.memory_space<semaphore_mem>>) src(%dma_wait3A_114 : memref<10000x16xf32, #tpu.memory_space<hbm>>) dst(%dma_wait3A_108 : memref<1000x16xf32, #tpu.memory_space<vmem>>)
    %dma_start3A_115 = arith.constant 2 : i32
    %dma_start3A_116 = arith.constant 2 : i32
    %dma_start3A_117 = arith.constant 0 : i32
    %dma_start3A_118 = arith.constant 0 : i32
    %dma_start3A_119 = tpu.memref_slice %arg9[%dma_start3A_115, %dma_start3A_117, %dma_start3A_118] : memref<4x1000x16xf32, #tpu.memory_space<vmem>> -> memref<1x1000x16xf32, #tpu.memory_space<vmem>>
    %dma_start3A_120 = tpu.memref_squeeze %dma_start3A_119 : memref<1x1000x16xf32, #tpu.memory_space<vmem>> -> memref<1000x16xf32, #tpu.memory_space<vmem>>
    %dma_start3A_121 = arith.constant 0 : i32
    %dma_start3A_122 = tpu.memref_slice %arg8[%dma_start3A_116, %dma_start3A_121] : memref<10x1000xi32, #tpu.memory_space<vmem>> -> memref<1x1000xi32, #tpu.memory_space<vmem>>
    %dma_start3A_123 = tpu.memref_squeeze %dma_start3A_122 : memref<1x1000xi32, #tpu.memory_space<vmem>> -> memref<1000xi32, #tpu.memory_space<vmem>>
    %dma_start3A_124 = arith.constant 0 : i32
    %dma_start3A_125 = arith.constant 0 : i32
    %dma_start3A_126 = tpu.memref_slice %arg10[%dma_start3A_124, %dma_start3A_125] : memref<10000x16xf32, #tpu.memory_space<vmem_shared>> -> memref<10000x16xf32, #tpu.memory_space<vmem_shared>>
    tpu.enqueue_indirect_dma source(%dma_start3A_120 : memref<1000x16xf32, #tpu.memory_space<vmem>>) target(%dma_start3A_126 : memref<10000x16xf32, #tpu.memory_space<vmem_shared>>) offsets(%dma_start3A_123 : memref<1000xi32, #tpu.memory_space<vmem>>) semaphore(%arg17 : memref<!tpu.dma_semaphore, #tpu.memory_space<semaphore_mem>>) {add = true}
    %dma_wait3A_127 = arith.constant 0 : i32
    %dma_wait3A_128 = arith.constant 0 : i32
    %dma_wait3A_129 = arith.constant 0 : i32
    %dma_wait3A_130 = arith.constant 0 : i32
    %dma_wait3A_131 = tpu.memref_slice %arg9[%dma_wait3A_127, %dma_wait3A_129, %dma_wait3A_130] : memref<4x1000x16xf32, #tpu.memory_space<vmem>> -> memref<1x1000x16xf32, #tpu.memory_space<vmem>>
    %dma_wait3A_132 = tpu.memref_squeeze %dma_wait3A_131 : memref<1x1000x16xf32, #tpu.memory_space<vmem>> -> memref<1000x16xf32, #tpu.memory_space<vmem>>
    %dma_wait3A_133 = arith.constant 0 : i32
    %dma_wait3A_134 = tpu.memref_slice %arg8[%dma_wait3A_128, %dma_wait3A_133] : memref<10x1000xi32, #tpu.memory_space<vmem>> -> memref<1x1000xi32, #tpu.memory_space<vmem>>
    %dma_wait3A_135 = tpu.memref_squeeze %dma_wait3A_134 : memref<1x1000xi32, #tpu.memory_space<vmem>> -> memref<1000xi32, #tpu.memory_space<vmem>>
    %dma_wait3A_136 = arith.constant 0 : i32
    %dma_wait3A_137 = arith.constant 0 : i32
    %dma_wait3A_138 = tpu.memref_slice %arg10[%dma_wait3A_136, %dma_wait3A_137] : memref<10000x16xf32, #tpu.memory_space<vmem_shared>> -> memref<10000x16xf32, #tpu.memory_space<vmem_shared>>
    tpu.wait_indirect_dma semaphore(%arg15 : memref<!tpu.dma_semaphore, #tpu.memory_space<semaphore_mem>>) src(%dma_wait3A_132 : memref<1000x16xf32, #tpu.memory_space<vmem>>) dst(%dma_wait3A_138 : memref<10000x16xf32, #tpu.memory_space<vmem_shared>>)
    %dma_start3A_139 = arith.constant 4 : i32
    %dma_start3A_140 = arith.constant 0 : i32
    %dma_start3A_141 = arith.constant 0 : i32
    %dma_start3A_142 = arith.constant 0 : i32
    %dma_start3A_143 = tpu.memref_slice %arg9[%dma_start3A_140, %dma_start3A_141, %dma_start3A_142] : memref<4x1000x16xf32, #tpu.memory_space<vmem>> -> memref<1x1000x16xf32, #tpu.memory_space<vmem>>
    %dma_start3A_144 = tpu.memref_squeeze %dma_start3A_143 : memref<1x1000x16xf32, #tpu.memory_space<vmem>> -> memref<1000x16xf32, #tpu.memory_space<vmem>>
    %dma_start3A_145 = arith.constant 0 : i32
    %dma_start3A_146 = tpu.memref_slice %arg7[%dma_start3A_139, %dma_start3A_145] : memref<10x1000xi32, #tpu.memory_space<vmem>> -> memref<1x1000xi32, #tpu.memory_space<vmem>>
    %dma_start3A_147 = tpu.memref_squeeze %dma_start3A_146 : memref<1x1000xi32, #tpu.memory_space<vmem>> -> memref<1000xi32, #tpu.memory_space<vmem>>
    %dma_start3A_148 = arith.constant 0 : i32
    %dma_start3A_149 = arith.constant 0 : i32
    %dma_start3A_150 = tpu.memref_slice %arg4[%dma_start3A_148, %dma_start3A_149] : memref<10000x16xf32, #tpu.memory_space<hbm>> -> memref<10000x16xf32, #tpu.memory_space<hbm>>
    tpu.enqueue_indirect_dma source(%dma_start3A_150 : memref<10000x16xf32, #tpu.memory_space<hbm>>) target(%dma_start3A_144 : memref<1000x16xf32, #tpu.memory_space<vmem>>) offsets(%dma_start3A_147 : memref<1000xi32, #tpu.memory_space<vmem>>) semaphore(%arg11 : memref<!tpu.dma_semaphore, #tpu.memory_space<semaphore_mem>>)
    %dma_wait3A_151 = arith.constant 3 : i32
    %dma_wait3A_152 = arith.constant 3 : i32
    %dma_wait3A_153 = arith.constant 0 : i32
    %dma_wait3A_154 = arith.constant 0 : i32
    %dma_wait3A_155 = tpu.memref_slice %arg9[%dma_wait3A_152, %dma_wait3A_153, %dma_wait3A_154] : memref<4x1000x16xf32, #tpu.memory_space<vmem>> -> memref<1x1000x16xf32, #tpu.memory_space<vmem>>
    %dma_wait3A_156 = tpu.memref_squeeze %dma_wait3A_155 : memref<1x1000x16xf32, #tpu.memory_space<vmem>> -> memref<1000x16xf32, #tpu.memory_space<vmem>>
    %dma_wait3A_157 = arith.constant 0 : i32
    %dma_wait3A_158 = tpu.memref_slice %arg7[%dma_wait3A_151, %dma_wait3A_157] : memref<10x1000xi32, #tpu.memory_space<vmem>> -> memref<1x1000xi32, #tpu.memory_space<vmem>>
    %dma_wait3A_159 = tpu.memref_squeeze %dma_wait3A_158 : memref<1x1000xi32, #tpu.memory_space<vmem>> -> memref<1000xi32, #tpu.memory_space<vmem>>
    %dma_wait3A_160 = arith.constant 0 : i32
    %dma_wait3A_161 = arith.constant 0 : i32
    %dma_wait3A_162 = tpu.memref_slice %arg4[%dma_wait3A_160, %dma_wait3A_161] : memref<10000x16xf32, #tpu.memory_space<hbm>> -> memref<10000x16xf32, #tpu.memory_space<hbm>>
    tpu.wait_indirect_dma semaphore(%arg14 : memref<!tpu.dma_semaphore, #tpu.memory_space<semaphore_mem>>) src(%dma_wait3A_162 : memref<10000x16xf32, #tpu.memory_space<hbm>>) dst(%dma_wait3A_156 : memref<1000x16xf32, #tpu.memory_space<vmem>>)
    %dma_start3A_163 = arith.constant 3 : i32
    %dma_start3A_164 = arith.constant 3 : i32
    %dma_start3A_165 = arith.constant 0 : i32
    %dma_start3A_166 = arith.constant 0 : i32
    %dma_start3A_167 = tpu.memref_slice %arg9[%dma_start3A_163, %dma_start3A_165, %dma_start3A_166] : memref<4x1000x16xf32, #tpu.memory_space<vmem>> -> memref<1x1000x16xf32, #tpu.memory_space<vmem>>
    %dma_start3A_168 = tpu.memref_squeeze %dma_start3A_167 : memref<1x1000x16xf32, #tpu.memory_space<vmem>> -> memref<1000x16xf32, #tpu.memory_space<vmem>>
    %dma_start3A_169 = arith.constant 0 : i32
    %dma_start3A_170 = tpu.memref_slice %arg8[%dma_start3A_164, %dma_start3A_169] : memref<10x1000xi32, #tpu.memory_space<vmem>> -> memref<1x1000xi32, #tpu.memory_space<vmem>>
    %dma_start3A_171 = tpu.memref_squeeze %dma_start3A_170 : memref<1x1000xi32, #tpu.memory_space<vmem>> -> memref<1000xi32, #tpu.memory_space<vmem>>
    %dma_start3A_172 = arith.constant 0 : i32
    %dma_start3A_173 = arith.constant 0 : i32
    %dma_start3A_174 = tpu.memref_slice %arg10[%dma_start3A_172, %dma_start3A_173] : memref<10000x16xf32, #tpu.memory_space<vmem_shared>> -> memref<10000x16xf32, #tpu.memory_space<vmem_shared>>
    tpu.enqueue_indirect_dma source(%dma_start3A_168 : memref<1000x16xf32, #tpu.memory_space<vmem>>) target(%dma_start3A_174 : memref<10000x16xf32, #tpu.memory_space<vmem_shared>>) offsets(%dma_start3A_171 : memref<1000xi32, #tpu.memory_space<vmem>>) semaphore(%arg18 : memref<!tpu.dma_semaphore, #tpu.memory_space<semaphore_mem>>) {add = true}
    %dma_wait3A_175 = arith.constant 1 : i32
    %dma_wait3A_176 = arith.constant 1 : i32
    %dma_wait3A_177 = arith.constant 0 : i32
    %dma_wait3A_178 = arith.constant 0 : i32
    %dma_wait3A_179 = tpu.memref_slice %arg9[%dma_wait3A_175, %dma_wait3A_177, %dma_wait3A_178] : memref<4x1000x16xf32, #tpu.memory_space<vmem>> -> memref<1x1000x16xf32, #tpu.memory_space<vmem>>
    %dma_wait3A_180 = tpu.memref_squeeze %dma_wait3A_179 : memref<1x1000x16xf32, #tpu.memory_space<vmem>> -> memref<1000x16xf32, #tpu.memory_space<vmem>>
    %dma_wait3A_181 = arith.constant 0 : i32
    %dma_wait3A_182 = tpu.memref_slice %arg8[%dma_wait3A_176, %dma_wait3A_181] : memref<10x1000xi32, #tpu.memory_space<vmem>> -> memref<1x1000xi32, #tpu.memory_space<vmem>>
    %dma_wait3A_183 = tpu.memref_squeeze %dma_wait3A_182 : memref<1x1000xi32, #tpu.memory_space<vmem>> -> memref<1000xi32, #tpu.memory_space<vmem>>
    %dma_wait3A_184 = arith.constant 0 : i32
    %dma_wait3A_185 = arith.constant 0 : i32
    %dma_wait3A_186 = tpu.memref_slice %arg10[%dma_wait3A_184, %dma_wait3A_185] : memref<10000x16xf32, #tpu.memory_space<vmem_shared>> -> memref<10000x16xf32, #tpu.memory_space<vmem_shared>>
    tpu.wait_indirect_dma semaphore(%arg16 : memref<!tpu.dma_semaphore, #tpu.memory_space<semaphore_mem>>) src(%dma_wait3A_180 : memref<1000x16xf32, #tpu.memory_space<vmem>>) dst(%dma_wait3A_186 : memref<10000x16xf32, #tpu.memory_space<vmem_shared>>)
    %dma_start3A_187 = arith.constant 5 : i32
    %dma_start3A_188 = arith.constant 1 : i32
    %dma_start3A_189 = arith.constant 0 : i32
    %dma_start3A_190 = arith.constant 0 : i32
    %dma_start3A_191 = tpu.memref_slice %arg9[%dma_start3A_188, %dma_start3A_189, %dma_start3A_190] : memref<4x1000x16xf32, #tpu.memory_space<vmem>> -> memref<1x1000x16xf32, #tpu.memory_space<vmem>>
    %dma_start3A_192 = tpu.memref_squeeze %dma_start3A_191 : memref<1x1000x16xf32, #tpu.memory_space<vmem>> -> memref<1000x16xf32, #tpu.memory_space<vmem>>
    %dma_start3A_193 = arith.constant 0 : i32
    %dma_start3A_194 = tpu.memref_slice %arg7[%dma_start3A_187, %dma_start3A_193] : memref<10x1000xi32, #tpu.memory_space<vmem>> -> memref<1x1000xi32, #tpu.memory_space<vmem>>
    %dma_start3A_195 = tpu.memref_squeeze %dma_start3A_194 : memref<1x1000xi32, #tpu.memory_space<vmem>> -> memref<1000xi32, #tpu.memory_space<vmem>>
    %dma_start3A_196 = arith.constant 0 : i32
    %dma_start3A_197 = arith.constant 0 : i32
    %dma_start3A_198 = tpu.memref_slice %arg4[%dma_start3A_196, %dma_start3A_197] : memref<10000x16xf32, #tpu.memory_space<hbm>> -> memref<10000x16xf32, #tpu.memory_space<hbm>>
    tpu.enqueue_indirect_dma source(%dma_start3A_198 : memref<10000x16xf32, #tpu.memory_space<hbm>>) target(%dma_start3A_192 : memref<1000x16xf32, #tpu.memory_space<vmem>>) offsets(%dma_start3A_195 : memref<1000xi32, #tpu.memory_space<vmem>>) semaphore(%arg12 : memref<!tpu.dma_semaphore, #tpu.memory_space<semaphore_mem>>)
    %dma_wait3A_199 = arith.constant 4 : i32
    %dma_wait3A_200 = arith.constant 0 : i32
    %dma_wait3A_201 = arith.constant 0 : i32
    %dma_wait3A_202 = arith.constant 0 : i32
    %dma_wait3A_203 = tpu.memref_slice %arg9[%dma_wait3A_200, %dma_wait3A_201, %dma_wait3A_202] : memref<4x1000x16xf32, #tpu.memory_space<vmem>> -> memref<1x1000x16xf32, #tpu.memory_space<vmem>>
    %dma_wait3A_204 = tpu.memref_squeeze %dma_wait3A_203 : memref<1x1000x16xf32, #tpu.memory_space<vmem>> -> memref<1000x16xf32, #tpu.memory_space<vmem>>
    %dma_wait3A_205 = arith.constant 0 : i32
    %dma_wait3A_206 = tpu.memref_slice %arg7[%dma_wait3A_199, %dma_wait3A_205] : memref<10x1000xi32, #tpu.memory_space<vmem>> -> memref<1x1000xi32, #tpu.memory_space<vmem>>
    %dma_wait3A_207 = tpu.memref_squeeze %dma_wait3A_206 : memref<1x1000xi32, #tpu.memory_space<vmem>> -> memref<1000xi32, #tpu.memory_space<vmem>>
    %dma_wait3A_208 = arith.constant 0 : i32
    %dma_wait3A_209 = arith.constant 0 : i32
    %dma_wait3A_210 = tpu.memref_slice %arg4[%dma_wait3A_208, %dma_wait3A_209] : memref<10000x16xf32, #tpu.memory_space<hbm>> -> memref<10000x16xf32, #tpu.memory_space<hbm>>
    tpu.wait_indirect_dma semaphore(%arg11 : memref<!tpu.dma_semaphore, #tpu.memory_space<semaphore_mem>>) src(%dma_wait3A_210 : memref<10000x16xf32, #tpu.memory_space<hbm>>) dst(%dma_wait3A_204 : memref<1000x16xf32, #tpu.memory_space<vmem>>)
    %dma_start3A_211 = arith.constant 0 : i32
    %dma_start3A_212 = arith.constant 4 : i32
    %dma_start3A_213 = arith.constant 0 : i32
    %dma_start3A_214 = arith.constant 0 : i32
    %dma_start3A_215 = tpu.memref_slice %arg9[%dma_start3A_211, %dma_start3A_213, %dma_start3A_214] : memref<4x1000x16xf32, #tpu.memory_space<vmem>> -> memref<1x1000x16xf32, #tpu.memory_space<vmem>>
    %dma_start3A_216 = tpu.memref_squeeze %dma_start3A_215 : memref<1x1000x16xf32, #tpu.memory_space<vmem>> -> memref<1000x16xf32, #tpu.memory_space<vmem>>
    %dma_start3A_217 = arith.constant 0 : i32
    %dma_start3A_218 = tpu.memref_slice %arg8[%dma_start3A_212, %dma_start3A_217] : memref<10x1000xi32, #tpu.memory_space<vmem>> -> memref<1x1000xi32, #tpu.memory_space<vmem>>
    %dma_start3A_219 = tpu.memref_squeeze %dma_start3A_218 : memref<1x1000xi32, #tpu.memory_space<vmem>> -> memref<1000xi32, #tpu.memory_space<vmem>>
    %dma_start3A_220 = arith.constant 0 : i32
    %dma_start3A_221 = arith.constant 0 : i32
    %dma_start3A_222 = tpu.memref_slice %arg10[%dma_start3A_220, %dma_start3A_221] : memref<10000x16xf32, #tpu.memory_space<vmem_shared>> -> memref<10000x16xf32, #tpu.memory_space<vmem_shared>>
    tpu.enqueue_indirect_dma source(%dma_start3A_216 : memref<1000x16xf32, #tpu.memory_space<vmem>>) target(%dma_start3A_222 : memref<10000x16xf32, #tpu.memory_space<vmem_shared>>) offsets(%dma_start3A_219 : memref<1000xi32, #tpu.memory_space<vmem>>) semaphore(%arg15 : memref<!tpu.dma_semaphore, #tpu.memory_space<semaphore_mem>>) {add = true}
    %dma_wait3A_223 = arith.constant 2 : i32
    %dma_wait3A_224 = arith.constant 2 : i32
    %dma_wait3A_225 = arith.constant 0 : i32
    %dma_wait3A_226 = arith.constant 0 : i32
    %dma_wait3A_227 = tpu.memref_slice %arg9[%dma_wait3A_223, %dma_wait3A_225, %dma_wait3A_226] : memref<4x1000x16xf32, #tpu.memory_space<vmem>> -> memref<1x1000x16xf32, #tpu.memory_space<vmem>>
    %dma_wait3A_228 = tpu.memref_squeeze %dma_wait3A_227 : memref<1x1000x16xf32, #tpu.memory_space<vmem>> -> memref<1000x16xf32, #tpu.memory_space<vmem>>
    %dma_wait3A_229 = arith.constant 0 : i32
    %dma_wait3A_230 = tpu.memref_slice %arg8[%dma_wait3A_224, %dma_wait3A_229] : memref<10x1000xi32, #tpu.memory_space<vmem>> -> memref<1x1000xi32, #tpu.memory_space<vmem>>
    %dma_wait3A_231 = tpu.memref_squeeze %dma_wait3A_230 : memref<1x1000xi32, #tpu.memory_space<vmem>> -> memref<1000xi32, #tpu.memory_space<vmem>>
    %dma_wait3A_232 = arith.constant 0 : i32
    %dma_wait3A_233 = arith.constant 0 : i32
    %dma_wait3A_234 = tpu.memref_slice %arg10[%dma_wait3A_232, %dma_wait3A_233] : memref<10000x16xf32, #tpu.memory_space<vmem_shared>> -> memref<10000x16xf32, #tpu.memory_space<vmem_shared>>
    tpu.wait_indirect_dma semaphore(%arg17 : memref<!tpu.dma_semaphore, #tpu.memory_space<semaphore_mem>>) src(%dma_wait3A_228 : memref<1000x16xf32, #tpu.memory_space<vmem>>) dst(%dma_wait3A_234 : memref<10000x16xf32, #tpu.memory_space<vmem_shared>>)
    %dma_start3A_235 = arith.constant 6 : i32
    %dma_start3A_236 = arith.constant 2 : i32
    %dma_start3A_237 = arith.constant 0 : i32
    %dma_start3A_238 = arith.constant 0 : i32
    %dma_start3A_239 = tpu.memref_slice %arg9[%dma_start3A_236, %dma_start3A_237, %dma_start3A_238] : memref<4x1000x16xf32, #tpu.memory_space<vmem>> -> memref<1x1000x16xf32, #tpu.memory_space<vmem>>
    %dma_start3A_240 = tpu.memref_squeeze %dma_start3A_239 : memref<1x1000x16xf32, #tpu.memory_space<vmem>> -> memref<1000x16xf32, #tpu.memory_space<vmem>>
    %dma_start3A_241 = arith.constant 0 : i32
    %dma_start3A_242 = tpu.memref_slice %arg7[%dma_start3A_235, %dma_start3A_241] : memref<10x1000xi32, #tpu.memory_space<vmem>> -> memref<1x1000xi32, #tpu.memory_space<vmem>>
    %dma_start3A_243 = tpu.memref_squeeze %dma_start3A_242 : memref<1x1000xi32, #tpu.memory_space<vmem>> -> memref<1000xi32, #tpu.memory_space<vmem>>
    %dma_start3A_244 = arith.constant 0 : i32
    %dma_start3A_245 = arith.constant 0 : i32
    %dma_start3A_246 = tpu.memref_slice %arg4[%dma_start3A_244, %dma_start3A_245] : memref<10000x16xf32, #tpu.memory_space<hbm>> -> memref<10000x16xf32, #tpu.memory_space<hbm>>
    tpu.enqueue_indirect_dma source(%dma_start3A_246 : memref<10000x16xf32, #tpu.memory_space<hbm>>) target(%dma_start3A_240 : memref<1000x16xf32, #tpu.memory_space<vmem>>) offsets(%dma_start3A_243 : memref<1000xi32, #tpu.memory_space<vmem>>) semaphore(%arg13 : memref<!tpu.dma_semaphore, #tpu.memory_space<semaphore_mem>>)
    %dma_wait3A_247 = arith.constant 5 : i32
    %dma_wait3A_248 = arith.constant 1 : i32
    %dma_wait3A_249 = arith.constant 0 : i32
    %dma_wait3A_250 = arith.constant 0 : i32
    %dma_wait3A_251 = tpu.memref_slice %arg9[%dma_wait3A_248, %dma_wait3A_249, %dma_wait3A_250] : memref<4x1000x16xf32, #tpu.memory_space<vmem>> -> memref<1x1000x16xf32, #tpu.memory_space<vmem>>
    %dma_wait3A_252 = tpu.memref_squeeze %dma_wait3A_251 : memref<1x1000x16xf32, #tpu.memory_space<vmem>> -> memref<1000x16xf32, #tpu.memory_space<vmem>>
    %dma_wait3A_253 = arith.constant 0 : i32
    %dma_wait3A_254 = tpu.memref_slice %arg7[%dma_wait3A_247, %dma_wait3A_253] : memref<10x1000xi32, #tpu.memory_space<vmem>> -> memref<1x1000xi32, #tpu.memory_space<vmem>>
    %dma_wait3A_255 = tpu.memref_squeeze %dma_wait3A_254 : memref<1x1000xi32, #tpu.memory_space<vmem>> -> memref<1000xi32, #tpu.memory_space<vmem>>
    %dma_wait3A_256 = arith.constant 0 : i32
    %dma_wait3A_257 = arith.constant 0 : i32
    %dma_wait3A_258 = tpu.memref_slice %arg4[%dma_wait3A_256, %dma_wait3A_257] : memref<10000x16xf32, #tpu.memory_space<hbm>> -> memref<10000x16xf32, #tpu.memory_space<hbm>>
    tpu.wait_indirect_dma semaphore(%arg12 : memref<!tpu.dma_semaphore, #tpu.memory_space<semaphore_mem>>) src(%dma_wait3A_258 : memref<10000x16xf32, #tpu.memory_space<hbm>>) dst(%dma_wait3A_252 : memref<1000x16xf32, #tpu.memory_space<vmem>>)
    %dma_start3A_259 = arith.constant 1 : i32
    %dma_start3A_260 = arith.constant 5 : i32
    %dma_start3A_261 = arith.constant 0 : i32
    %dma_start3A_262 = arith.constant 0 : i32
    %dma_start3A_263 = tpu.memref_slice %arg9[%dma_start3A_259, %dma_start3A_261, %dma_start3A_262] : memref<4x1000x16xf32, #tpu.memory_space<vmem>> -> memref<1x1000x16xf32, #tpu.memory_space<vmem>>
    %dma_start3A_264 = tpu.memref_squeeze %dma_start3A_263 : memref<1x1000x16xf32, #tpu.memory_space<vmem>> -> memref<1000x16xf32, #tpu.memory_space<vmem>>
    %dma_start3A_265 = arith.constant 0 : i32
    %dma_start3A_266 = tpu.memref_slice %arg8[%dma_start3A_260, %dma_start3A_265] : memref<10x1000xi32, #tpu.memory_space<vmem>> -> memref<1x1000xi32, #tpu.memory_space<vmem>>
    %dma_start3A_267 = tpu.memref_squeeze %dma_start3A_266 : memref<1x1000xi32, #tpu.memory_space<vmem>> -> memref<1000xi32, #tpu.memory_space<vmem>>
    %dma_start3A_268 = arith.constant 0 : i32
    %dma_start3A_269 = arith.constant 0 : i32
    %dma_start3A_270 = tpu.memref_slice %arg10[%dma_start3A_268, %dma_start3A_269] : memref<10000x16xf32, #tpu.memory_space<vmem_shared>> -> memref<10000x16xf32, #tpu.memory_space<vmem_shared>>
    tpu.enqueue_indirect_dma source(%dma_start3A_264 : memref<1000x16xf32, #tpu.memory_space<vmem>>) target(%dma_start3A_270 : memref<10000x16xf32, #tpu.memory_space<vmem_shared>>) offsets(%dma_start3A_267 : memref<1000xi32, #tpu.memory_space<vmem>>) semaphore(%arg16 : memref<!tpu.dma_semaphore, #tpu.memory_space<semaphore_mem>>) {add = true}
    %dma_wait3A_271 = arith.constant 3 : i32
    %dma_wait3A_272 = arith.constant 3 : i32
    %dma_wait3A_273 = arith.constant 0 : i32
    %dma_wait3A_274 = arith.constant 0 : i32
    %dma_wait3A_275 = tpu.memref_slice %arg9[%dma_wait3A_271, %dma_wait3A_273, %dma_wait3A_274] : memref<4x1000x16xf32, #tpu.memory_space<vmem>> -> memref<1x1000x16xf32, #tpu.memory_space<vmem>>
    %dma_wait3A_276 = tpu.memref_squeeze %dma_wait3A_275 : memref<1x1000x16xf32, #tpu.memory_space<vmem>> -> memref<1000x16xf32, #tpu.memory_space<vmem>>
    %dma_wait3A_277 = arith.constant 0 : i32
    %dma_wait3A_278 = tpu.memref_slice %arg8[%dma_wait3A_272, %dma_wait3A_277] : memref<10x1000xi32, #tpu.memory_space<vmem>> -> memref<1x1000xi32, #tpu.memory_space<vmem>>
    %dma_wait3A_279 = tpu.memref_squeeze %dma_wait3A_278 : memref<1x1000xi32, #tpu.memory_space<vmem>> -> memref<1000xi32, #tpu.memory_space<vmem>>
    %dma_wait3A_280 = arith.constant 0 : i32
    %dma_wait3A_281 = arith.constant 0 : i32
    %dma_wait3A_282 = tpu.memref_slice %arg10[%dma_wait3A_280, %dma_wait3A_281] : memref<10000x16xf32, #tpu.memory_space<vmem_shared>> -> memref<10000x16xf32, #tpu.memory_space<vmem_shared>>
    tpu.wait_indirect_dma semaphore(%arg18 : memref<!tpu.dma_semaphore, #tpu.memory_space<semaphore_mem>>) src(%dma_wait3A_276 : memref<1000x16xf32, #tpu.memory_space<vmem>>) dst(%dma_wait3A_282 : memref<10000x16xf32, #tpu.memory_space<vmem_shared>>)
    %dma_start3A_283 = arith.constant 7 : i32
    %dma_start3A_284 = arith.constant 3 : i32
    %dma_start3A_285 = arith.constant 0 : i32
    %dma_start3A_286 = arith.constant 0 : i32
    %dma_start3A_287 = tpu.memref_slice %arg9[%dma_start3A_284, %dma_start3A_285, %dma_start3A_286] : memref<4x1000x16xf32, #tpu.memory_space<vmem>> -> memref<1x1000x16xf32, #tpu.memory_space<vmem>>
    %dma_start3A_288 = tpu.memref_squeeze %dma_start3A_287 : memref<1x1000x16xf32, #tpu.memory_space<vmem>> -> memref<1000x16xf32, #tpu.memory_space<vmem>>
    %dma_start3A_289 = arith.constant 0 : i32
    %dma_start3A_290 = tpu.memref_slice %arg7[%dma_start3A_283, %dma_start3A_289] : memref<10x1000xi32, #tpu.memory_space<vmem>> -> memref<1x1000xi32, #tpu.memory_space<vmem>>
    %dma_start3A_291 = tpu.memref_squeeze %dma_start3A_290 : memref<1x1000xi32, #tpu.memory_space<vmem>> -> memref<1000xi32, #tpu.memory_space<vmem>>
    %dma_start3A_292 = arith.constant 0 : i32
    %dma_start3A_293 = arith.constant 0 : i32
    %dma_start3A_294 = tpu.memref_slice %arg4[%dma_start3A_292, %dma_start3A_293] : memref<10000x16xf32, #tpu.memory_space<hbm>> -> memref<10000x16xf32, #tpu.memory_space<hbm>>
    tpu.enqueue_indirect_dma source(%dma_start3A_294 : memref<10000x16xf32, #tpu.memory_space<hbm>>) target(%dma_start3A_288 : memref<1000x16xf32, #tpu.memory_space<vmem>>) offsets(%dma_start3A_291 : memref<1000xi32, #tpu.memory_space<vmem>>) semaphore(%arg14 : memref<!tpu.dma_semaphore, #tpu.memory_space<semaphore_mem>>)
    %dma_wait3A_295 = arith.constant 6 : i32
    %dma_wait3A_296 = arith.constant 2 : i32
    %dma_wait3A_297 = arith.constant 0 : i32
    %dma_wait3A_298 = arith.constant 0 : i32
    %dma_wait3A_299 = tpu.memref_slice %arg9[%dma_wait3A_296, %dma_wait3A_297, %dma_wait3A_298] : memref<4x1000x16xf32, #tpu.memory_space<vmem>> -> memref<1x1000x16xf32, #tpu.memory_space<vmem>>
    %dma_wait3A_300 = tpu.memref_squeeze %dma_wait3A_299 : memref<1x1000x16xf32, #tpu.memory_space<vmem>> -> memref<1000x16xf32, #tpu.memory_space<vmem>>
    %dma_wait3A_301 = arith.constant 0 : i32
    %dma_wait3A_302 = tpu.memref_slice %arg7[%dma_wait3A_295, %dma_wait3A_301] : memref<10x1000xi32, #tpu.memory_space<vmem>> -> memref<1x1000xi32, #tpu.memory_space<vmem>>
    %dma_wait3A_303 = tpu.memref_squeeze %dma_wait3A_302 : memref<1x1000xi32, #tpu.memory_space<vmem>> -> memref<1000xi32, #tpu.memory_space<vmem>>
    %dma_wait3A_304 = arith.constant 0 : i32
    %dma_wait3A_305 = arith.constant 0 : i32
    %dma_wait3A_306 = tpu.memref_slice %arg4[%dma_wait3A_304, %dma_wait3A_305] : memref<10000x16xf32, #tpu.memory_space<hbm>> -> memref<10000x16xf32, #tpu.memory_space<hbm>>
    tpu.wait_indirect_dma semaphore(%arg13 : memref<!tpu.dma_semaphore, #tpu.memory_space<semaphore_mem>>) src(%dma_wait3A_306 : memref<10000x16xf32, #tpu.memory_space<hbm>>) dst(%dma_wait3A_300 : memref<1000x16xf32, #tpu.memory_space<vmem>>)
    %dma_start3A_307 = arith.constant 2 : i32
    %dma_start3A_308 = arith.constant 6 : i32
    %dma_start3A_309 = arith.constant 0 : i32
    %dma_start3A_310 = arith.constant 0 : i32
    %dma_start3A_311 = tpu.memref_slice %arg9[%dma_start3A_307, %dma_start3A_309, %dma_start3A_310] : memref<4x1000x16xf32, #tpu.memory_space<vmem>> -> memref<1x1000x16xf32, #tpu.memory_space<vmem>>
    %dma_start3A_312 = tpu.memref_squeeze %dma_start3A_311 : memref<1x1000x16xf32, #tpu.memory_space<vmem>> -> memref<1000x16xf32, #tpu.memory_space<vmem>>
    %dma_start3A_313 = arith.constant 0 : i32
    %dma_start3A_314 = tpu.memref_slice %arg8[%dma_start3A_308, %dma_start3A_313] : memref<10x1000xi32, #tpu.memory_space<vmem>> -> memref<1x1000xi32, #tpu.memory_space<vmem>>
    %dma_start3A_315 = tpu.memref_squeeze %dma_start3A_314 : memref<1x1000xi32, #tpu.memory_space<vmem>> -> memref<1000xi32, #tpu.memory_space<vmem>>
    %dma_start3A_316 = arith.constant 0 : i32
    %dma_start3A_317 = arith.constant 0 : i32
    %dma_start3A_318 = tpu.memref_slice %arg10[%dma_start3A_316, %dma_start3A_317] : memref<10000x16xf32, #tpu.memory_space<vmem_shared>> -> memref<10000x16xf32, #tpu.memory_space<vmem_shared>>
    tpu.enqueue_indirect_dma source(%dma_start3A_312 : memref<1000x16xf32, #tpu.memory_space<vmem>>) target(%dma_start3A_318 : memref<10000x16xf32, #tpu.memory_space<vmem_shared>>) offsets(%dma_start3A_315 : memref<1000xi32, #tpu.memory_space<vmem>>) semaphore(%arg17 : memref<!tpu.dma_semaphore, #tpu.memory_space<semaphore_mem>>) {add = true}
    %dma_wait3A_319 = arith.constant 0 : i32
    %dma_wait3A_320 = arith.constant 4 : i32
    %dma_wait3A_321 = arith.constant 0 : i32
    %dma_wait3A_322 = arith.constant 0 : i32
    %dma_wait3A_323 = tpu.memref_slice %arg9[%dma_wait3A_319, %dma_wait3A_321, %dma_wait3A_322] : memref<4x1000x16xf32, #tpu.memory_space<vmem>> -> memref<1x1000x16xf32, #tpu.memory_space<vmem>>
    %dma_wait3A_324 = tpu.memref_squeeze %dma_wait3A_323 : memref<1x1000x16xf32, #tpu.memory_space<vmem>> -> memref<1000x16xf32, #tpu.memory_space<vmem>>
    %dma_wait3A_325 = arith.constant 0 : i32
    %dma_wait3A_326 = tpu.memref_slice %arg8[%dma_wait3A_320, %dma_wait3A_325] : memref<10x1000xi32, #tpu.memory_space<vmem>> -> memref<1x1000xi32, #tpu.memory_space<vmem>>
    %dma_wait3A_327 = tpu.memref_squeeze %dma_wait3A_326 : memref<1x1000xi32, #tpu.memory_space<vmem>> -> memref<1000xi32, #tpu.memory_space<vmem>>
    %dma_wait3A_328 = arith.constant 0 : i32
    %dma_wait3A_329 = arith.constant 0 : i32
    %dma_wait3A_330 = tpu.memref_slice %arg10[%dma_wait3A_328, %dma_wait3A_329] : memref<10000x16xf32, #tpu.memory_space<vmem_shared>> -> memref<10000x16xf32, #tpu.memory_space<vmem_shared>>
    tpu.wait_indirect_dma semaphore(%arg15 : memref<!tpu.dma_semaphore, #tpu.memory_space<semaphore_mem>>) src(%dma_wait3A_324 : memref<1000x16xf32, #tpu.memory_space<vmem>>) dst(%dma_wait3A_330 : memref<10000x16xf32, #tpu.memory_space<vmem_shared>>)
    %dma_start3A_331 = arith.constant 8 : i32
    %dma_start3A_332 = arith.constant 0 : i32
    %dma_start3A_333 = arith.constant 0 : i32
    %dma_start3A_334 = arith.constant 0 : i32
    %dma_start3A_335 = tpu.memref_slice %arg9[%dma_start3A_332, %dma_start3A_333, %dma_start3A_334] : memref<4x1000x16xf32, #tpu.memory_space<vmem>> -> memref<1x1000x16xf32, #tpu.memory_space<vmem>>
    %dma_start3A_336 = tpu.memref_squeeze %dma_start3A_335 : memref<1x1000x16xf32, #tpu.memory_space<vmem>> -> memref<1000x16xf32, #tpu.memory_space<vmem>>
    %dma_start3A_337 = arith.constant 0 : i32
    %dma_start3A_338 = tpu.memref_slice %arg7[%dma_start3A_331, %dma_start3A_337] : memref<10x1000xi32, #tpu.memory_space<vmem>> -> memref<1x1000xi32, #tpu.memory_space<vmem>>
    %dma_start3A_339 = tpu.memref_squeeze %dma_start3A_338 : memref<1x1000xi32, #tpu.memory_space<vmem>> -> memref<1000xi32, #tpu.memory_space<vmem>>
    %dma_start3A_340 = arith.constant 0 : i32
    %dma_start3A_341 = arith.constant 0 : i32
    %dma_start3A_342 = tpu.memref_slice %arg4[%dma_start3A_340, %dma_start3A_341] : memref<10000x16xf32, #tpu.memory_space<hbm>> -> memref<10000x16xf32, #tpu.memory_space<hbm>>
    tpu.enqueue_indirect_dma source(%dma_start3A_342 : memref<10000x16xf32, #tpu.memory_space<hbm>>) target(%dma_start3A_336 : memref<1000x16xf32, #tpu.memory_space<vmem>>) offsets(%dma_start3A_339 : memref<1000xi32, #tpu.memory_space<vmem>>) semaphore(%arg11 : memref<!tpu.dma_semaphore, #tpu.memory_space<semaphore_mem>>)
    %dma_wait3A_343 = arith.constant 7 : i32
    %dma_wait3A_344 = arith.constant 3 : i32
    %dma_wait3A_345 = arith.constant 0 : i32
    %dma_wait3A_346 = arith.constant 0 : i32
    %dma_wait3A_347 = tpu.memref_slice %arg9[%dma_wait3A_344, %dma_wait3A_345, %dma_wait3A_346] : memref<4x1000x16xf32, #tpu.memory_space<vmem>> -> memref<1x1000x16xf32, #tpu.memory_space<vmem>>
    %dma_wait3A_348 = tpu.memref_squeeze %dma_wait3A_347 : memref<1x1000x16xf32, #tpu.memory_space<vmem>> -> memref<1000x16xf32, #tpu.memory_space<vmem>>
    %dma_wait3A_349 = arith.constant 0 : i32
    %dma_wait3A_350 = tpu.memref_slice %arg7[%dma_wait3A_343, %dma_wait3A_349] : memref<10x1000xi32, #tpu.memory_space<vmem>> -> memref<1x1000xi32, #tpu.memory_space<vmem>>
    %dma_wait3A_351 = tpu.memref_squeeze %dma_wait3A_350 : memref<1x1000xi32, #tpu.memory_space<vmem>> -> memref<1000xi32, #tpu.memory_space<vmem>>
    %dma_wait3A_352 = arith.constant 0 : i32
    %dma_wait3A_353 = arith.constant 0 : i32
    %dma_wait3A_354 = tpu.memref_slice %arg4[%dma_wait3A_352, %dma_wait3A_353] : memref<10000x16xf32, #tpu.memory_space<hbm>> -> memref<10000x16xf32, #tpu.memory_space<hbm>>
    tpu.wait_indirect_dma semaphore(%arg14 : memref<!tpu.dma_semaphore, #tpu.memory_space<semaphore_mem>>) src(%dma_wait3A_354 : memref<10000x16xf32, #tpu.memory_space<hbm>>) dst(%dma_wait3A_348 : memref<1000x16xf32, #tpu.memory_space<vmem>>)
    %dma_start3A_355 = arith.constant 3 : i32
    %dma_start3A_356 = arith.constant 7 : i32
    %dma_start3A_357 = arith.constant 0 : i32
    %dma_start3A_358 = arith.constant 0 : i32
    %dma_start3A_359 = tpu.memref_slice %arg9[%dma_start3A_355, %dma_start3A_357, %dma_start3A_358] : memref<4x1000x16xf32, #tpu.memory_space<vmem>> -> memref<1x1000x16xf32, #tpu.memory_space<vmem>>
    %dma_start3A_360 = tpu.memref_squeeze %dma_start3A_359 : memref<1x1000x16xf32, #tpu.memory_space<vmem>> -> memref<1000x16xf32, #tpu.memory_space<vmem>>
    %dma_start3A_361 = arith.constant 0 : i32
    %dma_start3A_362 = tpu.memref_slice %arg8[%dma_start3A_356, %dma_start3A_361] : memref<10x1000xi32, #tpu.memory_space<vmem>> -> memref<1x1000xi32, #tpu.memory_space<vmem>>
    %dma_start3A_363 = tpu.memref_squeeze %dma_start3A_362 : memref<1x1000xi32, #tpu.memory_space<vmem>> -> memref<1000xi32, #tpu.memory_space<vmem>>
    %dma_start3A_364 = arith.constant 0 : i32
    %dma_start3A_365 = arith.constant 0 : i32
    %dma_start3A_366 = tpu.memref_slice %arg10[%dma_start3A_364, %dma_start3A_365] : memref<10000x16xf32, #tpu.memory_space<vmem_shared>> -> memref<10000x16xf32, #tpu.memory_space<vmem_shared>>
    tpu.enqueue_indirect_dma source(%dma_start3A_360 : memref<1000x16xf32, #tpu.memory_space<vmem>>) target(%dma_start3A_366 : memref<10000x16xf32, #tpu.memory_space<vmem_shared>>) offsets(%dma_start3A_363 : memref<1000xi32, #tpu.memory_space<vmem>>) semaphore(%arg18 : memref<!tpu.dma_semaphore, #tpu.memory_space<semaphore_mem>>) {add = true}
    %dma_wait3A_367 = arith.constant 1 : i32
    %dma_wait3A_368 = arith.constant 5 : i32
    %dma_wait3A_369 = arith.constant 0 : i32
    %dma_wait3A_370 = arith.constant 0 : i32
    %dma_wait3A_371 = tpu.memref_slice %arg9[%dma_wait3A_367, %dma_wait3A_369, %dma_wait3A_370] : memref<4x1000x16xf32, #tpu.memory_space<vmem>> -> memref<1x1000x16xf32, #tpu.memory_space<vmem>>
    %dma_wait3A_372 = tpu.memref_squeeze %dma_wait3A_371 : memref<1x1000x16xf32, #tpu.memory_space<vmem>> -> memref<1000x16xf32, #tpu.memory_space<vmem>>
    %dma_wait3A_373 = arith.constant 0 : i32
    %dma_wait3A_374 = tpu.memref_slice %arg8[%dma_wait3A_368, %dma_wait3A_373] : memref<10x1000xi32, #tpu.memory_space<vmem>> -> memref<1x1000xi32, #tpu.memory_space<vmem>>
    %dma_wait3A_375 = tpu.memref_squeeze %dma_wait3A_374 : memref<1x1000xi32, #tpu.memory_space<vmem>> -> memref<1000xi32, #tpu.memory_space<vmem>>
    %dma_wait3A_376 = arith.constant 0 : i32
    %dma_wait3A_377 = arith.constant 0 : i32
    %dma_wait3A_378 = tpu.memref_slice %arg10[%dma_wait3A_376, %dma_wait3A_377] : memref<10000x16xf32, #tpu.memory_space<vmem_shared>> -> memref<10000x16xf32, #tpu.memory_space<vmem_shared>>
    tpu.wait_indirect_dma semaphore(%arg16 : memref<!tpu.dma_semaphore, #tpu.memory_space<semaphore_mem>>) src(%dma_wait3A_372 : memref<1000x16xf32, #tpu.memory_space<vmem>>) dst(%dma_wait3A_378 : memref<10000x16xf32, #tpu.memory_space<vmem_shared>>)
    %dma_start3A_379 = arith.constant 9 : i32
    %dma_start3A_380 = arith.constant 1 : i32
    %dma_start3A_381 = arith.constant 0 : i32
    %dma_start3A_382 = arith.constant 0 : i32
    %dma_start3A_383 = tpu.memref_slice %arg9[%dma_start3A_380, %dma_start3A_381, %dma_start3A_382] : memref<4x1000x16xf32, #tpu.memory_space<vmem>> -> memref<1x1000x16xf32, #tpu.memory_space<vmem>>
    %dma_start3A_384 = tpu.memref_squeeze %dma_start3A_383 : memref<1x1000x16xf32, #tpu.memory_space<vmem>> -> memref<1000x16xf32, #tpu.memory_space<vmem>>
    %dma_start3A_385 = arith.constant 0 : i32
    %dma_start3A_386 = tpu.memref_slice %arg7[%dma_start3A_379, %dma_start3A_385] : memref<10x1000xi32, #tpu.memory_space<vmem>> -> memref<1x1000xi32, #tpu.memory_space<vmem>>
    %dma_start3A_387 = tpu.memref_squeeze %dma_start3A_386 : memref<1x1000xi32, #tpu.memory_space<vmem>> -> memref<1000xi32, #tpu.memory_space<vmem>>
    %dma_start3A_388 = arith.constant 0 : i32
    %dma_start3A_389 = arith.constant 0 : i32
    %dma_start3A_390 = tpu.memref_slice %arg4[%dma_start3A_388, %dma_start3A_389] : memref<10000x16xf32, #tpu.memory_space<hbm>> -> memref<10000x16xf32, #tpu.memory_space<hbm>>
    tpu.enqueue_indirect_dma source(%dma_start3A_390 : memref<10000x16xf32, #tpu.memory_space<hbm>>) target(%dma_start3A_384 : memref<1000x16xf32, #tpu.memory_space<vmem>>) offsets(%dma_start3A_387 : memref<1000xi32, #tpu.memory_space<vmem>>) semaphore(%arg12 : memref<!tpu.dma_semaphore, #tpu.memory_space<semaphore_mem>>)
    %dma_wait3A_391 = arith.constant 8 : i32
    %dma_wait3A_392 = arith.constant 0 : i32
    %dma_wait3A_393 = arith.constant 0 : i32
    %dma_wait3A_394 = arith.constant 0 : i32
    %dma_wait3A_395 = tpu.memref_slice %arg9[%dma_wait3A_392, %dma_wait3A_393, %dma_wait3A_394] : memref<4x1000x16xf32, #tpu.memory_space<vmem>> -> memref<1x1000x16xf32, #tpu.memory_space<vmem>>
    %dma_wait3A_396 = tpu.memref_squeeze %dma_wait3A_395 : memref<1x1000x16xf32, #tpu.memory_space<vmem>> -> memref<1000x16xf32, #tpu.memory_space<vmem>>
    %dma_wait3A_397 = arith.constant 0 : i32
    %dma_wait3A_398 = tpu.memref_slice %arg7[%dma_wait3A_391, %dma_wait3A_397] : memref<10x1000xi32, #tpu.memory_space<vmem>> -> memref<1x1000xi32, #tpu.memory_space<vmem>>
    %dma_wait3A_399 = tpu.memref_squeeze %dma_wait3A_398 : memref<1x1000xi32, #tpu.memory_space<vmem>> -> memref<1000xi32, #tpu.memory_space<vmem>>
    %dma_wait3A_400 = arith.constant 0 : i32
    %dma_wait3A_401 = arith.constant 0 : i32
    %dma_wait3A_402 = tpu.memref_slice %arg4[%dma_wait3A_400, %dma_wait3A_401] : memref<10000x16xf32, #tpu.memory_space<hbm>> -> memref<10000x16xf32, #tpu.memory_space<hbm>>
    tpu.wait_indirect_dma semaphore(%arg11 : memref<!tpu.dma_semaphore, #tpu.memory_space<semaphore_mem>>) src(%dma_wait3A_402 : memref<10000x16xf32, #tpu.memory_space<hbm>>) dst(%dma_wait3A_396 : memref<1000x16xf32, #tpu.memory_space<vmem>>)
    %dma_start3A_403 = arith.constant 0 : i32
    %dma_start3A_404 = arith.constant 8 : i32
    %dma_start3A_405 = arith.constant 0 : i32
    %dma_start3A_406 = arith.constant 0 : i32
    %dma_start3A_407 = tpu.memref_slice %arg9[%dma_start3A_403, %dma_start3A_405, %dma_start3A_406] : memref<4x1000x16xf32, #tpu.memory_space<vmem>> -> memref<1x1000x16xf32, #tpu.memory_space<vmem>>
    %dma_start3A_408 = tpu.memref_squeeze %dma_start3A_407 : memref<1x1000x16xf32, #tpu.memory_space<vmem>> -> memref<1000x16xf32, #tpu.memory_space<vmem>>
    %dma_start3A_409 = arith.constant 0 : i32
    %dma_start3A_410 = tpu.memref_slice %arg8[%dma_start3A_404, %dma_start3A_409] : memref<10x1000xi32, #tpu.memory_space<vmem>> -> memref<1x1000xi32, #tpu.memory_space<vmem>>
    %dma_start3A_411 = tpu.memref_squeeze %dma_start3A_410 : memref<1x1000xi32, #tpu.memory_space<vmem>> -> memref<1000xi32, #tpu.memory_space<vmem>>
    %dma_start3A_412 = arith.constant 0 : i32
    %dma_start3A_413 = arith.constant 0 : i32
    %dma_start3A_414 = tpu.memref_slice %arg10[%dma_start3A_412, %dma_start3A_413] : memref<10000x16xf32, #tpu.memory_space<vmem_shared>> -> memref<10000x16xf32, #tpu.memory_space<vmem_shared>>
    tpu.enqueue_indirect_dma source(%dma_start3A_408 : memref<1000x16xf32, #tpu.memory_space<vmem>>) target(%dma_start3A_414 : memref<10000x16xf32, #tpu.memory_space<vmem_shared>>) offsets(%dma_start3A_411 : memref<1000xi32, #tpu.memory_space<vmem>>) semaphore(%arg15 : memref<!tpu.dma_semaphore, #tpu.memory_space<semaphore_mem>>) {add = true}
    %dma_wait3A_415 = arith.constant 9 : i32
    %dma_wait3A_416 = arith.constant 1 : i32
    %dma_wait3A_417 = arith.constant 0 : i32
    %dma_wait3A_418 = arith.constant 0 : i32
    %dma_wait3A_419 = tpu.memref_slice %arg9[%dma_wait3A_416, %dma_wait3A_417, %dma_wait3A_418] : memref<4x1000x16xf32, #tpu.memory_space<vmem>> -> memref<1x1000x16xf32, #tpu.memory_space<vmem>>
    %dma_wait3A_420 = tpu.memref_squeeze %dma_wait3A_419 : memref<1x1000x16xf32, #tpu.memory_space<vmem>> -> memref<1000x16xf32, #tpu.memory_space<vmem>>
    %dma_wait3A_421 = arith.constant 0 : i32
    %dma_wait3A_422 = tpu.memref_slice %arg7[%dma_wait3A_415, %dma_wait3A_421] : memref<10x1000xi32, #tpu.memory_space<vmem>> -> memref<1x1000xi32, #tpu.memory_space<vmem>>
    %dma_wait3A_423 = tpu.memref_squeeze %dma_wait3A_422 : memref<1x1000xi32, #tpu.memory_space<vmem>> -> memref<1000xi32, #tpu.memory_space<vmem>>
    %dma_wait3A_424 = arith.constant 0 : i32
    %dma_wait3A_425 = arith.constant 0 : i32
    %dma_wait3A_426 = tpu.memref_slice %arg4[%dma_wait3A_424, %dma_wait3A_425] : memref<10000x16xf32, #tpu.memory_space<hbm>> -> memref<10000x16xf32, #tpu.memory_space<hbm>>
    tpu.wait_indirect_dma semaphore(%arg12 : memref<!tpu.dma_semaphore, #tpu.memory_space<semaphore_mem>>) src(%dma_wait3A_426 : memref<10000x16xf32, #tpu.memory_space<hbm>>) dst(%dma_wait3A_420 : memref<1000x16xf32, #tpu.memory_space<vmem>>)
    %dma_start3A_427 = arith.constant 1 : i32
    %dma_start3A_428 = arith.constant 9 : i32
    %dma_start3A_429 = arith.constant 0 : i32
    %dma_start3A_430 = arith.constant 0 : i32
    %dma_start3A_431 = tpu.memref_slice %arg9[%dma_start3A_427, %dma_start3A_429, %dma_start3A_430] : memref<4x1000x16xf32, #tpu.memory_space<vmem>> -> memref<1x1000x16xf32, #tpu.memory_space<vmem>>
    %dma_start3A_432 = tpu.memref_squeeze %dma_start3A_431 : memref<1x1000x16xf32, #tpu.memory_space<vmem>> -> memref<1000x16xf32, #tpu.memory_space<vmem>>
    %dma_start3A_433 = arith.constant 0 : i32
    %dma_start3A_434 = tpu.memref_slice %arg8[%dma_start3A_428, %dma_start3A_433] : memref<10x1000xi32, #tpu.memory_space<vmem>> -> memref<1x1000xi32, #tpu.memory_space<vmem>>
    %dma_start3A_435 = tpu.memref_squeeze %dma_start3A_434 : memref<1x1000xi32, #tpu.memory_space<vmem>> -> memref<1000xi32, #tpu.memory_space<vmem>>
    %dma_start3A_436 = arith.constant 0 : i32
    %dma_start3A_437 = arith.constant 0 : i32
    %dma_start3A_438 = tpu.memref_slice %arg10[%dma_start3A_436, %dma_start3A_437] : memref<10000x16xf32, #tpu.memory_space<vmem_shared>> -> memref<10000x16xf32, #tpu.memory_space<vmem_shared>>
    tpu.enqueue_indirect_dma source(%dma_start3A_432 : memref<1000x16xf32, #tpu.memory_space<vmem>>) target(%dma_start3A_438 : memref<10000x16xf32, #tpu.memory_space<vmem_shared>>) offsets(%dma_start3A_435 : memref<1000xi32, #tpu.memory_space<vmem>>) semaphore(%arg16 : memref<!tpu.dma_semaphore, #tpu.memory_space<semaphore_mem>>) {add = true}
    %dma_wait3A_439 = arith.constant 2 : i32
    %dma_wait3A_440 = arith.constant 6 : i32
    %dma_wait3A_441 = arith.constant 0 : i32
    %dma_wait3A_442 = arith.constant 0 : i32
    %dma_wait3A_443 = tpu.memref_slice %arg9[%dma_wait3A_439, %dma_wait3A_441, %dma_wait3A_442] : memref<4x1000x16xf32, #tpu.memory_space<vmem>> -> memref<1x1000x16xf32, #tpu.memory_space<vmem>>
    %dma_wait3A_444 = tpu.memref_squeeze %dma_wait3A_443 : memref<1x1000x16xf32, #tpu.memory_space<vmem>> -> memref<1000x16xf32, #tpu.memory_space<vmem>>
    %dma_wait3A_445 = arith.constant 0 : i32
    %dma_wait3A_446 = tpu.memref_slice %arg8[%dma_wait3A_440, %dma_wait3A_445] : memref<10x1000xi32, #tpu.memory_space<vmem>> -> memref<1x1000xi32, #tpu.memory_space<vmem>>
    %dma_wait3A_447 = tpu.memref_squeeze %dma_wait3A_446 : memref<1x1000xi32, #tpu.memory_space<vmem>> -> memref<1000xi32, #tpu.memory_space<vmem>>
    %dma_wait3A_448 = arith.constant 0 : i32
    %dma_wait3A_449 = arith.constant 0 : i32
    %dma_wait3A_450 = tpu.memref_slice %arg10[%dma_wait3A_448, %dma_wait3A_449] : memref<10000x16xf32, #tpu.memory_space<vmem_shared>> -> memref<10000x16xf32, #tpu.memory_space<vmem_shared>>
    tpu.wait_indirect_dma semaphore(%arg17 : memref<!tpu.dma_semaphore, #tpu.memory_space<semaphore_mem>>) src(%dma_wait3A_444 : memref<1000x16xf32, #tpu.memory_space<vmem>>) dst(%dma_wait3A_450 : memref<10000x16xf32, #tpu.memory_space<vmem_shared>>)
    %dma_wait3A_451 = arith.constant 3 : i32
    %dma_wait3A_452 = arith.constant 7 : i32
    %dma_wait3A_453 = arith.constant 0 : i32
    %dma_wait3A_454 = arith.constant 0 : i32
    %dma_wait3A_455 = tpu.memref_slice %arg9[%dma_wait3A_451, %dma_wait3A_453, %dma_wait3A_454] : memref<4x1000x16xf32, #tpu.memory_space<vmem>> -> memref<1x1000x16xf32, #tpu.memory_space<vmem>>
    %dma_wait3A_456 = tpu.memref_squeeze %dma_wait3A_455 : memref<1x1000x16xf32, #tpu.memory_space<vmem>> -> memref<1000x16xf32, #tpu.memory_space<vmem>>
    %dma_wait3A_457 = arith.constant 0 : i32
    %dma_wait3A_458 = tpu.memref_slice %arg8[%dma_wait3A_452, %dma_wait3A_457] : memref<10x1000xi32, #tpu.memory_space<vmem>> -> memref<1x1000xi32, #tpu.memory_space<vmem>>
    %dma_wait3A_459 = tpu.memref_squeeze %dma_wait3A_458 : memref<1x1000xi32, #tpu.memory_space<vmem>> -> memref<1000xi32, #tpu.memory_space<vmem>>
    %dma_wait3A_460 = arith.constant 0 : i32
    %dma_wait3A_461 = arith.constant 0 : i32
    %dma_wait3A_462 = tpu.memref_slice %arg10[%dma_wait3A_460, %dma_wait3A_461] : memref<10000x16xf32, #tpu.memory_space<vmem_shared>> -> memref<10000x16xf32, #tpu.memory_space<vmem_shared>>
    tpu.wait_indirect_dma semaphore(%arg18 : memref<!tpu.dma_semaphore, #tpu.memory_space<semaphore_mem>>) src(%dma_wait3A_456 : memref<1000x16xf32, #tpu.memory_space<vmem>>) dst(%dma_wait3A_462 : memref<10000x16xf32, #tpu.memory_space<vmem_shared>>)
    %dma_wait3A_463 = arith.constant 0 : i32
    %dma_wait3A_464 = arith.constant 8 : i32
    %dma_wait3A_465 = arith.constant 0 : i32
    %dma_wait3A_466 = arith.constant 0 : i32
    %dma_wait3A_467 = tpu.memref_slice %arg9[%dma_wait3A_463, %dma_wait3A_465, %dma_wait3A_466] : memref<4x1000x16xf32, #tpu.memory_space<vmem>> -> memref<1x1000x16xf32, #tpu.memory_space<vmem>>
    %dma_wait3A_468 = tpu.memref_squeeze %dma_wait3A_467 : memref<1x1000x16xf32, #tpu.memory_space<vmem>> -> memref<1000x16xf32, #tpu.memory_space<vmem>>
    %dma_wait3A_469 = arith.constant 0 : i32
    %dma_wait3A_470 = tpu.memref_slice %arg8[%dma_wait3A_464, %dma_wait3A_469] : memref<10x1000xi32, #tpu.memory_space<vmem>> -> memref<1x1000xi32, #tpu.memory_space<vmem>>
    %dma_wait3A_471 = tpu.memref_squeeze %dma_wait3A_470 : memref<1x1000xi32, #tpu.memory_space<vmem>> -> memref<1000xi32, #tpu.memory_space<vmem>>
    %dma_wait3A_472 = arith.constant 0 : i32
    %dma_wait3A_473 = arith.constant 0 : i32
    %dma_wait3A_474 = tpu.memref_slice %arg10[%dma_wait3A_472, %dma_wait3A_473] : memref<10000x16xf32, #tpu.memory_space<vmem_shared>> -> memref<10000x16xf32, #tpu.memory_space<vmem_shared>>
    tpu.wait_indirect_dma semaphore(%arg15 : memref<!tpu.dma_semaphore, #tpu.memory_space<semaphore_mem>>) src(%dma_wait3A_468 : memref<1000x16xf32, #tpu.memory_space<vmem>>) dst(%dma_wait3A_474 : memref<10000x16xf32, #tpu.memory_space<vmem_shared>>)
    %dma_wait3A_475 = arith.constant 1 : i32
    %dma_wait3A_476 = arith.constant 9 : i32
    %dma_wait3A_477 = arith.constant 0 : i32
    %dma_wait3A_478 = arith.constant 0 : i32
    %dma_wait3A_479 = tpu.memref_slice %arg9[%dma_wait3A_475, %dma_wait3A_477, %dma_wait3A_478] : memref<4x1000x16xf32, #tpu.memory_space<vmem>> -> memref<1x1000x16xf32, #tpu.memory_space<vmem>>
    %dma_wait3A_480 = tpu.memref_squeeze %dma_wait3A_479 : memref<1x1000x16xf32, #tpu.memory_space<vmem>> -> memref<1000x16xf32, #tpu.memory_space<vmem>>
    %dma_wait3A_481 = arith.constant 0 : i32
    %dma_wait3A_482 = tpu.memref_slice %arg8[%dma_wait3A_476, %dma_wait3A_481] : memref<10x1000xi32, #tpu.memory_space<vmem>> -> memref<1x1000xi32, #tpu.memory_space<vmem>>
    %dma_wait3A_483 = tpu.memref_squeeze %dma_wait3A_482 : memref<1x1000xi32, #tpu.memory_space<vmem>> -> memref<1000xi32, #tpu.memory_space<vmem>>
    %dma_wait3A_484 = arith.constant 0 : i32
    %dma_wait3A_485 = arith.constant 0 : i32
    %dma_wait3A_486 = tpu.memref_slice %arg10[%dma_wait3A_484, %dma_wait3A_485] : memref<10000x16xf32, #tpu.memory_space<vmem_shared>> -> memref<10000x16xf32, #tpu.memory_space<vmem_shared>>
    tpu.wait_indirect_dma semaphore(%arg16 : memref<!tpu.dma_semaphore, #tpu.memory_space<semaphore_mem>>) src(%dma_wait3A_480 : memref<1000x16xf32, #tpu.memory_space<vmem>>) dst(%dma_wait3A_486 : memref<10000x16xf32, #tpu.memory_space<vmem_shared>>)
    %barrier3A_487 = arith.constant 0 : index
    tpu.barrier barrier_id(%barrier3A_487)
    %mul3A_488 = arith.constant 625 : i32
    %mul3A_489 = arith.muli %arg1, %mul3A_488 : i32
    %mul3A_490 = arith.constant 625 : i32
    %mul3A_491 = arith.muli %arg1, %mul3A_490 : i32
    "tpu.region"() ({
      %run_scoped3A = tpu.sem_alloc : memref<!tpu.dma_semaphore, #tpu.memory_space<semaphore_mem>>
      %dma_start3A_492 = arith.constant 0 : i32
      %dma_start3A_493 = arith.constant 0 : i32
      %dma_start3A_494 = tpu.memref_slice %arg6[%arg0, %dma_start3A_492, %dma_start3A_493] : memref<2x10000x16xf32, #tpu.memory_space<hbm>> -> memref<1x10000x16xf32, #tpu.memory_space<hbm>>
      %dma_start3A_495 = tpu.memref_squeeze %dma_start3A_494 : memref<1x10000x16xf32, #tpu.memory_space<hbm>> -> memref<10000x16xf32, #tpu.memory_space<hbm>>
      %dma_start3A_496 = arith.constant 0 : i32
      %dma_start3A_497 = tpu.memref_slice %dma_start3A_495[%mul3A_491, %dma_start3A_496] : memref<10000x16xf32, #tpu.memory_space<hbm>> -> memref<625x16xf32, #tpu.memory_space<hbm>>
      %dma_start3A_498 = arith.constant 0 : i32
      %dma_start3A_499 = tpu.memref_slice %arg10[%mul3A_489, %dma_start3A_498] : memref<10000x16xf32, #tpu.memory_space<vmem_shared>> -> memref<625x16xf32, #tpu.memory_space<vmem_shared>>
      tpu.enqueue_dma source(%dma_start3A_499 : memref<625x16xf32, #tpu.memory_space<vmem_shared>>) target(%dma_start3A_497 : memref<625x16xf32, #tpu.memory_space<hbm>>) target_semaphore(%run_scoped3A : memref<!tpu.dma_semaphore, #tpu.memory_space<semaphore_mem>>)
      %dma_wait3A_500 = arith.constant 0 : i32
      %dma_wait3A_501 = arith.constant 0 : i32
      %dma_wait3A_502 = tpu.memref_slice %arg6[%arg0, %dma_wait3A_500, %dma_wait3A_501] : memref<2x10000x16xf32, #tpu.memory_space<hbm>> -> memref<1x10000x16xf32, #tpu.memory_space<hbm>>
      %dma_wait3A_503 = tpu.memref_squeeze %dma_wait3A_502 : memref<1x10000x16xf32, #tpu.memory_space<hbm>> -> memref<10000x16xf32, #tpu.memory_space<hbm>>
      %dma_wait3A_504 = arith.constant 0 : i32
      %dma_wait3A_505 = tpu.memref_slice %dma_wait3A_503[%mul3A_491, %dma_wait3A_504] : memref<10000x16xf32, #tpu.memory_space<hbm>> -> memref<625x16xf32, #tpu.memory_space<hbm>>
      %dma_wait3A_506 = arith.constant 0 : i32
      %dma_wait3A_507 = tpu.memref_slice %arg10[%mul3A_489, %dma_wait3A_506] : memref<10000x16xf32, #tpu.memory_space<vmem_shared>> -> memref<625x16xf32, #tpu.memory_space<vmem_shared>>
      tpu.wait_dma2 semaphore(%run_scoped3A : memref<!tpu.dma_semaphore, #tpu.memory_space<semaphore_mem>>) src(%dma_wait3A_507 : memref<625x16xf32, #tpu.memory_space<vmem_shared>>) dst(%dma_wait3A_505 : memref<625x16xf32, #tpu.memory_space<hbm>>)
      tpu.yield
    }) : () -> ()
    return
  }
}

#map = affine_map<(d0, d1) -> (0, 0)>
#map1 = affine_map<(d0, d1) -> (0, 0, 0)>
module attributes {stable_mosaic.version = 14 : i64} {
  func.func @prop(%arg0: i32, %arg1: i32, %arg2: memref<320x1000xi32, #tpu.memory_space<hbm>>, %arg3: memref<320x1000xi32, #tpu.memory_space<hbm>>, %arg4: memref<10000x16xf32, #tpu.memory_space<hbm>>, %arg5: memref<10000x16xf32, #tpu.memory_space<hbm>>, %arg6: memref<2x10000x16xf32, #tpu.memory_space<hbm>>, %arg7: memref<10x1000xi32, #tpu.memory_space<vmem>>, %arg8: memref<10x1000xi32, #tpu.memory_space<vmem>>, %arg9: memref<4x1000x16xf32, #tpu.memory_space<vmem>>, %arg10: memref<10000x16xf32, #tpu.memory_space<vmem_shared>>, %arg11: memref<!tpu.dma_semaphore, #tpu.memory_space<semaphore_mem>>, %arg12: memref<!tpu.dma_semaphore, #tpu.memory_space<semaphore_mem>>, %arg13: memref<!tpu.dma_semaphore, #tpu.memory_space<semaphore_mem>>, %arg14: memref<!tpu.dma_semaphore, #tpu.memory_space<semaphore_mem>>, %arg15: memref<!tpu.dma_semaphore, #tpu.memory_space<semaphore_mem>>, %arg16: memref<!tpu.dma_semaphore, #tpu.memory_space<semaphore_mem>>, %arg17: memref<!tpu.dma_semaphore, #tpu.memory_space<semaphore_mem>>, %arg18: memref<!tpu.dma_semaphore, #tpu.memory_space<semaphore_mem>>) attributes {dimension_semantics = [#tpu.dimension_semantics<core_parallel>, #tpu.dimension_semantics<subcore_parallel>], iteration_bounds = array<i64: 2, 16>, scalar_prefetch = 0 : i64, scratch_operands = 12 : i64, tpu.core_type = #tpu.core_type<sc_vector_subcore>, window_params = [{transform_indices = #map}, {transform_indices = #map}, {transform_indices = #map}, {transform_indices = #map}, {transform_indices = #map1}]} {
    %mul3A = arith.constant 2 : i32
    %mul3A_0 = arith.muli %arg1, %mul3A : i32
    %add3A = arith.addi %mul3A_0, %arg0 : i32
    %mul3A_1 = arith.constant 10 : i32
    %mul3A_2 = arith.muli %add3A, %mul3A_1 : i32
    "tpu.region"() ({
      %run_scoped3A = tpu.sem_alloc : memref<!tpu.dma_semaphore, #tpu.memory_space<semaphore_mem>>
      %dma_start3A_492 = arith.constant 0 : i32
      %dma_start3A_493 = tpu.memref_slice %arg2[%mul3A_2, %dma_start3A_492] : memref<320x1000xi32, #tpu.memory_space<hbm>> -> memref<10x1000xi32, #tpu.memory_space<hbm>>
      %dma_start3A_494 = arith.constant 0 : i32
      %dma_start3A_495 = tpu.memref_slice %arg2[%mul3A_2, %dma_start3A_494] : memref<320x1000xi32, #tpu.memory_space<hbm>> -> memref<10x1000xi32, #tpu.memory_space<hbm>>
      tpu.enqueue_dma source(%dma_start3A_495 : memref<10x1000xi32, #tpu.memory_space<hbm>>) target(%arg7 : memref<10x1000xi32, #tpu.memory_space<vmem>>) target_semaphore(%run_scoped3A : memref<!tpu.dma_semaphore, #tpu.memory_space<semaphore_mem>>)
      %dma_wait3A_496 = arith.constant 0 : i32
      %dma_wait3A_497 = tpu.memref_slice %arg2[%mul3A_2, %dma_wait3A_496] : memref<320x1000xi32, #tpu.memory_space<hbm>> -> memref<10x1000xi32, #tpu.memory_space<hbm>>
      %dma_wait3A_498 = arith.constant 0 : i32
      %dma_wait3A_499 = tpu.memref_slice %arg2[%mul3A_2, %dma_wait3A_498] : memref<320x1000xi32, #tpu.memory_space<hbm>> -> memref<10x1000xi32, #tpu.memory_space<hbm>>
      tpu.wait_dma2 semaphore(%run_scoped3A : memref<!tpu.dma_semaphore, #tpu.memory_space<semaphore_mem>>) src(%dma_wait3A_499 : memref<10x1000xi32, #tpu.memory_space<hbm>>) dst(%arg7 : memref<10x1000xi32, #tpu.memory_space<vmem>>)
      tpu.yield
    }) : () -> ()
    %mul3A_3 = arith.constant 10 : i32
    %mul3A_4 = arith.muli %add3A, %mul3A_3 : i32
    "tpu.region"() ({
      %run_scoped3A = tpu.sem_alloc : memref<!tpu.dma_semaphore, #tpu.memory_space<semaphore_mem>>
      %dma_start3A_492 = arith.constant 0 : i32
      %dma_start3A_493 = tpu.memref_slice %arg3[%mul3A_4, %dma_start3A_492] : memref<320x1000xi32, #tpu.memory_space<hbm>> -> memref<10x1000xi32, #tpu.memory_space<hbm>>
      %dma_start3A_494 = arith.constant 0 : i32
      %dma_start3A_495 = tpu.memref_slice %arg3[%mul3A_4, %dma_start3A_494] : memref<320x1000xi32, #tpu.memory_space<hbm>> -> memref<10x1000xi32, #tpu.memory_space<hbm>>
      tpu.enqueue_dma source(%dma_start3A_495 : memref<10x1000xi32, #tpu.memory_space<hbm>>) target(%arg8 : memref<10x1000xi32, #tpu.memory_space<vmem>>) target_semaphore(%run_scoped3A : memref<!tpu.dma_semaphore, #tpu.memory_space<semaphore_mem>>)
      %dma_wait3A_496 = arith.constant 0 : i32
      %dma_wait3A_497 = tpu.memref_slice %arg3[%mul3A_4, %dma_wait3A_496] : memref<320x1000xi32, #tpu.memory_space<hbm>> -> memref<10x1000xi32, #tpu.memory_space<hbm>>
      %dma_wait3A_498 = arith.constant 0 : i32
      %dma_wait3A_499 = tpu.memref_slice %arg3[%mul3A_4, %dma_wait3A_498] : memref<320x1000xi32, #tpu.memory_space<hbm>> -> memref<10x1000xi32, #tpu.memory_space<hbm>>
      tpu.wait_dma2 semaphore(%run_scoped3A : memref<!tpu.dma_semaphore, #tpu.memory_space<semaphore_mem>>) src(%dma_wait3A_499 : memref<10x1000xi32, #tpu.memory_space<hbm>>) dst(%arg8 : memref<10x1000xi32, #tpu.memory_space<vmem>>)
      tpu.yield
    }) : () -> ()
    %mul3A_5 = arith.constant 625 : i32
    %mul3A_6 = arith.muli %arg1, %mul3A_5 : i32
    %mul3A_7 = arith.constant 625 : i32
    %mul3A_8 = arith.muli %arg1, %mul3A_7 : i32
    "tpu.region"() ({
      %run_scoped3A = tpu.sem_alloc : memref<!tpu.dma_semaphore, #tpu.memory_space<semaphore_mem>>
      %dma_start3A_492 = arith.constant 0 : i32
      %dma_start3A_493 = tpu.memref_slice %arg10[%mul3A_8, %dma_start3A_492] : memref<10000x16xf32, #tpu.memory_space<vmem_shared>> -> memref<625x16xf32, #tpu.memory_space<vmem_shared>>
      %dma_start3A_494 = arith.constant 0 : i32
      %dma_start3A_495 = tpu.memref_slice %arg5[%mul3A_6, %dma_start3A_494] : memref<10000x16xf32, #tpu.memory_space<hbm>> -> memref<625x16xf32, #tpu.memory_space<hbm>>
      tpu.enqueue_dma source(%dma_start3A_495 : memref<625x16xf32, #tpu.memory_space<hbm>>) target(%dma_start3A_493 : memref<625x16xf32, #tpu.memory_space<vmem_shared>>) target_semaphore(%run_scoped3A : memref<!tpu.dma_semaphore, #tpu.memory_space<semaphore_mem>>)
      %dma_wait3A_496 = arith.constant 0 : i32
      %dma_wait3A_497 = tpu.memref_slice %arg10[%mul3A_8, %dma_wait3A_496] : memref<10000x16xf32, #tpu.memory_space<vmem_shared>> -> memref<625x16xf32, #tpu.memory_space<vmem_shared>>
      %dma_wait3A_498 = arith.constant 0 : i32
      %dma_wait3A_499 = tpu.memref_slice %arg5[%mul3A_6, %dma_wait3A_498] : memref<10000x16xf32, #tpu.memory_space<hbm>> -> memref<625x16xf32, #tpu.memory_space<hbm>>
      tpu.wait_dma2 semaphore(%run_scoped3A : memref<!tpu.dma_semaphore, #tpu.memory_space<semaphore_mem>>) src(%dma_wait3A_499 : memref<625x16xf32, #tpu.memory_space<hbm>>) dst(%dma_wait3A_497 : memref<625x16xf32, #tpu.memory_space<vmem_shared>>)
      tpu.yield
    }) : () -> ()
    %dma_start3A = arith.constant 0 : i32
    %dma_start3A_9 = arith.constant 0 : i32
    %dma_start3A_10 = arith.constant 0 : i32
    %dma_start3A_11 = arith.constant 0 : i32
    %dma_start3A_12 = tpu.memref_slice %arg9[%dma_start3A_9, %dma_start3A_10, %dma_start3A_11] : memref<4x1000x16xf32, #tpu.memory_space<vmem>> -> memref<1x1000x16xf32, #tpu.memory_space<vmem>>
    %dma_start3A_13 = tpu.memref_squeeze %dma_start3A_12 : memref<1x1000x16xf32, #tpu.memory_space<vmem>> -> memref<1000x16xf32, #tpu.memory_space<vmem>>
    %dma_start3A_14 = arith.constant 0 : i32
    %dma_start3A_15 = tpu.memref_slice %arg7[%dma_start3A, %dma_start3A_14] : memref<10x1000xi32, #tpu.memory_space<vmem>> -> memref<1x1000xi32, #tpu.memory_space<vmem>>
    %dma_start3A_16 = tpu.memref_squeeze %dma_start3A_15 : memref<1x1000xi32, #tpu.memory_space<vmem>> -> memref<1000xi32, #tpu.memory_space<vmem>>
    %dma_start3A_17 = arith.constant 0 : i32
    %dma_start3A_18 = arith.constant 0 : i32
    %dma_start3A_19 = tpu.memref_slice %arg4[%dma_start3A_17, %dma_start3A_18] : memref<10000x16xf32, #tpu.memory_space<hbm>> -> memref<10000x16xf32, #tpu.memory_space<hbm>>
    tpu.enqueue_indirect_dma source(%dma_start3A_19 : memref<10000x16xf32, #tpu.memory_space<hbm>>) target(%dma_start3A_13 : memref<1000x16xf32, #tpu.memory_space<vmem>>) offsets(%dma_start3A_16 : memref<1000xi32, #tpu.memory_space<vmem>>) semaphore(%arg11 : memref<!tpu.dma_semaphore, #tpu.memory_space<semaphore_mem>>)
    %dma_start3A_20 = arith.constant 1 : i32
    %dma_start3A_21 = arith.constant 1 : i32
    %dma_start3A_22 = arith.constant 0 : i32
    %dma_start3A_23 = arith.constant 0 : i32
    %dma_start3A_24 = tpu.memref_slice %arg9[%dma_start3A_21, %dma_start3A_22, %dma_start3A_23] : memref<4x1000x16xf32, #tpu.memory_space<vmem>> -> memref<1x1000x16xf32, #tpu.memory_space<vmem>>
    %dma_start3A_25 = tpu.memref_squeeze %dma_start3A_24 : memref<1x1000x16xf32, #tpu.memory_space<vmem>> -> memref<1000x16xf32, #tpu.memory_space<vmem>>
    %dma_start3A_26 = arith.constant 0 : i32
    %dma_start3A_27 = tpu.memref_slice %arg7[%dma_start3A_20, %dma_start3A_26] : memref<10x1000xi32, #tpu.memory_space<vmem>> -> memref<1x1000xi32, #tpu.memory_space<vmem>>
    %dma_start3A_28 = tpu.memref_squeeze %dma_start3A_27 : memref<1x1000xi32, #tpu.memory_space<vmem>> -> memref<1000xi32, #tpu.memory_space<vmem>>
    %dma_start3A_29 = arith.constant 0 : i32
    %dma_start3A_30 = arith.constant 0 : i32
    %dma_start3A_31 = tpu.memref_slice %arg4[%dma_start3A_29, %dma_start3A_30] : memref<10000x16xf32, #tpu.memory_space<hbm>> -> memref<10000x16xf32, #tpu.memory_space<hbm>>
    tpu.enqueue_indirect_dma source(%dma_start3A_31 : memref<10000x16xf32, #tpu.memory_space<hbm>>) target(%dma_start3A_25 : memref<1000x16xf32, #tpu.memory_space<vmem>>) offsets(%dma_start3A_28 : memref<1000xi32, #tpu.memory_space<vmem>>) semaphore(%arg12 : memref<!tpu.dma_semaphore, #tpu.memory_space<semaphore_mem>>)
    %barrier3A = arith.constant 0 : index
    tpu.barrier barrier_id(%barrier3A)
    %dma_wait3A = arith.constant 0 : i32
    %dma_wait3A_32 = arith.constant 0 : i32
    %dma_wait3A_33 = arith.constant 0 : i32
    %dma_wait3A_34 = arith.constant 0 : i32
    %dma_wait3A_35 = tpu.memref_slice %arg9[%dma_wait3A_32, %dma_wait3A_33, %dma_wait3A_34] : memref<4x1000x16xf32, #tpu.memory_space<vmem>> -> memref<1x1000x16xf32, #tpu.memory_space<vmem>>
    %dma_wait3A_36 = tpu.memref_squeeze %dma_wait3A_35 : memref<1x1000x16xf32, #tpu.memory_space<vmem>> -> memref<1000x16xf32, #tpu.memory_space<vmem>>
    %dma_wait3A_37 = arith.constant 0 : i32
    %dma_wait3A_38 = tpu.memref_slice %arg7[%dma_wait3A, %dma_wait3A_37] : memref<10x1000xi32, #tpu.memory_space<vmem>> -> memref<1x1000xi32, #tpu.memory_space<vmem>>
    %dma_wait3A_39 = tpu.memref_squeeze %dma_wait3A_38 : memref<1x1000xi32, #tpu.memory_space<vmem>> -> memref<1000xi32, #tpu.memory_space<vmem>>
    %dma_wait3A_40 = arith.constant 0 : i32
    %dma_wait3A_41 = arith.constant 0 : i32
    %dma_wait3A_42 = tpu.memref_slice %arg4[%dma_wait3A_40, %dma_wait3A_41] : memref<10000x16xf32, #tpu.memory_space<hbm>> -> memref<10000x16xf32, #tpu.memory_space<hbm>>
    tpu.wait_indirect_dma semaphore(%arg11 : memref<!tpu.dma_semaphore, #tpu.memory_space<semaphore_mem>>) src(%dma_wait3A_42 : memref<10000x16xf32, #tpu.memory_space<hbm>>) dst(%dma_wait3A_36 : memref<1000x16xf32, #tpu.memory_space<vmem>>)
    %dma_start3A_43 = arith.constant 0 : i32
    %dma_start3A_44 = arith.constant 0 : i32
    %dma_start3A_45 = arith.constant 0 : i32
    %dma_start3A_46 = arith.constant 0 : i32
    %dma_start3A_47 = tpu.memref_slice %arg9[%dma_start3A_43, %dma_start3A_45, %dma_start3A_46] : memref<4x1000x16xf32, #tpu.memory_space<vmem>> -> memref<1x1000x16xf32, #tpu.memory_space<vmem>>
    %dma_start3A_48 = tpu.memref_squeeze %dma_start3A_47 : memref<1x1000x16xf32, #tpu.memory_space<vmem>> -> memref<1000x16xf32, #tpu.memory_space<vmem>>
    %dma_start3A_49 = arith.constant 0 : i32
    %dma_start3A_50 = tpu.memref_slice %arg8[%dma_start3A_44, %dma_start3A_49] : memref<10x1000xi32, #tpu.memory_space<vmem>> -> memref<1x1000xi32, #tpu.memory_space<vmem>>
    %dma_start3A_51 = tpu.memref_squeeze %dma_start3A_50 : memref<1x1000xi32, #tpu.memory_space<vmem>> -> memref<1000xi32, #tpu.memory_space<vmem>>
    %dma_start3A_52 = arith.constant 0 : i32
    %dma_start3A_53 = arith.constant 0 : i32
    %dma_start3A_54 = tpu.memref_slice %arg10[%dma_start3A_52, %dma_start3A_53] : memref<10000x16xf32, #tpu.memory_space<vmem_shared>> -> memref<10000x16xf32, #tpu.memory_space<vmem_shared>>
    tpu.enqueue_indirect_dma source(%dma_start3A_48 : memref<1000x16xf32, #tpu.memory_space<vmem>>) target(%dma_start3A_54 : memref<10000x16xf32, #tpu.memory_space<vmem_shared>>) offsets(%dma_start3A_51 : memref<1000xi32, #tpu.memory_space<vmem>>) semaphore(%arg15 : memref<!tpu.dma_semaphore, #tpu.memory_space<semaphore_mem>>) {add = true}
    %dma_start3A_55 = arith.constant 2 : i32
    %dma_start3A_56 = arith.constant 2 : i32
    %dma_start3A_57 = arith.constant 0 : i32
    %dma_start3A_58 = arith.constant 0 : i32
    %dma_start3A_59 = tpu.memref_slice %arg9[%dma_start3A_56, %dma_start3A_57, %dma_start3A_58] : memref<4x1000x16xf32, #tpu.memory_space<vmem>> -> memref<1x1000x16xf32, #tpu.memory_space<vmem>>
    %dma_start3A_60 = tpu.memref_squeeze %dma_start3A_59 : memref<1x1000x16xf32, #tpu.memory_space<vmem>> -> memref<1000x16xf32, #tpu.memory_space<vmem>>
    %dma_start3A_61 = arith.constant 0 : i32
    %dma_start3A_62 = tpu.memref_slice %arg7[%dma_start3A_55, %dma_start3A_61] : memref<10x1000xi32, #tpu.memory_space<vmem>> -> memref<1x1000xi32, #tpu.memory_space<vmem>>
    %dma_start3A_63 = tpu.memref_squeeze %dma_start3A_62 : memref<1x1000xi32, #tpu.memory_space<vmem>> -> memref<1000xi32, #tpu.memory_space<vmem>>
    %dma_start3A_64 = arith.constant 0 : i32
    %dma_start3A_65 = arith.constant 0 : i32
    %dma_start3A_66 = tpu.memref_slice %arg4[%dma_start3A_64, %dma_start3A_65] : memref<10000x16xf32, #tpu.memory_space<hbm>> -> memref<10000x16xf32, #tpu.memory_space<hbm>>
    tpu.enqueue_indirect_dma source(%dma_start3A_66 : memref<10000x16xf32, #tpu.memory_space<hbm>>) target(%dma_start3A_60 : memref<1000x16xf32, #tpu.memory_space<vmem>>) offsets(%dma_start3A_63 : memref<1000xi32, #tpu.memory_space<vmem>>) semaphore(%arg13 : memref<!tpu.dma_semaphore, #tpu.memory_space<semaphore_mem>>)
    %dma_wait3A_67 = arith.constant 1 : i32
    %dma_wait3A_68 = arith.constant 1 : i32
    %dma_wait3A_69 = arith.constant 0 : i32
    %dma_wait3A_70 = arith.constant 0 : i32
    %dma_wait3A_71 = tpu.memref_slice %arg9[%dma_wait3A_68, %dma_wait3A_69, %dma_wait3A_70] : memref<4x1000x16xf32, #tpu.memory_space<vmem>> -> memref<1x1000x16xf32, #tpu.memory_space<vmem>>
    %dma_wait3A_72 = tpu.memref_squeeze %dma_wait3A_71 : memref<1x1000x16xf32, #tpu.memory_space<vmem>> -> memref<1000x16xf32, #tpu.memory_space<vmem>>
    %dma_wait3A_73 = arith.constant 0 : i32
    %dma_wait3A_74 = tpu.memref_slice %arg7[%dma_wait3A_67, %dma_wait3A_73] : memref<10x1000xi32, #tpu.memory_space<vmem>> -> memref<1x1000xi32, #tpu.memory_space<vmem>>
    %dma_wait3A_75 = tpu.memref_squeeze %dma_wait3A_74 : memref<1x1000xi32, #tpu.memory_space<vmem>> -> memref<1000xi32, #tpu.memory_space<vmem>>
    %dma_wait3A_76 = arith.constant 0 : i32
    %dma_wait3A_77 = arith.constant 0 : i32
    %dma_wait3A_78 = tpu.memref_slice %arg4[%dma_wait3A_76, %dma_wait3A_77] : memref<10000x16xf32, #tpu.memory_space<hbm>> -> memref<10000x16xf32, #tpu.memory_space<hbm>>
    tpu.wait_indirect_dma semaphore(%arg12 : memref<!tpu.dma_semaphore, #tpu.memory_space<semaphore_mem>>) src(%dma_wait3A_78 : memref<10000x16xf32, #tpu.memory_space<hbm>>) dst(%dma_wait3A_72 : memref<1000x16xf32, #tpu.memory_space<vmem>>)
    %dma_start3A_79 = arith.constant 1 : i32
    %dma_start3A_80 = arith.constant 1 : i32
    %dma_start3A_81 = arith.constant 0 : i32
    %dma_start3A_82 = arith.constant 0 : i32
    %dma_start3A_83 = tpu.memref_slice %arg9[%dma_start3A_79, %dma_start3A_81, %dma_start3A_82] : memref<4x1000x16xf32, #tpu.memory_space<vmem>> -> memref<1x1000x16xf32, #tpu.memory_space<vmem>>
    %dma_start3A_84 = tpu.memref_squeeze %dma_start3A_83 : memref<1x1000x16xf32, #tpu.memory_space<vmem>> -> memref<1000x16xf32, #tpu.memory_space<vmem>>
    %dma_start3A_85 = arith.constant 0 : i32
    %dma_start3A_86 = tpu.memref_slice %arg8[%dma_start3A_80, %dma_start3A_85] : memref<10x1000xi32, #tpu.memory_space<vmem>> -> memref<1x1000xi32, #tpu.memory_space<vmem>>
    %dma_start3A_87 = tpu.memref_squeeze %dma_start3A_86 : memref<1x1000xi32, #tpu.memory_space<vmem>> -> memref<1000xi32, #tpu.memory_space<vmem>>
    %dma_start3A_88 = arith.constant 0 : i32
    %dma_start3A_89 = arith.constant 0 : i32
    %dma_start3A_90 = tpu.memref_slice %arg10[%dma_start3A_88, %dma_start3A_89] : memref<10000x16xf32, #tpu.memory_space<vmem_shared>> -> memref<10000x16xf32, #tpu.memory_space<vmem_shared>>
    tpu.enqueue_indirect_dma source(%dma_start3A_84 : memref<1000x16xf32, #tpu.memory_space<vmem>>) target(%dma_start3A_90 : memref<10000x16xf32, #tpu.memory_space<vmem_shared>>) offsets(%dma_start3A_87 : memref<1000xi32, #tpu.memory_space<vmem>>) semaphore(%arg16 : memref<!tpu.dma_semaphore, #tpu.memory_space<semaphore_mem>>) {add = true}
    %dma_start3A_91 = arith.constant 3 : i32
    %dma_start3A_92 = arith.constant 3 : i32
    %dma_start3A_93 = arith.constant 0 : i32
    %dma_start3A_94 = arith.constant 0 : i32
    %dma_start3A_95 = tpu.memref_slice %arg9[%dma_start3A_92, %dma_start3A_93, %dma_start3A_94] : memref<4x1000x16xf32, #tpu.memory_space<vmem>> -> memref<1x1000x16xf32, #tpu.memory_space<vmem>>
    %dma_start3A_96 = tpu.memref_squeeze %dma_start3A_95 : memref<1x1000x16xf32, #tpu.memory_space<vmem>> -> memref<1000x16xf32, #tpu.memory_space<vmem>>
    %dma_start3A_97 = arith.constant 0 : i32
    %dma_start3A_98 = tpu.memref_slice %arg7[%dma_start3A_91, %dma_start3A_97] : memref<10x1000xi32, #tpu.memory_space<vmem>> -> memref<1x1000xi32, #tpu.memory_space<vmem>>
    %dma_start3A_99 = tpu.memref_squeeze %dma_start3A_98 : memref<1x1000xi32, #tpu.memory_space<vmem>> -> memref<1000xi32, #tpu.memory_space<vmem>>
    %dma_start3A_100 = arith.constant 0 : i32
    %dma_start3A_101 = arith.constant 0 : i32
    %dma_start3A_102 = tpu.memref_slice %arg4[%dma_start3A_100, %dma_start3A_101] : memref<10000x16xf32, #tpu.memory_space<hbm>> -> memref<10000x16xf32, #tpu.memory_space<hbm>>
    tpu.enqueue_indirect_dma source(%dma_start3A_102 : memref<10000x16xf32, #tpu.memory_space<hbm>>) target(%dma_start3A_96 : memref<1000x16xf32, #tpu.memory_space<vmem>>) offsets(%dma_start3A_99 : memref<1000xi32, #tpu.memory_space<vmem>>) semaphore(%arg14 : memref<!tpu.dma_semaphore, #tpu.memory_space<semaphore_mem>>)
    %dma_wait3A_103 = arith.constant 2 : i32
    %dma_wait3A_104 = arith.constant 2 : i32
    %dma_wait3A_105 = arith.constant 0 : i32
    %dma_wait3A_106 = arith.constant 0 : i32
    %dma_wait3A_107 = tpu.memref_slice %arg9[%dma_wait3A_104, %dma_wait3A_105, %dma_wait3A_106] : memref<4x1000x16xf32, #tpu.memory_space<vmem>> -> memref<1x1000x16xf32, #tpu.memory_space<vmem>>
    %dma_wait3A_108 = tpu.memref_squeeze %dma_wait3A_107 : memref<1x1000x16xf32, #tpu.memory_space<vmem>> -> memref<1000x16xf32, #tpu.memory_space<vmem>>
    %dma_wait3A_109 = arith.constant 0 : i32
    %dma_wait3A_110 = tpu.memref_slice %arg7[%dma_wait3A_103, %dma_wait3A_109] : memref<10x1000xi32, #tpu.memory_space<vmem>> -> memref<1x1000xi32, #tpu.memory_space<vmem>>
    %dma_wait3A_111 = tpu.memref_squeeze %dma_wait3A_110 : memref<1x1000xi32, #tpu.memory_space<vmem>> -> memref<1000xi32, #tpu.memory_space<vmem>>
    %dma_wait3A_112 = arith.constant 0 : i32
    %dma_wait3A_113 = arith.constant 0 : i32
    %dma_wait3A_114 = tpu.memref_slice %arg4[%dma_wait3A_112, %dma_wait3A_113] : memref<10000x16xf32, #tpu.memory_space<hbm>> -> memref<10000x16xf32, #tpu.memory_space<hbm>>
    tpu.wait_indirect_dma semaphore(%arg13 : memref<!tpu.dma_semaphore, #tpu.memory_space<semaphore_mem>>) src(%dma_wait3A_114 : memref<10000x16xf32, #tpu.memory_space<hbm>>) dst(%dma_wait3A_108 : memref<1000x16xf32, #tpu.memory_space<vmem>>)
    %dma_start3A_115 = arith.constant 2 : i32
    %dma_start3A_116 = arith.constant 2 : i32
    %dma_start3A_117 = arith.constant 0 : i32
    %dma_start3A_118 = arith.constant 0 : i32
    %dma_start3A_119 = tpu.memref_slice %arg9[%dma_start3A_115, %dma_start3A_117, %dma_start3A_118] : memref<4x1000x16xf32, #tpu.memory_space<vmem>> -> memref<1x1000x16xf32, #tpu.memory_space<vmem>>
    %dma_start3A_120 = tpu.memref_squeeze %dma_start3A_119 : memref<1x1000x16xf32, #tpu.memory_space<vmem>> -> memref<1000x16xf32, #tpu.memory_space<vmem>>
    %dma_start3A_121 = arith.constant 0 : i32
    %dma_start3A_122 = tpu.memref_slice %arg8[%dma_start3A_116, %dma_start3A_121] : memref<10x1000xi32, #tpu.memory_space<vmem>> -> memref<1x1000xi32, #tpu.memory_space<vmem>>
    %dma_start3A_123 = tpu.memref_squeeze %dma_start3A_122 : memref<1x1000xi32, #tpu.memory_space<vmem>> -> memref<1000xi32, #tpu.memory_space<vmem>>
    %dma_start3A_124 = arith.constant 0 : i32
    %dma_start3A_125 = arith.constant 0 : i32
    %dma_start3A_126 = tpu.memref_slice %arg10[%dma_start3A_124, %dma_start3A_125] : memref<10000x16xf32, #tpu.memory_space<vmem_shared>> -> memref<10000x16xf32, #tpu.memory_space<vmem_shared>>
    tpu.enqueue_indirect_dma source(%dma_start3A_120 : memref<1000x16xf32, #tpu.memory_space<vmem>>) target(%dma_start3A_126 : memref<10000x16xf32, #tpu.memory_space<vmem_shared>>) offsets(%dma_start3A_123 : memref<1000xi32, #tpu.memory_space<vmem>>) semaphore(%arg17 : memref<!tpu.dma_semaphore, #tpu.memory_space<semaphore_mem>>) {add = true}
    %dma_wait3A_127 = arith.constant 0 : i32
    %dma_wait3A_128 = arith.constant 0 : i32
    %dma_wait3A_129 = arith.constant 0 : i32
    %dma_wait3A_130 = arith.constant 0 : i32
    %dma_wait3A_131 = tpu.memref_slice %arg9[%dma_wait3A_127, %dma_wait3A_129, %dma_wait3A_130] : memref<4x1000x16xf32, #tpu.memory_space<vmem>> -> memref<1x1000x16xf32, #tpu.memory_space<vmem>>
    %dma_wait3A_132 = tpu.memref_squeeze %dma_wait3A_131 : memref<1x1000x16xf32, #tpu.memory_space<vmem>> -> memref<1000x16xf32, #tpu.memory_space<vmem>>
    %dma_wait3A_133 = arith.constant 0 : i32
    %dma_wait3A_134 = tpu.memref_slice %arg8[%dma_wait3A_128, %dma_wait3A_133] : memref<10x1000xi32, #tpu.memory_space<vmem>> -> memref<1x1000xi32, #tpu.memory_space<vmem>>
    %dma_wait3A_135 = tpu.memref_squeeze %dma_wait3A_134 : memref<1x1000xi32, #tpu.memory_space<vmem>> -> memref<1000xi32, #tpu.memory_space<vmem>>
    %dma_wait3A_136 = arith.constant 0 : i32
    %dma_wait3A_137 = arith.constant 0 : i32
    %dma_wait3A_138 = tpu.memref_slice %arg10[%dma_wait3A_136, %dma_wait3A_137] : memref<10000x16xf32, #tpu.memory_space<vmem_shared>> -> memref<10000x16xf32, #tpu.memory_space<vmem_shared>>
    tpu.wait_indirect_dma semaphore(%arg15 : memref<!tpu.dma_semaphore, #tpu.memory_space<semaphore_mem>>) src(%dma_wait3A_132 : memref<1000x16xf32, #tpu.memory_space<vmem>>) dst(%dma_wait3A_138 : memref<10000x16xf32, #tpu.memory_space<vmem_shared>>)
    %dma_start3A_139 = arith.constant 4 : i32
    %dma_start3A_140 = arith.constant 0 : i32
    %dma_start3A_141 = arith.constant 0 : i32
    %dma_start3A_142 = arith.constant 0 : i32
    %dma_start3A_143 = tpu.memref_slice %arg9[%dma_start3A_140, %dma_start3A_141, %dma_start3A_142] : memref<4x1000x16xf32, #tpu.memory_space<vmem>> -> memref<1x1000x16xf32, #tpu.memory_space<vmem>>
    %dma_start3A_144 = tpu.memref_squeeze %dma_start3A_143 : memref<1x1000x16xf32, #tpu.memory_space<vmem>> -> memref<1000x16xf32, #tpu.memory_space<vmem>>
    %dma_start3A_145 = arith.constant 0 : i32
    %dma_start3A_146 = tpu.memref_slice %arg7[%dma_start3A_139, %dma_start3A_145] : memref<10x1000xi32, #tpu.memory_space<vmem>> -> memref<1x1000xi32, #tpu.memory_space<vmem>>
    %dma_start3A_147 = tpu.memref_squeeze %dma_start3A_146 : memref<1x1000xi32, #tpu.memory_space<vmem>> -> memref<1000xi32, #tpu.memory_space<vmem>>
    %dma_start3A_148 = arith.constant 0 : i32
    %dma_start3A_149 = arith.constant 0 : i32
    %dma_start3A_150 = tpu.memref_slice %arg4[%dma_start3A_148, %dma_start3A_149] : memref<10000x16xf32, #tpu.memory_space<hbm>> -> memref<10000x16xf32, #tpu.memory_space<hbm>>
    tpu.enqueue_indirect_dma source(%dma_start3A_150 : memref<10000x16xf32, #tpu.memory_space<hbm>>) target(%dma_start3A_144 : memref<1000x16xf32, #tpu.memory_space<vmem>>) offsets(%dma_start3A_147 : memref<1000xi32, #tpu.memory_space<vmem>>) semaphore(%arg11 : memref<!tpu.dma_semaphore, #tpu.memory_space<semaphore_mem>>)
    %dma_wait3A_151 = arith.constant 3 : i32
    %dma_wait3A_152 = arith.constant 3 : i32
    %dma_wait3A_153 = arith.constant 0 : i32
    %dma_wait3A_154 = arith.constant 0 : i32
    %dma_wait3A_155 = tpu.memref_slice %arg9[%dma_wait3A_152, %dma_wait3A_153, %dma_wait3A_154] : memref<4x1000x16xf32, #tpu.memory_space<vmem>> -> memref<1x1000x16xf32, #tpu.memory_space<vmem>>
    %dma_wait3A_156 = tpu.memref_squeeze %dma_wait3A_155 : memref<1x1000x16xf32, #tpu.memory_space<vmem>> -> memref<1000x16xf32, #tpu.memory_space<vmem>>
    %dma_wait3A_157 = arith.constant 0 : i32
    %dma_wait3A_158 = tpu.memref_slice %arg7[%dma_wait3A_151, %dma_wait3A_157] : memref<10x1000xi32, #tpu.memory_space<vmem>> -> memref<1x1000xi32, #tpu.memory_space<vmem>>
    %dma_wait3A_159 = tpu.memref_squeeze %dma_wait3A_158 : memref<1x1000xi32, #tpu.memory_space<vmem>> -> memref<1000xi32, #tpu.memory_space<vmem>>
    %dma_wait3A_160 = arith.constant 0 : i32
    %dma_wait3A_161 = arith.constant 0 : i32
    %dma_wait3A_162 = tpu.memref_slice %arg4[%dma_wait3A_160, %dma_wait3A_161] : memref<10000x16xf32, #tpu.memory_space<hbm>> -> memref<10000x16xf32, #tpu.memory_space<hbm>>
    tpu.wait_indirect_dma semaphore(%arg14 : memref<!tpu.dma_semaphore, #tpu.memory_space<semaphore_mem>>) src(%dma_wait3A_162 : memref<10000x16xf32, #tpu.memory_space<hbm>>) dst(%dma_wait3A_156 : memref<1000x16xf32, #tpu.memory_space<vmem>>)
    %dma_start3A_163 = arith.constant 3 : i32
    %dma_start3A_164 = arith.constant 3 : i32
    %dma_start3A_165 = arith.constant 0 : i32
    %dma_start3A_166 = arith.constant 0 : i32
    %dma_start3A_167 = tpu.memref_slice %arg9[%dma_start3A_163, %dma_start3A_165, %dma_start3A_166] : memref<4x1000x16xf32, #tpu.memory_space<vmem>> -> memref<1x1000x16xf32, #tpu.memory_space<vmem>>
    %dma_start3A_168 = tpu.memref_squeeze %dma_start3A_167 : memref<1x1000x16xf32, #tpu.memory_space<vmem>> -> memref<1000x16xf32, #tpu.memory_space<vmem>>
    %dma_start3A_169 = arith.constant 0 : i32
    %dma_start3A_170 = tpu.memref_slice %arg8[%dma_start3A_164, %dma_start3A_169] : memref<10x1000xi32, #tpu.memory_space<vmem>> -> memref<1x1000xi32, #tpu.memory_space<vmem>>
    %dma_start3A_171 = tpu.memref_squeeze %dma_start3A_170 : memref<1x1000xi32, #tpu.memory_space<vmem>> -> memref<1000xi32, #tpu.memory_space<vmem>>
    %dma_start3A_172 = arith.constant 0 : i32
    %dma_start3A_173 = arith.constant 0 : i32
    %dma_start3A_174 = tpu.memref_slice %arg10[%dma_start3A_172, %dma_start3A_173] : memref<10000x16xf32, #tpu.memory_space<vmem_shared>> -> memref<10000x16xf32, #tpu.memory_space<vmem_shared>>
    tpu.enqueue_indirect_dma source(%dma_start3A_168 : memref<1000x16xf32, #tpu.memory_space<vmem>>) target(%dma_start3A_174 : memref<10000x16xf32, #tpu.memory_space<vmem_shared>>) offsets(%dma_start3A_171 : memref<1000xi32, #tpu.memory_space<vmem>>) semaphore(%arg18 : memref<!tpu.dma_semaphore, #tpu.memory_space<semaphore_mem>>) {add = true}
    %dma_wait3A_175 = arith.constant 1 : i32
    %dma_wait3A_176 = arith.constant 1 : i32
    %dma_wait3A_177 = arith.constant 0 : i32
    %dma_wait3A_178 = arith.constant 0 : i32
    %dma_wait3A_179 = tpu.memref_slice %arg9[%dma_wait3A_175, %dma_wait3A_177, %dma_wait3A_178] : memref<4x1000x16xf32, #tpu.memory_space<vmem>> -> memref<1x1000x16xf32, #tpu.memory_space<vmem>>
    %dma_wait3A_180 = tpu.memref_squeeze %dma_wait3A_179 : memref<1x1000x16xf32, #tpu.memory_space<vmem>> -> memref<1000x16xf32, #tpu.memory_space<vmem>>
    %dma_wait3A_181 = arith.constant 0 : i32
    %dma_wait3A_182 = tpu.memref_slice %arg8[%dma_wait3A_176, %dma_wait3A_181] : memref<10x1000xi32, #tpu.memory_space<vmem>> -> memref<1x1000xi32, #tpu.memory_space<vmem>>
    %dma_wait3A_183 = tpu.memref_squeeze %dma_wait3A_182 : memref<1x1000xi32, #tpu.memory_space<vmem>> -> memref<1000xi32, #tpu.memory_space<vmem>>
    %dma_wait3A_184 = arith.constant 0 : i32
    %dma_wait3A_185 = arith.constant 0 : i32
    %dma_wait3A_186 = tpu.memref_slice %arg10[%dma_wait3A_184, %dma_wait3A_185] : memref<10000x16xf32, #tpu.memory_space<vmem_shared>> -> memref<10000x16xf32, #tpu.memory_space<vmem_shared>>
    tpu.wait_indirect_dma semaphore(%arg16 : memref<!tpu.dma_semaphore, #tpu.memory_space<semaphore_mem>>) src(%dma_wait3A_180 : memref<1000x16xf32, #tpu.memory_space<vmem>>) dst(%dma_wait3A_186 : memref<10000x16xf32, #tpu.memory_space<vmem_shared>>)
    %dma_start3A_187 = arith.constant 5 : i32
    %dma_start3A_188 = arith.constant 1 : i32
    %dma_start3A_189 = arith.constant 0 : i32
    %dma_start3A_190 = arith.constant 0 : i32
    %dma_start3A_191 = tpu.memref_slice %arg9[%dma_start3A_188, %dma_start3A_189, %dma_start3A_190] : memref<4x1000x16xf32, #tpu.memory_space<vmem>> -> memref<1x1000x16xf32, #tpu.memory_space<vmem>>
    %dma_start3A_192 = tpu.memref_squeeze %dma_start3A_191 : memref<1x1000x16xf32, #tpu.memory_space<vmem>> -> memref<1000x16xf32, #tpu.memory_space<vmem>>
    %dma_start3A_193 = arith.constant 0 : i32
    %dma_start3A_194 = tpu.memref_slice %arg7[%dma_start3A_187, %dma_start3A_193] : memref<10x1000xi32, #tpu.memory_space<vmem>> -> memref<1x1000xi32, #tpu.memory_space<vmem>>
    %dma_start3A_195 = tpu.memref_squeeze %dma_start3A_194 : memref<1x1000xi32, #tpu.memory_space<vmem>> -> memref<1000xi32, #tpu.memory_space<vmem>>
    %dma_start3A_196 = arith.constant 0 : i32
    %dma_start3A_197 = arith.constant 0 : i32
    %dma_start3A_198 = tpu.memref_slice %arg4[%dma_start3A_196, %dma_start3A_197] : memref<10000x16xf32, #tpu.memory_space<hbm>> -> memref<10000x16xf32, #tpu.memory_space<hbm>>
    tpu.enqueue_indirect_dma source(%dma_start3A_198 : memref<10000x16xf32, #tpu.memory_space<hbm>>) target(%dma_start3A_192 : memref<1000x16xf32, #tpu.memory_space<vmem>>) offsets(%dma_start3A_195 : memref<1000xi32, #tpu.memory_space<vmem>>) semaphore(%arg12 : memref<!tpu.dma_semaphore, #tpu.memory_space<semaphore_mem>>)
    %dma_wait3A_199 = arith.constant 4 : i32
    %dma_wait3A_200 = arith.constant 0 : i32
    %dma_wait3A_201 = arith.constant 0 : i32
    %dma_wait3A_202 = arith.constant 0 : i32
    %dma_wait3A_203 = tpu.memref_slice %arg9[%dma_wait3A_200, %dma_wait3A_201, %dma_wait3A_202] : memref<4x1000x16xf32, #tpu.memory_space<vmem>> -> memref<1x1000x16xf32, #tpu.memory_space<vmem>>
    %dma_wait3A_204 = tpu.memref_squeeze %dma_wait3A_203 : memref<1x1000x16xf32, #tpu.memory_space<vmem>> -> memref<1000x16xf32, #tpu.memory_space<vmem>>
    %dma_wait3A_205 = arith.constant 0 : i32
    %dma_wait3A_206 = tpu.memref_slice %arg7[%dma_wait3A_199, %dma_wait3A_205] : memref<10x1000xi32, #tpu.memory_space<vmem>> -> memref<1x1000xi32, #tpu.memory_space<vmem>>
    %dma_wait3A_207 = tpu.memref_squeeze %dma_wait3A_206 : memref<1x1000xi32, #tpu.memory_space<vmem>> -> memref<1000xi32, #tpu.memory_space<vmem>>
    %dma_wait3A_208 = arith.constant 0 : i32
    %dma_wait3A_209 = arith.constant 0 : i32
    %dma_wait3A_210 = tpu.memref_slice %arg4[%dma_wait3A_208, %dma_wait3A_209] : memref<10000x16xf32, #tpu.memory_space<hbm>> -> memref<10000x16xf32, #tpu.memory_space<hbm>>
    tpu.wait_indirect_dma semaphore(%arg11 : memref<!tpu.dma_semaphore, #tpu.memory_space<semaphore_mem>>) src(%dma_wait3A_210 : memref<10000x16xf32, #tpu.memory_space<hbm>>) dst(%dma_wait3A_204 : memref<1000x16xf32, #tpu.memory_space<vmem>>)
    %dma_start3A_211 = arith.constant 0 : i32
    %dma_start3A_212 = arith.constant 4 : i32
    %dma_start3A_213 = arith.constant 0 : i32
    %dma_start3A_214 = arith.constant 0 : i32
    %dma_start3A_215 = tpu.memref_slice %arg9[%dma_start3A_211, %dma_start3A_213, %dma_start3A_214] : memref<4x1000x16xf32, #tpu.memory_space<vmem>> -> memref<1x1000x16xf32, #tpu.memory_space<vmem>>
    %dma_start3A_216 = tpu.memref_squeeze %dma_start3A_215 : memref<1x1000x16xf32, #tpu.memory_space<vmem>> -> memref<1000x16xf32, #tpu.memory_space<vmem>>
    %dma_start3A_217 = arith.constant 0 : i32
    %dma_start3A_218 = tpu.memref_slice %arg8[%dma_start3A_212, %dma_start3A_217] : memref<10x1000xi32, #tpu.memory_space<vmem>> -> memref<1x1000xi32, #tpu.memory_space<vmem>>
    %dma_start3A_219 = tpu.memref_squeeze %dma_start3A_218 : memref<1x1000xi32, #tpu.memory_space<vmem>> -> memref<1000xi32, #tpu.memory_space<vmem>>
    %dma_start3A_220 = arith.constant 0 : i32
    %dma_start3A_221 = arith.constant 0 : i32
    %dma_start3A_222 = tpu.memref_slice %arg10[%dma_start3A_220, %dma_start3A_221] : memref<10000x16xf32, #tpu.memory_space<vmem_shared>> -> memref<10000x16xf32, #tpu.memory_space<vmem_shared>>
    tpu.enqueue_indirect_dma source(%dma_start3A_216 : memref<1000x16xf32, #tpu.memory_space<vmem>>) target(%dma_start3A_222 : memref<10000x16xf32, #tpu.memory_space<vmem_shared>>) offsets(%dma_start3A_219 : memref<1000xi32, #tpu.memory_space<vmem>>) semaphore(%arg15 : memref<!tpu.dma_semaphore, #tpu.memory_space<semaphore_mem>>) {add = true}
    %dma_wait3A_223 = arith.constant 2 : i32
    %dma_wait3A_224 = arith.constant 2 : i32
    %dma_wait3A_225 = arith.constant 0 : i32
    %dma_wait3A_226 = arith.constant 0 : i32
    %dma_wait3A_227 = tpu.memref_slice %arg9[%dma_wait3A_223, %dma_wait3A_225, %dma_wait3A_226] : memref<4x1000x16xf32, #tpu.memory_space<vmem>> -> memref<1x1000x16xf32, #tpu.memory_space<vmem>>
    %dma_wait3A_228 = tpu.memref_squeeze %dma_wait3A_227 : memref<1x1000x16xf32, #tpu.memory_space<vmem>> -> memref<1000x16xf32, #tpu.memory_space<vmem>>
    %dma_wait3A_229 = arith.constant 0 : i32
    %dma_wait3A_230 = tpu.memref_slice %arg8[%dma_wait3A_224, %dma_wait3A_229] : memref<10x1000xi32, #tpu.memory_space<vmem>> -> memref<1x1000xi32, #tpu.memory_space<vmem>>
    %dma_wait3A_231 = tpu.memref_squeeze %dma_wait3A_230 : memref<1x1000xi32, #tpu.memory_space<vmem>> -> memref<1000xi32, #tpu.memory_space<vmem>>
    %dma_wait3A_232 = arith.constant 0 : i32
    %dma_wait3A_233 = arith.constant 0 : i32
    %dma_wait3A_234 = tpu.memref_slice %arg10[%dma_wait3A_232, %dma_wait3A_233] : memref<10000x16xf32, #tpu.memory_space<vmem_shared>> -> memref<10000x16xf32, #tpu.memory_space<vmem_shared>>
    tpu.wait_indirect_dma semaphore(%arg17 : memref<!tpu.dma_semaphore, #tpu.memory_space<semaphore_mem>>) src(%dma_wait3A_228 : memref<1000x16xf32, #tpu.memory_space<vmem>>) dst(%dma_wait3A_234 : memref<10000x16xf32, #tpu.memory_space<vmem_shared>>)
    %dma_start3A_235 = arith.constant 6 : i32
    %dma_start3A_236 = arith.constant 2 : i32
    %dma_start3A_237 = arith.constant 0 : i32
    %dma_start3A_238 = arith.constant 0 : i32
    %dma_start3A_239 = tpu.memref_slice %arg9[%dma_start3A_236, %dma_start3A_237, %dma_start3A_238] : memref<4x1000x16xf32, #tpu.memory_space<vmem>> -> memref<1x1000x16xf32, #tpu.memory_space<vmem>>
    %dma_start3A_240 = tpu.memref_squeeze %dma_start3A_239 : memref<1x1000x16xf32, #tpu.memory_space<vmem>> -> memref<1000x16xf32, #tpu.memory_space<vmem>>
    %dma_start3A_241 = arith.constant 0 : i32
    %dma_start3A_242 = tpu.memref_slice %arg7[%dma_start3A_235, %dma_start3A_241] : memref<10x1000xi32, #tpu.memory_space<vmem>> -> memref<1x1000xi32, #tpu.memory_space<vmem>>
    %dma_start3A_243 = tpu.memref_squeeze %dma_start3A_242 : memref<1x1000xi32, #tpu.memory_space<vmem>> -> memref<1000xi32, #tpu.memory_space<vmem>>
    %dma_start3A_244 = arith.constant 0 : i32
    %dma_start3A_245 = arith.constant 0 : i32
    %dma_start3A_246 = tpu.memref_slice %arg4[%dma_start3A_244, %dma_start3A_245] : memref<10000x16xf32, #tpu.memory_space<hbm>> -> memref<10000x16xf32, #tpu.memory_space<hbm>>
    tpu.enqueue_indirect_dma source(%dma_start3A_246 : memref<10000x16xf32, #tpu.memory_space<hbm>>) target(%dma_start3A_240 : memref<1000x16xf32, #tpu.memory_space<vmem>>) offsets(%dma_start3A_243 : memref<1000xi32, #tpu.memory_space<vmem>>) semaphore(%arg13 : memref<!tpu.dma_semaphore, #tpu.memory_space<semaphore_mem>>)
    %dma_wait3A_247 = arith.constant 5 : i32
    %dma_wait3A_248 = arith.constant 1 : i32
    %dma_wait3A_249 = arith.constant 0 : i32
    %dma_wait3A_250 = arith.constant 0 : i32
    %dma_wait3A_251 = tpu.memref_slice %arg9[%dma_wait3A_248, %dma_wait3A_249, %dma_wait3A_250] : memref<4x1000x16xf32, #tpu.memory_space<vmem>> -> memref<1x1000x16xf32, #tpu.memory_space<vmem>>
    %dma_wait3A_252 = tpu.memref_squeeze %dma_wait3A_251 : memref<1x1000x16xf32, #tpu.memory_space<vmem>> -> memref<1000x16xf32, #tpu.memory_space<vmem>>
    %dma_wait3A_253 = arith.constant 0 : i32
    %dma_wait3A_254 = tpu.memref_slice %arg7[%dma_wait3A_247, %dma_wait3A_253] : memref<10x1000xi32, #tpu.memory_space<vmem>> -> memref<1x1000xi32, #tpu.memory_space<vmem>>
    %dma_wait3A_255 = tpu.memref_squeeze %dma_wait3A_254 : memref<1x1000xi32, #tpu.memory_space<vmem>> -> memref<1000xi32, #tpu.memory_space<vmem>>
    %dma_wait3A_256 = arith.constant 0 : i32
    %dma_wait3A_257 = arith.constant 0 : i32
    %dma_wait3A_258 = tpu.memref_slice %arg4[%dma_wait3A_256, %dma_wait3A_257] : memref<10000x16xf32, #tpu.memory_space<hbm>> -> memref<10000x16xf32, #tpu.memory_space<hbm>>
    tpu.wait_indirect_dma semaphore(%arg12 : memref<!tpu.dma_semaphore, #tpu.memory_space<semaphore_mem>>) src(%dma_wait3A_258 : memref<10000x16xf32, #tpu.memory_space<hbm>>) dst(%dma_wait3A_252 : memref<1000x16xf32, #tpu.memory_space<vmem>>)
    %dma_start3A_259 = arith.constant 1 : i32
    %dma_start3A_260 = arith.constant 5 : i32
    %dma_start3A_261 = arith.constant 0 : i32
    %dma_start3A_262 = arith.constant 0 : i32
    %dma_start3A_263 = tpu.memref_slice %arg9[%dma_start3A_259, %dma_start3A_261, %dma_start3A_262] : memref<4x1000x16xf32, #tpu.memory_space<vmem>> -> memref<1x1000x16xf32, #tpu.memory_space<vmem>>
    %dma_start3A_264 = tpu.memref_squeeze %dma_start3A_263 : memref<1x1000x16xf32, #tpu.memory_space<vmem>> -> memref<1000x16xf32, #tpu.memory_space<vmem>>
    %dma_start3A_265 = arith.constant 0 : i32
    %dma_start3A_266 = tpu.memref_slice %arg8[%dma_start3A_260, %dma_start3A_265] : memref<10x1000xi32, #tpu.memory_space<vmem>> -> memref<1x1000xi32, #tpu.memory_space<vmem>>
    %dma_start3A_267 = tpu.memref_squeeze %dma_start3A_266 : memref<1x1000xi32, #tpu.memory_space<vmem>> -> memref<1000xi32, #tpu.memory_space<vmem>>
    %dma_start3A_268 = arith.constant 0 : i32
    %dma_start3A_269 = arith.constant 0 : i32
    %dma_start3A_270 = tpu.memref_slice %arg10[%dma_start3A_268, %dma_start3A_269] : memref<10000x16xf32, #tpu.memory_space<vmem_shared>> -> memref<10000x16xf32, #tpu.memory_space<vmem_shared>>
    tpu.enqueue_indirect_dma source(%dma_start3A_264 : memref<1000x16xf32, #tpu.memory_space<vmem>>) target(%dma_start3A_270 : memref<10000x16xf32, #tpu.memory_space<vmem_shared>>) offsets(%dma_start3A_267 : memref<1000xi32, #tpu.memory_space<vmem>>) semaphore(%arg16 : memref<!tpu.dma_semaphore, #tpu.memory_space<semaphore_mem>>) {add = true}
    %dma_wait3A_271 = arith.constant 3 : i32
    %dma_wait3A_272 = arith.constant 3 : i32
    %dma_wait3A_273 = arith.constant 0 : i32
    %dma_wait3A_274 = arith.constant 0 : i32
    %dma_wait3A_275 = tpu.memref_slice %arg9[%dma_wait3A_271, %dma_wait3A_273, %dma_wait3A_274] : memref<4x1000x16xf32, #tpu.memory_space<vmem>> -> memref<1x1000x16xf32, #tpu.memory_space<vmem>>
    %dma_wait3A_276 = tpu.memref_squeeze %dma_wait3A_275 : memref<1x1000x16xf32, #tpu.memory_space<vmem>> -> memref<1000x16xf32, #tpu.memory_space<vmem>>
    %dma_wait3A_277 = arith.constant 0 : i32
    %dma_wait3A_278 = tpu.memref_slice %arg8[%dma_wait3A_272, %dma_wait3A_277] : memref<10x1000xi32, #tpu.memory_space<vmem>> -> memref<1x1000xi32, #tpu.memory_space<vmem>>
    %dma_wait3A_279 = tpu.memref_squeeze %dma_wait3A_278 : memref<1x1000xi32, #tpu.memory_space<vmem>> -> memref<1000xi32, #tpu.memory_space<vmem>>
    %dma_wait3A_280 = arith.constant 0 : i32
    %dma_wait3A_281 = arith.constant 0 : i32
    %dma_wait3A_282 = tpu.memref_slice %arg10[%dma_wait3A_280, %dma_wait3A_281] : memref<10000x16xf32, #tpu.memory_space<vmem_shared>> -> memref<10000x16xf32, #tpu.memory_space<vmem_shared>>
    tpu.wait_indirect_dma semaphore(%arg18 : memref<!tpu.dma_semaphore, #tpu.memory_space<semaphore_mem>>) src(%dma_wait3A_276 : memref<1000x16xf32, #tpu.memory_space<vmem>>) dst(%dma_wait3A_282 : memref<10000x16xf32, #tpu.memory_space<vmem_shared>>)
    %dma_start3A_283 = arith.constant 7 : i32
    %dma_start3A_284 = arith.constant 3 : i32
    %dma_start3A_285 = arith.constant 0 : i32
    %dma_start3A_286 = arith.constant 0 : i32
    %dma_start3A_287 = tpu.memref_slice %arg9[%dma_start3A_284, %dma_start3A_285, %dma_start3A_286] : memref<4x1000x16xf32, #tpu.memory_space<vmem>> -> memref<1x1000x16xf32, #tpu.memory_space<vmem>>
    %dma_start3A_288 = tpu.memref_squeeze %dma_start3A_287 : memref<1x1000x16xf32, #tpu.memory_space<vmem>> -> memref<1000x16xf32, #tpu.memory_space<vmem>>
    %dma_start3A_289 = arith.constant 0 : i32
    %dma_start3A_290 = tpu.memref_slice %arg7[%dma_start3A_283, %dma_start3A_289] : memref<10x1000xi32, #tpu.memory_space<vmem>> -> memref<1x1000xi32, #tpu.memory_space<vmem>>
    %dma_start3A_291 = tpu.memref_squeeze %dma_start3A_290 : memref<1x1000xi32, #tpu.memory_space<vmem>> -> memref<1000xi32, #tpu.memory_space<vmem>>
    %dma_start3A_292 = arith.constant 0 : i32
    %dma_start3A_293 = arith.constant 0 : i32
    %dma_start3A_294 = tpu.memref_slice %arg4[%dma_start3A_292, %dma_start3A_293] : memref<10000x16xf32, #tpu.memory_space<hbm>> -> memref<10000x16xf32, #tpu.memory_space<hbm>>
    tpu.enqueue_indirect_dma source(%dma_start3A_294 : memref<10000x16xf32, #tpu.memory_space<hbm>>) target(%dma_start3A_288 : memref<1000x16xf32, #tpu.memory_space<vmem>>) offsets(%dma_start3A_291 : memref<1000xi32, #tpu.memory_space<vmem>>) semaphore(%arg14 : memref<!tpu.dma_semaphore, #tpu.memory_space<semaphore_mem>>)
    %dma_wait3A_295 = arith.constant 6 : i32
    %dma_wait3A_296 = arith.constant 2 : i32
    %dma_wait3A_297 = arith.constant 0 : i32
    %dma_wait3A_298 = arith.constant 0 : i32
    %dma_wait3A_299 = tpu.memref_slice %arg9[%dma_wait3A_296, %dma_wait3A_297, %dma_wait3A_298] : memref<4x1000x16xf32, #tpu.memory_space<vmem>> -> memref<1x1000x16xf32, #tpu.memory_space<vmem>>
    %dma_wait3A_300 = tpu.memref_squeeze %dma_wait3A_299 : memref<1x1000x16xf32, #tpu.memory_space<vmem>> -> memref<1000x16xf32, #tpu.memory_space<vmem>>
    %dma_wait3A_301 = arith.constant 0 : i32
    %dma_wait3A_302 = tpu.memref_slice %arg7[%dma_wait3A_295, %dma_wait3A_301] : memref<10x1000xi32, #tpu.memory_space<vmem>> -> memref<1x1000xi32, #tpu.memory_space<vmem>>
    %dma_wait3A_303 = tpu.memref_squeeze %dma_wait3A_302 : memref<1x1000xi32, #tpu.memory_space<vmem>> -> memref<1000xi32, #tpu.memory_space<vmem>>
    %dma_wait3A_304 = arith.constant 0 : i32
    %dma_wait3A_305 = arith.constant 0 : i32
    %dma_wait3A_306 = tpu.memref_slice %arg4[%dma_wait3A_304, %dma_wait3A_305] : memref<10000x16xf32, #tpu.memory_space<hbm>> -> memref<10000x16xf32, #tpu.memory_space<hbm>>
    tpu.wait_indirect_dma semaphore(%arg13 : memref<!tpu.dma_semaphore, #tpu.memory_space<semaphore_mem>>) src(%dma_wait3A_306 : memref<10000x16xf32, #tpu.memory_space<hbm>>) dst(%dma_wait3A_300 : memref<1000x16xf32, #tpu.memory_space<vmem>>)
    %dma_start3A_307 = arith.constant 2 : i32
    %dma_start3A_308 = arith.constant 6 : i32
    %dma_start3A_309 = arith.constant 0 : i32
    %dma_start3A_310 = arith.constant 0 : i32
    %dma_start3A_311 = tpu.memref_slice %arg9[%dma_start3A_307, %dma_start3A_309, %dma_start3A_310] : memref<4x1000x16xf32, #tpu.memory_space<vmem>> -> memref<1x1000x16xf32, #tpu.memory_space<vmem>>
    %dma_start3A_312 = tpu.memref_squeeze %dma_start3A_311 : memref<1x1000x16xf32, #tpu.memory_space<vmem>> -> memref<1000x16xf32, #tpu.memory_space<vmem>>
    %dma_start3A_313 = arith.constant 0 : i32
    %dma_start3A_314 = tpu.memref_slice %arg8[%dma_start3A_308, %dma_start3A_313] : memref<10x1000xi32, #tpu.memory_space<vmem>> -> memref<1x1000xi32, #tpu.memory_space<vmem>>
    %dma_start3A_315 = tpu.memref_squeeze %dma_start3A_314 : memref<1x1000xi32, #tpu.memory_space<vmem>> -> memref<1000xi32, #tpu.memory_space<vmem>>
    %dma_start3A_316 = arith.constant 0 : i32
    %dma_start3A_317 = arith.constant 0 : i32
    %dma_start3A_318 = tpu.memref_slice %arg10[%dma_start3A_316, %dma_start3A_317] : memref<10000x16xf32, #tpu.memory_space<vmem_shared>> -> memref<10000x16xf32, #tpu.memory_space<vmem_shared>>
    tpu.enqueue_indirect_dma source(%dma_start3A_312 : memref<1000x16xf32, #tpu.memory_space<vmem>>) target(%dma_start3A_318 : memref<10000x16xf32, #tpu.memory_space<vmem_shared>>) offsets(%dma_start3A_315 : memref<1000xi32, #tpu.memory_space<vmem>>) semaphore(%arg17 : memref<!tpu.dma_semaphore, #tpu.memory_space<semaphore_mem>>) {add = true}
    %dma_wait3A_319 = arith.constant 0 : i32
    %dma_wait3A_320 = arith.constant 4 : i32
    %dma_wait3A_321 = arith.constant 0 : i32
    %dma_wait3A_322 = arith.constant 0 : i32
    %dma_wait3A_323 = tpu.memref_slice %arg9[%dma_wait3A_319, %dma_wait3A_321, %dma_wait3A_322] : memref<4x1000x16xf32, #tpu.memory_space<vmem>> -> memref<1x1000x16xf32, #tpu.memory_space<vmem>>
    %dma_wait3A_324 = tpu.memref_squeeze %dma_wait3A_323 : memref<1x1000x16xf32, #tpu.memory_space<vmem>> -> memref<1000x16xf32, #tpu.memory_space<vmem>>
    %dma_wait3A_325 = arith.constant 0 : i32
    %dma_wait3A_326 = tpu.memref_slice %arg8[%dma_wait3A_320, %dma_wait3A_325] : memref<10x1000xi32, #tpu.memory_space<vmem>> -> memref<1x1000xi32, #tpu.memory_space<vmem>>
    %dma_wait3A_327 = tpu.memref_squeeze %dma_wait3A_326 : memref<1x1000xi32, #tpu.memory_space<vmem>> -> memref<1000xi32, #tpu.memory_space<vmem>>
    %dma_wait3A_328 = arith.constant 0 : i32
    %dma_wait3A_329 = arith.constant 0 : i32
    %dma_wait3A_330 = tpu.memref_slice %arg10[%dma_wait3A_328, %dma_wait3A_329] : memref<10000x16xf32, #tpu.memory_space<vmem_shared>> -> memref<10000x16xf32, #tpu.memory_space<vmem_shared>>
    tpu.wait_indirect_dma semaphore(%arg15 : memref<!tpu.dma_semaphore, #tpu.memory_space<semaphore_mem>>) src(%dma_wait3A_324 : memref<1000x16xf32, #tpu.memory_space<vmem>>) dst(%dma_wait3A_330 : memref<10000x16xf32, #tpu.memory_space<vmem_shared>>)
    %dma_start3A_331 = arith.constant 8 : i32
    %dma_start3A_332 = arith.constant 0 : i32
    %dma_start3A_333 = arith.constant 0 : i32
    %dma_start3A_334 = arith.constant 0 : i32
    %dma_start3A_335 = tpu.memref_slice %arg9[%dma_start3A_332, %dma_start3A_333, %dma_start3A_334] : memref<4x1000x16xf32, #tpu.memory_space<vmem>> -> memref<1x1000x16xf32, #tpu.memory_space<vmem>>
    %dma_start3A_336 = tpu.memref_squeeze %dma_start3A_335 : memref<1x1000x16xf32, #tpu.memory_space<vmem>> -> memref<1000x16xf32, #tpu.memory_space<vmem>>
    %dma_start3A_337 = arith.constant 0 : i32
    %dma_start3A_338 = tpu.memref_slice %arg7[%dma_start3A_331, %dma_start3A_337] : memref<10x1000xi32, #tpu.memory_space<vmem>> -> memref<1x1000xi32, #tpu.memory_space<vmem>>
    %dma_start3A_339 = tpu.memref_squeeze %dma_start3A_338 : memref<1x1000xi32, #tpu.memory_space<vmem>> -> memref<1000xi32, #tpu.memory_space<vmem>>
    %dma_start3A_340 = arith.constant 0 : i32
    %dma_start3A_341 = arith.constant 0 : i32
    %dma_start3A_342 = tpu.memref_slice %arg4[%dma_start3A_340, %dma_start3A_341] : memref<10000x16xf32, #tpu.memory_space<hbm>> -> memref<10000x16xf32, #tpu.memory_space<hbm>>
    tpu.enqueue_indirect_dma source(%dma_start3A_342 : memref<10000x16xf32, #tpu.memory_space<hbm>>) target(%dma_start3A_336 : memref<1000x16xf32, #tpu.memory_space<vmem>>) offsets(%dma_start3A_339 : memref<1000xi32, #tpu.memory_space<vmem>>) semaphore(%arg11 : memref<!tpu.dma_semaphore, #tpu.memory_space<semaphore_mem>>)
    %dma_wait3A_343 = arith.constant 7 : i32
    %dma_wait3A_344 = arith.constant 3 : i32
    %dma_wait3A_345 = arith.constant 0 : i32
    %dma_wait3A_346 = arith.constant 0 : i32
    %dma_wait3A_347 = tpu.memref_slice %arg9[%dma_wait3A_344, %dma_wait3A_345, %dma_wait3A_346] : memref<4x1000x16xf32, #tpu.memory_space<vmem>> -> memref<1x1000x16xf32, #tpu.memory_space<vmem>>
    %dma_wait3A_348 = tpu.memref_squeeze %dma_wait3A_347 : memref<1x1000x16xf32, #tpu.memory_space<vmem>> -> memref<1000x16xf32, #tpu.memory_space<vmem>>
    %dma_wait3A_349 = arith.constant 0 : i32
    %dma_wait3A_350 = tpu.memref_slice %arg7[%dma_wait3A_343, %dma_wait3A_349] : memref<10x1000xi32, #tpu.memory_space<vmem>> -> memref<1x1000xi32, #tpu.memory_space<vmem>>
    %dma_wait3A_351 = tpu.memref_squeeze %dma_wait3A_350 : memref<1x1000xi32, #tpu.memory_space<vmem>> -> memref<1000xi32, #tpu.memory_space<vmem>>
    %dma_wait3A_352 = arith.constant 0 : i32
    %dma_wait3A_353 = arith.constant 0 : i32
    %dma_wait3A_354 = tpu.memref_slice %arg4[%dma_wait3A_352, %dma_wait3A_353] : memref<10000x16xf32, #tpu.memory_space<hbm>> -> memref<10000x16xf32, #tpu.memory_space<hbm>>
    tpu.wait_indirect_dma semaphore(%arg14 : memref<!tpu.dma_semaphore, #tpu.memory_space<semaphore_mem>>) src(%dma_wait3A_354 : memref<10000x16xf32, #tpu.memory_space<hbm>>) dst(%dma_wait3A_348 : memref<1000x16xf32, #tpu.memory_space<vmem>>)
    %dma_start3A_355 = arith.constant 3 : i32
    %dma_start3A_356 = arith.constant 7 : i32
    %dma_start3A_357 = arith.constant 0 : i32
    %dma_start3A_358 = arith.constant 0 : i32
    %dma_start3A_359 = tpu.memref_slice %arg9[%dma_start3A_355, %dma_start3A_357, %dma_start3A_358] : memref<4x1000x16xf32, #tpu.memory_space<vmem>> -> memref<1x1000x16xf32, #tpu.memory_space<vmem>>
    %dma_start3A_360 = tpu.memref_squeeze %dma_start3A_359 : memref<1x1000x16xf32, #tpu.memory_space<vmem>> -> memref<1000x16xf32, #tpu.memory_space<vmem>>
    %dma_start3A_361 = arith.constant 0 : i32
    %dma_start3A_362 = tpu.memref_slice %arg8[%dma_start3A_356, %dma_start3A_361] : memref<10x1000xi32, #tpu.memory_space<vmem>> -> memref<1x1000xi32, #tpu.memory_space<vmem>>
    %dma_start3A_363 = tpu.memref_squeeze %dma_start3A_362 : memref<1x1000xi32, #tpu.memory_space<vmem>> -> memref<1000xi32, #tpu.memory_space<vmem>>
    %dma_start3A_364 = arith.constant 0 : i32
    %dma_start3A_365 = arith.constant 0 : i32
    %dma_start3A_366 = tpu.memref_slice %arg10[%dma_start3A_364, %dma_start3A_365] : memref<10000x16xf32, #tpu.memory_space<vmem_shared>> -> memref<10000x16xf32, #tpu.memory_space<vmem_shared>>
    tpu.enqueue_indirect_dma source(%dma_start3A_360 : memref<1000x16xf32, #tpu.memory_space<vmem>>) target(%dma_start3A_366 : memref<10000x16xf32, #tpu.memory_space<vmem_shared>>) offsets(%dma_start3A_363 : memref<1000xi32, #tpu.memory_space<vmem>>) semaphore(%arg18 : memref<!tpu.dma_semaphore, #tpu.memory_space<semaphore_mem>>) {add = true}
    %dma_wait3A_367 = arith.constant 1 : i32
    %dma_wait3A_368 = arith.constant 5 : i32
    %dma_wait3A_369 = arith.constant 0 : i32
    %dma_wait3A_370 = arith.constant 0 : i32
    %dma_wait3A_371 = tpu.memref_slice %arg9[%dma_wait3A_367, %dma_wait3A_369, %dma_wait3A_370] : memref<4x1000x16xf32, #tpu.memory_space<vmem>> -> memref<1x1000x16xf32, #tpu.memory_space<vmem>>
    %dma_wait3A_372 = tpu.memref_squeeze %dma_wait3A_371 : memref<1x1000x16xf32, #tpu.memory_space<vmem>> -> memref<1000x16xf32, #tpu.memory_space<vmem>>
    %dma_wait3A_373 = arith.constant 0 : i32
    %dma_wait3A_374 = tpu.memref_slice %arg8[%dma_wait3A_368, %dma_wait3A_373] : memref<10x1000xi32, #tpu.memory_space<vmem>> -> memref<1x1000xi32, #tpu.memory_space<vmem>>
    %dma_wait3A_375 = tpu.memref_squeeze %dma_wait3A_374 : memref<1x1000xi32, #tpu.memory_space<vmem>> -> memref<1000xi32, #tpu.memory_space<vmem>>
    %dma_wait3A_376 = arith.constant 0 : i32
    %dma_wait3A_377 = arith.constant 0 : i32
    %dma_wait3A_378 = tpu.memref_slice %arg10[%dma_wait3A_376, %dma_wait3A_377] : memref<10000x16xf32, #tpu.memory_space<vmem_shared>> -> memref<10000x16xf32, #tpu.memory_space<vmem_shared>>
    tpu.wait_indirect_dma semaphore(%arg16 : memref<!tpu.dma_semaphore, #tpu.memory_space<semaphore_mem>>) src(%dma_wait3A_372 : memref<1000x16xf32, #tpu.memory_space<vmem>>) dst(%dma_wait3A_378 : memref<10000x16xf32, #tpu.memory_space<vmem_shared>>)
    %dma_start3A_379 = arith.constant 9 : i32
    %dma_start3A_380 = arith.constant 1 : i32
    %dma_start3A_381 = arith.constant 0 : i32
    %dma_start3A_382 = arith.constant 0 : i32
    %dma_start3A_383 = tpu.memref_slice %arg9[%dma_start3A_380, %dma_start3A_381, %dma_start3A_382] : memref<4x1000x16xf32, #tpu.memory_space<vmem>> -> memref<1x1000x16xf32, #tpu.memory_space<vmem>>
    %dma_start3A_384 = tpu.memref_squeeze %dma_start3A_383 : memref<1x1000x16xf32, #tpu.memory_space<vmem>> -> memref<1000x16xf32, #tpu.memory_space<vmem>>
    %dma_start3A_385 = arith.constant 0 : i32
    %dma_start3A_386 = tpu.memref_slice %arg7[%dma_start3A_379, %dma_start3A_385] : memref<10x1000xi32, #tpu.memory_space<vmem>> -> memref<1x1000xi32, #tpu.memory_space<vmem>>
    %dma_start3A_387 = tpu.memref_squeeze %dma_start3A_386 : memref<1x1000xi32, #tpu.memory_space<vmem>> -> memref<1000xi32, #tpu.memory_space<vmem>>
    %dma_start3A_388 = arith.constant 0 : i32
    %dma_start3A_389 = arith.constant 0 : i32
    %dma_start3A_390 = tpu.memref_slice %arg4[%dma_start3A_388, %dma_start3A_389] : memref<10000x16xf32, #tpu.memory_space<hbm>> -> memref<10000x16xf32, #tpu.memory_space<hbm>>
    tpu.enqueue_indirect_dma source(%dma_start3A_390 : memref<10000x16xf32, #tpu.memory_space<hbm>>) target(%dma_start3A_384 : memref<1000x16xf32, #tpu.memory_space<vmem>>) offsets(%dma_start3A_387 : memref<1000xi32, #tpu.memory_space<vmem>>) semaphore(%arg12 : memref<!tpu.dma_semaphore, #tpu.memory_space<semaphore_mem>>)
    %dma_wait3A_391 = arith.constant 8 : i32
    %dma_wait3A_392 = arith.constant 0 : i32
    %dma_wait3A_393 = arith.constant 0 : i32
    %dma_wait3A_394 = arith.constant 0 : i32
    %dma_wait3A_395 = tpu.memref_slice %arg9[%dma_wait3A_392, %dma_wait3A_393, %dma_wait3A_394] : memref<4x1000x16xf32, #tpu.memory_space<vmem>> -> memref<1x1000x16xf32, #tpu.memory_space<vmem>>
    %dma_wait3A_396 = tpu.memref_squeeze %dma_wait3A_395 : memref<1x1000x16xf32, #tpu.memory_space<vmem>> -> memref<1000x16xf32, #tpu.memory_space<vmem>>
    %dma_wait3A_397 = arith.constant 0 : i32
    %dma_wait3A_398 = tpu.memref_slice %arg7[%dma_wait3A_391, %dma_wait3A_397] : memref<10x1000xi32, #tpu.memory_space<vmem>> -> memref<1x1000xi32, #tpu.memory_space<vmem>>
    %dma_wait3A_399 = tpu.memref_squeeze %dma_wait3A_398 : memref<1x1000xi32, #tpu.memory_space<vmem>> -> memref<1000xi32, #tpu.memory_space<vmem>>
    %dma_wait3A_400 = arith.constant 0 : i32
    %dma_wait3A_401 = arith.constant 0 : i32
    %dma_wait3A_402 = tpu.memref_slice %arg4[%dma_wait3A_400, %dma_wait3A_401] : memref<10000x16xf32, #tpu.memory_space<hbm>> -> memref<10000x16xf32, #tpu.memory_space<hbm>>
    tpu.wait_indirect_dma semaphore(%arg11 : memref<!tpu.dma_semaphore, #tpu.memory_space<semaphore_mem>>) src(%dma_wait3A_402 : memref<10000x16xf32, #tpu.memory_space<hbm>>) dst(%dma_wait3A_396 : memref<1000x16xf32, #tpu.memory_space<vmem>>)
    %dma_start3A_403 = arith.constant 0 : i32
    %dma_start3A_404 = arith.constant 8 : i32
    %dma_start3A_405 = arith.constant 0 : i32
    %dma_start3A_406 = arith.constant 0 : i32
    %dma_start3A_407 = tpu.memref_slice %arg9[%dma_start3A_403, %dma_start3A_405, %dma_start3A_406] : memref<4x1000x16xf32, #tpu.memory_space<vmem>> -> memref<1x1000x16xf32, #tpu.memory_space<vmem>>
    %dma_start3A_408 = tpu.memref_squeeze %dma_start3A_407 : memref<1x1000x16xf32, #tpu.memory_space<vmem>> -> memref<1000x16xf32, #tpu.memory_space<vmem>>
    %dma_start3A_409 = arith.constant 0 : i32
    %dma_start3A_410 = tpu.memref_slice %arg8[%dma_start3A_404, %dma_start3A_409] : memref<10x1000xi32, #tpu.memory_space<vmem>> -> memref<1x1000xi32, #tpu.memory_space<vmem>>
    %dma_start3A_411 = tpu.memref_squeeze %dma_start3A_410 : memref<1x1000xi32, #tpu.memory_space<vmem>> -> memref<1000xi32, #tpu.memory_space<vmem>>
    %dma_start3A_412 = arith.constant 0 : i32
    %dma_start3A_413 = arith.constant 0 : i32
    %dma_start3A_414 = tpu.memref_slice %arg10[%dma_start3A_412, %dma_start3A_413] : memref<10000x16xf32, #tpu.memory_space<vmem_shared>> -> memref<10000x16xf32, #tpu.memory_space<vmem_shared>>
    tpu.enqueue_indirect_dma source(%dma_start3A_408 : memref<1000x16xf32, #tpu.memory_space<vmem>>) target(%dma_start3A_414 : memref<10000x16xf32, #tpu.memory_space<vmem_shared>>) offsets(%dma_start3A_411 : memref<1000xi32, #tpu.memory_space<vmem>>) semaphore(%arg15 : memref<!tpu.dma_semaphore, #tpu.memory_space<semaphore_mem>>) {add = true}
    %dma_wait3A_415 = arith.constant 9 : i32
    %dma_wait3A_416 = arith.constant 1 : i32
    %dma_wait3A_417 = arith.constant 0 : i32
    %dma_wait3A_418 = arith.constant 0 : i32
    %dma_wait3A_419 = tpu.memref_slice %arg9[%dma_wait3A_416, %dma_wait3A_417, %dma_wait3A_418] : memref<4x1000x16xf32, #tpu.memory_space<vmem>> -> memref<1x1000x16xf32, #tpu.memory_space<vmem>>
    %dma_wait3A_420 = tpu.memref_squeeze %dma_wait3A_419 : memref<1x1000x16xf32, #tpu.memory_space<vmem>> -> memref<1000x16xf32, #tpu.memory_space<vmem>>
    %dma_wait3A_421 = arith.constant 0 : i32
    %dma_wait3A_422 = tpu.memref_slice %arg7[%dma_wait3A_415, %dma_wait3A_421] : memref<10x1000xi32, #tpu.memory_space<vmem>> -> memref<1x1000xi32, #tpu.memory_space<vmem>>
    %dma_wait3A_423 = tpu.memref_squeeze %dma_wait3A_422 : memref<1x1000xi32, #tpu.memory_space<vmem>> -> memref<1000xi32, #tpu.memory_space<vmem>>
    %dma_wait3A_424 = arith.constant 0 : i32
    %dma_wait3A_425 = arith.constant 0 : i32
    %dma_wait3A_426 = tpu.memref_slice %arg4[%dma_wait3A_424, %dma_wait3A_425] : memref<10000x16xf32, #tpu.memory_space<hbm>> -> memref<10000x16xf32, #tpu.memory_space<hbm>>
    tpu.wait_indirect_dma semaphore(%arg12 : memref<!tpu.dma_semaphore, #tpu.memory_space<semaphore_mem>>) src(%dma_wait3A_426 : memref<10000x16xf32, #tpu.memory_space<hbm>>) dst(%dma_wait3A_420 : memref<1000x16xf32, #tpu.memory_space<vmem>>)
    %dma_start3A_427 = arith.constant 1 : i32
    %dma_start3A_428 = arith.constant 9 : i32
    %dma_start3A_429 = arith.constant 0 : i32
    %dma_start3A_430 = arith.constant 0 : i32
    %dma_start3A_431 = tpu.memref_slice %arg9[%dma_start3A_427, %dma_start3A_429, %dma_start3A_430] : memref<4x1000x16xf32, #tpu.memory_space<vmem>> -> memref<1x1000x16xf32, #tpu.memory_space<vmem>>
    %dma_start3A_432 = tpu.memref_squeeze %dma_start3A_431 : memref<1x1000x16xf32, #tpu.memory_space<vmem>> -> memref<1000x16xf32, #tpu.memory_space<vmem>>
    %dma_start3A_433 = arith.constant 0 : i32
    %dma_start3A_434 = tpu.memref_slice %arg8[%dma_start3A_428, %dma_start3A_433] : memref<10x1000xi32, #tpu.memory_space<vmem>> -> memref<1x1000xi32, #tpu.memory_space<vmem>>
    %dma_start3A_435 = tpu.memref_squeeze %dma_start3A_434 : memref<1x1000xi32, #tpu.memory_space<vmem>> -> memref<1000xi32, #tpu.memory_space<vmem>>
    %dma_start3A_436 = arith.constant 0 : i32
    %dma_start3A_437 = arith.constant 0 : i32
    %dma_start3A_438 = tpu.memref_slice %arg10[%dma_start3A_436, %dma_start3A_437] : memref<10000x16xf32, #tpu.memory_space<vmem_shared>> -> memref<10000x16xf32, #tpu.memory_space<vmem_shared>>
    tpu.enqueue_indirect_dma source(%dma_start3A_432 : memref<1000x16xf32, #tpu.memory_space<vmem>>) target(%dma_start3A_438 : memref<10000x16xf32, #tpu.memory_space<vmem_shared>>) offsets(%dma_start3A_435 : memref<1000xi32, #tpu.memory_space<vmem>>) semaphore(%arg16 : memref<!tpu.dma_semaphore, #tpu.memory_space<semaphore_mem>>) {add = true}
    %dma_wait3A_439 = arith.constant 2 : i32
    %dma_wait3A_440 = arith.constant 6 : i32
    %dma_wait3A_441 = arith.constant 0 : i32
    %dma_wait3A_442 = arith.constant 0 : i32
    %dma_wait3A_443 = tpu.memref_slice %arg9[%dma_wait3A_439, %dma_wait3A_441, %dma_wait3A_442] : memref<4x1000x16xf32, #tpu.memory_space<vmem>> -> memref<1x1000x16xf32, #tpu.memory_space<vmem>>
    %dma_wait3A_444 = tpu.memref_squeeze %dma_wait3A_443 : memref<1x1000x16xf32, #tpu.memory_space<vmem>> -> memref<1000x16xf32, #tpu.memory_space<vmem>>
    %dma_wait3A_445 = arith.constant 0 : i32
    %dma_wait3A_446 = tpu.memref_slice %arg8[%dma_wait3A_440, %dma_wait3A_445] : memref<10x1000xi32, #tpu.memory_space<vmem>> -> memref<1x1000xi32, #tpu.memory_space<vmem>>
    %dma_wait3A_447 = tpu.memref_squeeze %dma_wait3A_446 : memref<1x1000xi32, #tpu.memory_space<vmem>> -> memref<1000xi32, #tpu.memory_space<vmem>>
    %dma_wait3A_448 = arith.constant 0 : i32
    %dma_wait3A_449 = arith.constant 0 : i32
    %dma_wait3A_450 = tpu.memref_slice %arg10[%dma_wait3A_448, %dma_wait3A_449] : memref<10000x16xf32, #tpu.memory_space<vmem_shared>> -> memref<10000x16xf32, #tpu.memory_space<vmem_shared>>
    tpu.wait_indirect_dma semaphore(%arg17 : memref<!tpu.dma_semaphore, #tpu.memory_space<semaphore_mem>>) src(%dma_wait3A_444 : memref<1000x16xf32, #tpu.memory_space<vmem>>) dst(%dma_wait3A_450 : memref<10000x16xf32, #tpu.memory_space<vmem_shared>>)
    %dma_wait3A_451 = arith.constant 3 : i32
    %dma_wait3A_452 = arith.constant 7 : i32
    %dma_wait3A_453 = arith.constant 0 : i32
    %dma_wait3A_454 = arith.constant 0 : i32
    %dma_wait3A_455 = tpu.memref_slice %arg9[%dma_wait3A_451, %dma_wait3A_453, %dma_wait3A_454] : memref<4x1000x16xf32, #tpu.memory_space<vmem>> -> memref<1x1000x16xf32, #tpu.memory_space<vmem>>
    %dma_wait3A_456 = tpu.memref_squeeze %dma_wait3A_455 : memref<1x1000x16xf32, #tpu.memory_space<vmem>> -> memref<1000x16xf32, #tpu.memory_space<vmem>>
    %dma_wait3A_457 = arith.constant 0 : i32
    %dma_wait3A_458 = tpu.memref_slice %arg8[%dma_wait3A_452, %dma_wait3A_457] : memref<10x1000xi32, #tpu.memory_space<vmem>> -> memref<1x1000xi32, #tpu.memory_space<vmem>>
    %dma_wait3A_459 = tpu.memref_squeeze %dma_wait3A_458 : memref<1x1000xi32, #tpu.memory_space<vmem>> -> memref<1000xi32, #tpu.memory_space<vmem>>
    %dma_wait3A_460 = arith.constant 0 : i32
    %dma_wait3A_461 = arith.constant 0 : i32
    %dma_wait3A_462 = tpu.memref_slice %arg10[%dma_wait3A_460, %dma_wait3A_461] : memref<10000x16xf32, #tpu.memory_space<vmem_shared>> -> memref<10000x16xf32, #tpu.memory_space<vmem_shared>>
    tpu.wait_indirect_dma semaphore(%arg18 : memref<!tpu.dma_semaphore, #tpu.memory_space<semaphore_mem>>) src(%dma_wait3A_456 : memref<1000x16xf32, #tpu.memory_space<vmem>>) dst(%dma_wait3A_462 : memref<10000x16xf32, #tpu.memory_space<vmem_shared>>)
    %dma_wait3A_463 = arith.constant 0 : i32
    %dma_wait3A_464 = arith.constant 8 : i32
    %dma_wait3A_465 = arith.constant 0 : i32
    %dma_wait3A_466 = arith.constant 0 : i32
    %dma_wait3A_467 = tpu.memref_slice %arg9[%dma_wait3A_463, %dma_wait3A_465, %dma_wait3A_466] : memref<4x1000x16xf32, #tpu.memory_space<vmem>> -> memref<1x1000x16xf32, #tpu.memory_space<vmem>>
    %dma_wait3A_468 = tpu.memref_squeeze %dma_wait3A_467 : memref<1x1000x16xf32, #tpu.memory_space<vmem>> -> memref<1000x16xf32, #tpu.memory_space<vmem>>
    %dma_wait3A_469 = arith.constant 0 : i32
    %dma_wait3A_470 = tpu.memref_slice %arg8[%dma_wait3A_464, %dma_wait3A_469] : memref<10x1000xi32, #tpu.memory_space<vmem>> -> memref<1x1000xi32, #tpu.memory_space<vmem>>
    %dma_wait3A_471 = tpu.memref_squeeze %dma_wait3A_470 : memref<1x1000xi32, #tpu.memory_space<vmem>> -> memref<1000xi32, #tpu.memory_space<vmem>>
    %dma_wait3A_472 = arith.constant 0 : i32
    %dma_wait3A_473 = arith.constant 0 : i32
    %dma_wait3A_474 = tpu.memref_slice %arg10[%dma_wait3A_472, %dma_wait3A_473] : memref<10000x16xf32, #tpu.memory_space<vmem_shared>> -> memref<10000x16xf32, #tpu.memory_space<vmem_shared>>
    tpu.wait_indirect_dma semaphore(%arg15 : memref<!tpu.dma_semaphore, #tpu.memory_space<semaphore_mem>>) src(%dma_wait3A_468 : memref<1000x16xf32, #tpu.memory_space<vmem>>) dst(%dma_wait3A_474 : memref<10000x16xf32, #tpu.memory_space<vmem_shared>>)
    %dma_wait3A_475 = arith.constant 1 : i32
    %dma_wait3A_476 = arith.constant 9 : i32
    %dma_wait3A_477 = arith.constant 0 : i32
    %dma_wait3A_478 = arith.constant 0 : i32
    %dma_wait3A_479 = tpu.memref_slice %arg9[%dma_wait3A_475, %dma_wait3A_477, %dma_wait3A_478] : memref<4x1000x16xf32, #tpu.memory_space<vmem>> -> memref<1x1000x16xf32, #tpu.memory_space<vmem>>
    %dma_wait3A_480 = tpu.memref_squeeze %dma_wait3A_479 : memref<1x1000x16xf32, #tpu.memory_space<vmem>> -> memref<1000x16xf32, #tpu.memory_space<vmem>>
    %dma_wait3A_481 = arith.constant 0 : i32
    %dma_wait3A_482 = tpu.memref_slice %arg8[%dma_wait3A_476, %dma_wait3A_481] : memref<10x1000xi32, #tpu.memory_space<vmem>> -> memref<1x1000xi32, #tpu.memory_space<vmem>>
    %dma_wait3A_483 = tpu.memref_squeeze %dma_wait3A_482 : memref<1x1000xi32, #tpu.memory_space<vmem>> -> memref<1000xi32, #tpu.memory_space<vmem>>
    %dma_wait3A_484 = arith.constant 0 : i32
    %dma_wait3A_485 = arith.constant 0 : i32
    %dma_wait3A_486 = tpu.memref_slice %arg10[%dma_wait3A_484, %dma_wait3A_485] : memref<10000x16xf32, #tpu.memory_space<vmem_shared>> -> memref<10000x16xf32, #tpu.memory_space<vmem_shared>>
    tpu.wait_indirect_dma semaphore(%arg16 : memref<!tpu.dma_semaphore, #tpu.memory_space<semaphore_mem>>) src(%dma_wait3A_480 : memref<1000x16xf32, #tpu.memory_space<vmem>>) dst(%dma_wait3A_486 : memref<10000x16xf32, #tpu.memory_space<vmem_shared>>)
    %barrier3A_487 = arith.constant 0 : index
    tpu.barrier barrier_id(%barrier3A_487)
    %mul3A_488 = arith.constant 625 : i32
    %mul3A_489 = arith.muli %arg1, %mul3A_488 : i32
    %mul3A_490 = arith.constant 625 : i32
    %mul3A_491 = arith.muli %arg1, %mul3A_490 : i32
    "tpu.region"() ({
      %run_scoped3A = tpu.sem_alloc : memref<!tpu.dma_semaphore, #tpu.memory_space<semaphore_mem>>
      %dma_start3A_492 = arith.constant 0 : i32
      %dma_start3A_493 = arith.constant 0 : i32
      %dma_start3A_494 = tpu.memref_slice %arg6[%arg0, %dma_start3A_492, %dma_start3A_493] : memref<2x10000x16xf32, #tpu.memory_space<hbm>> -> memref<1x10000x16xf32, #tpu.memory_space<hbm>>
      %dma_start3A_495 = tpu.memref_squeeze %dma_start3A_494 : memref<1x10000x16xf32, #tpu.memory_space<hbm>> -> memref<10000x16xf32, #tpu.memory_space<hbm>>
      %dma_start3A_496 = arith.constant 0 : i32
      %dma_start3A_497 = tpu.memref_slice %dma_start3A_495[%mul3A_491, %dma_start3A_496] : memref<10000x16xf32, #tpu.memory_space<hbm>> -> memref<625x16xf32, #tpu.memory_space<hbm>>
      %dma_start3A_498 = arith.constant 0 : i32
      %dma_start3A_499 = tpu.memref_slice %arg10[%mul3A_489, %dma_start3A_498] : memref<10000x16xf32, #tpu.memory_space<vmem_shared>> -> memref<625x16xf32, #tpu.memory_space<vmem_shared>>
      tpu.enqueue_dma source(%dma_start3A_499 : memref<625x16xf32, #tpu.memory_space<vmem_shared>>) target(%dma_start3A_497 : memref<625x16xf32, #tpu.memory_space<hbm>>) target_semaphore(%run_scoped3A : memref<!tpu.dma_semaphore, #tpu.memory_space<semaphore_mem>>)
      %dma_wait3A_500 = arith.constant 0 : i32
      %dma_wait3A_501 = arith.constant 0 : i32
      %dma_wait3A_502 = tpu.memref_slice %arg6[%arg0, %dma_wait3A_500, %dma_wait3A_501] : memref<2x10000x16xf32, #tpu.memory_space<hbm>> -> memref<1x10000x16xf32, #tpu.memory_space<hbm>>
      %dma_wait3A_503 = tpu.memref_squeeze %dma_wait3A_502 : memref<1x10000x16xf32, #tpu.memory_space<hbm>> -> memref<10000x16xf32, #tpu.memory_space<hbm>>
      %dma_wait3A_504 = arith.constant 0 : i32
      %dma_wait3A_505 = tpu.memref_slice %dma_wait3A_503[%mul3A_491, %dma_wait3A_504] : memref<10000x16xf32, #tpu.memory_space<hbm>> -> memref<625x16xf32, #tpu.memory_space<hbm>>
      %dma_wait3A_506 = arith.constant 0 : i32
      %dma_wait3A_507 = tpu.memref_slice %arg10[%mul3A_489, %dma_wait3A_506] : memref<10000x16xf32, #tpu.memory_space<vmem_shared>> -> memref<625x16xf32, #tpu.memory_space<vmem_shared>>
      tpu.wait_dma2 semaphore(%run_scoped3A : memref<!tpu.dma_semaphore, #tpu.memory_space<semaphore_mem>>) src(%dma_wait3A_507 : memref<625x16xf32, #tpu.memory_space<vmem_shared>>) dst(%dma_wait3A_505 : memref<625x16xf32, #tpu.memory_space<hbm>>)
      tpu.yield
    }) : () -> ()
    return
  }
}

module attributes {stable_mosaic.version = 14 : i64} {
  func.func @_tc_a1_body(%arg0: memref<1250x8x128xf32, #tpu.memory_space<vmem>>, %arg1: memref<8x128x128xf32, #tpu.memory_space<vmem>>, %arg2: memref<1250x128xf32, #tpu.memory_space<vmem>>) attributes {dimension_semantics = [], scalar_prefetch = 0 : i64, scratch_operands = 0 : i64, tpu.core_type = #tpu.core_type<tc>} {
    %get3A = arith.constant 0 : index
    %get3A_0 = arith.constant 0 : index
    %get3A_1 = arith.constant 0 : index
    %get3A_2 = vector.load %arg0[%get3A, %get3A_0, %get3A_1] : memref<1250x8x128xf32, #tpu.memory_space<vmem>>, vector<1250x1x128xf32>
    %get3A_3 = vector.shape_cast %get3A_2 : vector<1250x1x128xf32> to vector<1250x128xf32>
    %get3A_4 = arith.constant 0 : index
    %get3A_5 = arith.constant 0 : index
    %get3A_6 = arith.constant 0 : index
    %get3A_7 = vector.load %arg1[%get3A_4, %get3A_5, %get3A_6] : memref<8x128x128xf32, #tpu.memory_space<vmem>>, vector<1x128x128xf32>
    %get3A_8 = vector.shape_cast %get3A_7 : vector<1x128x128xf32> to vector<128x128xf32>
    %dot_general3A = arith.constant dense<0.000000e+00> : vector<1250x128xf32>
    %dot_general3A_9 = tpu.matmul %get3A_3, %get3A_8, %dot_general3A {dimension_numbers = #tpu.dot_dimension_numbers<[1], [0], [0], [1], [0, 0, 1, 1], [], []>, transpose_lhs_hint = false} : vector<1250x128xf32>, vector<128x128xf32>, vector<1250x128xf32> -> vector<1250x128xf32>
    %get3A_10 = arith.constant 0 : index
    %get3A_11 = arith.constant 1 : index
    %get3A_12 = arith.constant 0 : index
    %get3A_13 = vector.load %arg0[%get3A_10, %get3A_11, %get3A_12] : memref<1250x8x128xf32, #tpu.memory_space<vmem>>, vector<1250x1x128xf32>
    %get3A_14 = vector.shape_cast %get3A_13 : vector<1250x1x128xf32> to vector<1250x128xf32>
    %get3A_15 = arith.constant 1 : index
    %get3A_16 = arith.constant 0 : index
    %get3A_17 = arith.constant 0 : index
    %get3A_18 = vector.load %arg1[%get3A_15, %get3A_16, %get3A_17] : memref<8x128x128xf32, #tpu.memory_space<vmem>>, vector<1x128x128xf32>
    %get3A_19 = vector.shape_cast %get3A_18 : vector<1x128x128xf32> to vector<128x128xf32>
    %dot_general3A_20 = arith.constant dense<0.000000e+00> : vector<1250x128xf32>
    %dot_general3A_21 = tpu.matmul %get3A_14, %get3A_19, %dot_general3A_20 {dimension_numbers = #tpu.dot_dimension_numbers<[1], [0], [0], [1], [0, 0, 1, 1], [], []>, transpose_lhs_hint = false} : vector<1250x128xf32>, vector<128x128xf32>, vector<1250x128xf32> -> vector<1250x128xf32>
    %add3A = arith.addf %dot_general3A_9, %dot_general3A_21 : vector<1250x128xf32>
    %get3A_22 = arith.constant 0 : index
    %get3A_23 = arith.constant 2 : index
    %get3A_24 = arith.constant 0 : index
    %get3A_25 = vector.load %arg0[%get3A_22, %get3A_23, %get3A_24] : memref<1250x8x128xf32, #tpu.memory_space<vmem>>, vector<1250x1x128xf32>
    %get3A_26 = vector.shape_cast %get3A_25 : vector<1250x1x128xf32> to vector<1250x128xf32>
    %get3A_27 = arith.constant 2 : index
    %get3A_28 = arith.constant 0 : index
    %get3A_29 = arith.constant 0 : index
    %get3A_30 = vector.load %arg1[%get3A_27, %get3A_28, %get3A_29] : memref<8x128x128xf32, #tpu.memory_space<vmem>>, vector<1x128x128xf32>
    %get3A_31 = vector.shape_cast %get3A_30 : vector<1x128x128xf32> to vector<128x128xf32>
    %dot_general3A_32 = arith.constant dense<0.000000e+00> : vector<1250x128xf32>
    %dot_general3A_33 = tpu.matmul %get3A_26, %get3A_31, %dot_general3A_32 {dimension_numbers = #tpu.dot_dimension_numbers<[1], [0], [0], [1], [0, 0, 1, 1], [], []>, transpose_lhs_hint = false} : vector<1250x128xf32>, vector<128x128xf32>, vector<1250x128xf32> -> vector<1250x128xf32>
    %add3A_34 = arith.addf %add3A, %dot_general3A_33 : vector<1250x128xf32>
    %get3A_35 = arith.constant 0 : index
    %get3A_36 = arith.constant 3 : index
    %get3A_37 = arith.constant 0 : index
    %get3A_38 = vector.load %arg0[%get3A_35, %get3A_36, %get3A_37] : memref<1250x8x128xf32, #tpu.memory_space<vmem>>, vector<1250x1x128xf32>
    %get3A_39 = vector.shape_cast %get3A_38 : vector<1250x1x128xf32> to vector<1250x128xf32>
    %get3A_40 = arith.constant 3 : index
    %get3A_41 = arith.constant 0 : index
    %get3A_42 = arith.constant 0 : index
    %get3A_43 = vector.load %arg1[%get3A_40, %get3A_41, %get3A_42] : memref<8x128x128xf32, #tpu.memory_space<vmem>>, vector<1x128x128xf32>
    %get3A_44 = vector.shape_cast %get3A_43 : vector<1x128x128xf32> to vector<128x128xf32>
    %dot_general3A_45 = arith.constant dense<0.000000e+00> : vector<1250x128xf32>
    %dot_general3A_46 = tpu.matmul %get3A_39, %get3A_44, %dot_general3A_45 {dimension_numbers = #tpu.dot_dimension_numbers<[1], [0], [0], [1], [0, 0, 1, 1], [], []>, transpose_lhs_hint = false} : vector<1250x128xf32>, vector<128x128xf32>, vector<1250x128xf32> -> vector<1250x128xf32>
    %add3A_47 = arith.addf %add3A_34, %dot_general3A_46 : vector<1250x128xf32>
    %get3A_48 = arith.constant 0 : index
    %get3A_49 = arith.constant 4 : index
    %get3A_50 = arith.constant 0 : index
    %get3A_51 = vector.load %arg0[%get3A_48, %get3A_49, %get3A_50] : memref<1250x8x128xf32, #tpu.memory_space<vmem>>, vector<1250x1x128xf32>
    %get3A_52 = vector.shape_cast %get3A_51 : vector<1250x1x128xf32> to vector<1250x128xf32>
    %get3A_53 = arith.constant 4 : index
    %get3A_54 = arith.constant 0 : index
    %get3A_55 = arith.constant 0 : index
    %get3A_56 = vector.load %arg1[%get3A_53, %get3A_54, %get3A_55] : memref<8x128x128xf32, #tpu.memory_space<vmem>>, vector<1x128x128xf32>
    %get3A_57 = vector.shape_cast %get3A_56 : vector<1x128x128xf32> to vector<128x128xf32>
    %dot_general3A_58 = arith.constant dense<0.000000e+00> : vector<1250x128xf32>
    %dot_general3A_59 = tpu.matmul %get3A_52, %get3A_57, %dot_general3A_58 {dimension_numbers = #tpu.dot_dimension_numbers<[1], [0], [0], [1], [0, 0, 1, 1], [], []>, transpose_lhs_hint = false} : vector<1250x128xf32>, vector<128x128xf32>, vector<1250x128xf32> -> vector<1250x128xf32>
    %add3A_60 = arith.addf %add3A_47, %dot_general3A_59 : vector<1250x128xf32>
    %get3A_61 = arith.constant 0 : index
    %get3A_62 = arith.constant 5 : index
    %get3A_63 = arith.constant 0 : index
    %get3A_64 = vector.load %arg0[%get3A_61, %get3A_62, %get3A_63] : memref<1250x8x128xf32, #tpu.memory_space<vmem>>, vector<1250x1x128xf32>
    %get3A_65 = vector.shape_cast %get3A_64 : vector<1250x1x128xf32> to vector<1250x128xf32>
    %get3A_66 = arith.constant 5 : index
    %get3A_67 = arith.constant 0 : index
    %get3A_68 = arith.constant 0 : index
    %get3A_69 = vector.load %arg1[%get3A_66, %get3A_67, %get3A_68] : memref<8x128x128xf32, #tpu.memory_space<vmem>>, vector<1x128x128xf32>
    %get3A_70 = vector.shape_cast %get3A_69 : vector<1x128x128xf32> to vector<128x128xf32>
    %dot_general3A_71 = arith.constant dense<0.000000e+00> : vector<1250x128xf32>
    %dot_general3A_72 = tpu.matmul %get3A_65, %get3A_70, %dot_general3A_71 {dimension_numbers = #tpu.dot_dimension_numbers<[1], [0], [0], [1], [0, 0, 1, 1], [], []>, transpose_lhs_hint = false} : vector<1250x128xf32>, vector<128x128xf32>, vector<1250x128xf32> -> vector<1250x128xf32>
    %add3A_73 = arith.addf %add3A_60, %dot_general3A_72 : vector<1250x128xf32>
    %get3A_74 = arith.constant 0 : index
    %get3A_75 = arith.constant 6 : index
    %get3A_76 = arith.constant 0 : index
    %get3A_77 = vector.load %arg0[%get3A_74, %get3A_75, %get3A_76] : memref<1250x8x128xf32, #tpu.memory_space<vmem>>, vector<1250x1x128xf32>
    %get3A_78 = vector.shape_cast %get3A_77 : vector<1250x1x128xf32> to vector<1250x128xf32>
    %get3A_79 = arith.constant 6 : index
    %get3A_80 = arith.constant 0 : index
    %get3A_81 = arith.constant 0 : index
    %get3A_82 = vector.load %arg1[%get3A_79, %get3A_80, %get3A_81] : memref<8x128x128xf32, #tpu.memory_space<vmem>>, vector<1x128x128xf32>
    %get3A_83 = vector.shape_cast %get3A_82 : vector<1x128x128xf32> to vector<128x128xf32>
    %dot_general3A_84 = arith.constant dense<0.000000e+00> : vector<1250x128xf32>
    %dot_general3A_85 = tpu.matmul %get3A_78, %get3A_83, %dot_general3A_84 {dimension_numbers = #tpu.dot_dimension_numbers<[1], [0], [0], [1], [0, 0, 1, 1], [], []>, transpose_lhs_hint = false} : vector<1250x128xf32>, vector<128x128xf32>, vector<1250x128xf32> -> vector<1250x128xf32>
    %add3A_86 = arith.addf %add3A_73, %dot_general3A_85 : vector<1250x128xf32>
    %get3A_87 = arith.constant 0 : index
    %get3A_88 = arith.constant 7 : index
    %get3A_89 = arith.constant 0 : index
    %get3A_90 = vector.load %arg0[%get3A_87, %get3A_88, %get3A_89] : memref<1250x8x128xf32, #tpu.memory_space<vmem>>, vector<1250x1x128xf32>
    %get3A_91 = vector.shape_cast %get3A_90 : vector<1250x1x128xf32> to vector<1250x128xf32>
    %get3A_92 = arith.constant 7 : index
    %get3A_93 = arith.constant 0 : index
    %get3A_94 = arith.constant 0 : index
    %get3A_95 = vector.load %arg1[%get3A_92, %get3A_93, %get3A_94] : memref<8x128x128xf32, #tpu.memory_space<vmem>>, vector<1x128x128xf32>
    %get3A_96 = vector.shape_cast %get3A_95 : vector<1x128x128xf32> to vector<128x128xf32>
    %dot_general3A_97 = arith.constant dense<0.000000e+00> : vector<1250x128xf32>
    %dot_general3A_98 = tpu.matmul %get3A_91, %get3A_96, %dot_general3A_97 {dimension_numbers = #tpu.dot_dimension_numbers<[1], [0], [0], [1], [0, 0, 1, 1], [], []>, transpose_lhs_hint = false} : vector<1250x128xf32>, vector<128x128xf32>, vector<1250x128xf32> -> vector<1250x128xf32>
    %add3A_99 = arith.addf %add3A_86, %dot_general3A_98 : vector<1250x128xf32>
    %swap3A = arith.constant 0 : index
    %swap3A_100 = arith.constant 0 : index
    %swap3A_101 = vector.load %arg2[%swap3A, %swap3A_100] : memref<1250x128xf32, #tpu.memory_space<vmem>>, vector<1250x128xf32>
    tpu.vector_store %arg2[%swap3A, %swap3A_100], %add3A_99 {strides = array<i32>} : memref<1250x128xf32, #tpu.memory_space<vmem>>, vector<1250x128xf32>,
    return
  }
}

module attributes {stable_mosaic.version = 14 : i64} {
  func.func @_tc_a2_body(%arg0: memref<1250x8xf32, #tpu.memory_space<vmem>>, %arg1: memref<1250x8xf32, #tpu.memory_space<vmem>>, %arg2: memref<8x128xf32, #tpu.memory_space<vmem>>, %arg3: memref<1250x128xf32, #tpu.memory_space<vmem>>, %arg4: memref<1250x128xf32, #tpu.memory_space<vmem>>, %arg5: memref<1250x128xf32, #tpu.memory_space<vmem>>) attributes {dimension_semantics = [], scalar_prefetch = 0 : i64, scratch_operands = 0 : i64, tpu.core_type = #tpu.core_type<tc>} {
    %get3A = arith.constant 0 : index
    %get3A_0 = arith.constant 0 : index
    %get3A_1 = vector.load %arg0[%get3A, %get3A_0] : memref<1250x8xf32, #tpu.memory_space<vmem>>, vector<1250x8xf32>
    %get3A_2 = arith.constant 0 : index
    %get3A_3 = arith.constant 0 : index
    %get3A_4 = vector.load %arg1[%get3A_2, %get3A_3] : memref<1250x8xf32, #tpu.memory_space<vmem>>, vector<1250x8xf32>
    %add3A = arith.addf %get3A_1, %get3A_4 : vector<1250x8xf32>
    %add3A_5 = arith.constant 1.000000e+00 : f32
    %add3A_6 = vector.broadcast %add3A_5 : f32 to vector<1250x8xf32>
    %add3A_7 = arith.addf %add3A, %add3A_6 : vector<1250x8xf32>
    %rsqrt3A = math.rsqrt %add3A_7 : vector<1250x8xf32>
    %get3A_8 = arith.constant 0 : index
    %get3A_9 = arith.constant 0 : index
    %get3A_10 = vector.load %arg2[%get3A_8, %get3A_9] : memref<8x128xf32, #tpu.memory_space<vmem>>, vector<8x128xf32>
    %dot_general3A = arith.constant dense<0.000000e+00> : vector<1250x128xf32>
    %dot_general3A_11 = tpu.matmul %rsqrt3A, %get3A_10, %dot_general3A {dimension_numbers = #tpu.dot_dimension_numbers<[1], [0], [0], [1], [0, 0, 1, 1], [], []>, transpose_lhs_hint = false} : vector<1250x8xf32>, vector<8x128xf32>, vector<1250x128xf32> -> vector<1250x128xf32>
    %swap3A = arith.constant 0 : index
    %swap3A_12 = arith.constant 0 : index
    %swap3A_13 = vector.load %arg4[%swap3A, %swap3A_12] : memref<1250x128xf32, #tpu.memory_space<vmem>>, vector<1250x128xf32>
    tpu.vector_store %arg4[%swap3A, %swap3A_12], %dot_general3A_11 {strides = array<i32>} : memref<1250x128xf32, #tpu.memory_space<vmem>>, vector<1250x128xf32>,
    %get3A_14 = arith.constant 0 : index
    %get3A_15 = arith.constant 0 : index
    %get3A_16 = vector.load %arg3[%get3A_14, %get3A_15] : memref<1250x128xf32, #tpu.memory_space<vmem>>, vector<1250x128xf32>
    %mul3A = arith.mulf %get3A_16, %dot_general3A_11 : vector<1250x128xf32>
    %swap3A_17 = arith.constant 0 : index
    %swap3A_18 = arith.constant 0 : index
    %swap3A_19 = vector.load %arg5[%swap3A_17, %swap3A_18] : memref<1250x128xf32, #tpu.memory_space<vmem>>, vector<1250x128xf32>
    tpu.vector_store %arg5[%swap3A_17, %swap3A_18], %mul3A {strides = array<i32>} : memref<1250x128xf32, #tpu.memory_space<vmem>>, vector<1250x128xf32>,
    return
  }
}

module attributes {stable_mosaic.version = 14 : i64} {
  func.func @_tc_b_body(%arg0: memref<2x1250x128xf32, #tpu.memory_space<vmem>>, %arg1: memref<1250x128xf32, #tpu.memory_space<vmem>>, %arg2: memref<1250x128xf32, #tpu.memory_space<vmem>>, %arg3: memref<128xf32, #tpu.memory_space<vmem>>, %arg4: memref<1250x128xf32, #tpu.memory_space<vmem>>) attributes {dimension_semantics = [], scalar_prefetch = 0 : i64, scratch_operands = 0 : i64, tpu.core_type = #tpu.core_type<tc>} {
    %get3A = arith.constant 0 : index
    %get3A_0 = arith.constant 0 : index
    %get3A_1 = vector.load %arg2[%get3A, %get3A_0] : memref<1250x128xf32, #tpu.memory_space<vmem>>, vector<1250x128xf32>
    %get3A_2 = arith.constant 0 : index
    %get3A_3 = arith.constant 0 : index
    %get3A_4 = arith.constant 0 : index
    %get3A_5 = vector.load %arg0[%get3A_2, %get3A_3, %get3A_4] : memref<2x1250x128xf32, #tpu.memory_space<vmem>>, vector<1x1250x128xf32>
    %get3A_6 = vector.shape_cast %get3A_5 : vector<1x1250x128xf32> to vector<1250x128xf32>
    %get3A_7 = arith.constant 1 : index
    %get3A_8 = arith.constant 0 : index
    %get3A_9 = arith.constant 0 : index
    %get3A_10 = vector.load %arg0[%get3A_7, %get3A_8, %get3A_9] : memref<2x1250x128xf32, #tpu.memory_space<vmem>>, vector<1x1250x128xf32>
    %get3A_11 = vector.shape_cast %get3A_10 : vector<1x1250x128xf32> to vector<1250x128xf32>
    %add3A = arith.addf %get3A_6, %get3A_11 : vector<1250x128xf32>
    %get3A_12 = arith.constant 0 : index
    %get3A_13 = arith.constant 0 : index
    %get3A_14 = vector.load %arg1[%get3A_12, %get3A_13] : memref<1250x128xf32, #tpu.memory_space<vmem>>, vector<1250x128xf32>
    %add3A_15 = arith.addf %add3A, %get3A_14 : vector<1250x128xf32>
    %mul3A = arith.mulf %add3A_15, %get3A_1 : vector<1250x128xf32>
    %get3A_16 = arith.constant 0 : index
    %get3A_17 = vector.load %arg3[%get3A_16] : memref<128xf32, #tpu.memory_space<vmem>>, vector<128xf32>
    %broadcast_in_dim3A = vector.shape_cast %get3A_17 : vector<128xf32> to vector<1x128xf32>
    %add3A_18 = vector.broadcast %broadcast_in_dim3A : vector<1x128xf32> to vector<1250x128xf32>
    %add3A_19 = arith.addf %mul3A, %add3A_18 : vector<1250x128xf32>
    %max3A = arith.constant 0.000000e+00 : f32
    %max3A_20 = vector.broadcast %max3A : f32 to vector<1250x128xf32>
    %max3A_21 = arith.maximumf %add3A_19, %max3A_20 : vector<1250x128xf32>
    %mul3A_22 = arith.mulf %max3A_21, %get3A_1 : vector<1250x128xf32>
    %swap3A = arith.constant 0 : index
    %swap3A_23 = arith.constant 0 : index
    %swap3A_24 = vector.load %arg4[%swap3A, %swap3A_23] : memref<1250x128xf32, #tpu.memory_space<vmem>>, vector<1250x128xf32>
    tpu.vector_store %arg4[%swap3A, %swap3A_23], %mul3A_22 {strides = array<i32>} : memref<1250x128xf32, #tpu.memory_space<vmem>>, vector<1250x128xf32>,
    return
  }
}

module attributes {stable_mosaic.version = 14 : i64} {
  func.func @_tc_c_body(%arg0: memref<2x1250x128xf32, #tpu.memory_space<vmem>>, %arg1: memref<1250x128xf32, #tpu.memory_space<vmem>>, %arg2: memref<1250x128xf32, #tpu.memory_space<vmem>>, %arg3: memref<128x32xf32, #tpu.memory_space<vmem>>, %arg4: memref<32xf32, #tpu.memory_space<vmem>>, %arg5: memref<32x32xf32, #tpu.memory_space<vmem>>, %arg6: memref<1250x32xf32, #tpu.memory_space<vmem>>) attributes {dimension_semantics = [], scalar_prefetch = 0 : i64, scratch_operands = 0 : i64, tpu.core_type = #tpu.core_type<tc>} {
    %get3A = arith.constant 0 : index
    %get3A_0 = arith.constant 0 : index
    %get3A_1 = arith.constant 0 : index
    %get3A_2 = vector.load %arg0[%get3A, %get3A_0, %get3A_1] : memref<2x1250x128xf32, #tpu.memory_space<vmem>>, vector<1x1250x128xf32>
    %get3A_3 = vector.shape_cast %get3A_2 : vector<1x1250x128xf32> to vector<1250x128xf32>
    %get3A_4 = arith.constant 1 : index
    %get3A_5 = arith.constant 0 : index
    %get3A_6 = arith.constant 0 : index
    %get3A_7 = vector.load %arg0[%get3A_4, %get3A_5, %get3A_6] : memref<2x1250x128xf32, #tpu.memory_space<vmem>>, vector<1x1250x128xf32>
    %get3A_8 = vector.shape_cast %get3A_7 : vector<1x1250x128xf32> to vector<1250x128xf32>
    %add3A = arith.addf %get3A_3, %get3A_8 : vector<1250x128xf32>
    %get3A_9 = arith.constant 0 : index
    %get3A_10 = arith.constant 0 : index
    %get3A_11 = vector.load %arg1[%get3A_9, %get3A_10] : memref<1250x128xf32, #tpu.memory_space<vmem>>, vector<1250x128xf32>
    %add3A_12 = arith.addf %add3A, %get3A_11 : vector<1250x128xf32>
    %get3A_13 = arith.constant 0 : index
    %get3A_14 = arith.constant 0 : index
    %get3A_15 = vector.load %arg2[%get3A_13, %get3A_14] : memref<1250x128xf32, #tpu.memory_space<vmem>>, vector<1250x128xf32>
    %mul3A = arith.mulf %add3A_12, %get3A_15 : vector<1250x128xf32>
    %get3A_16 = arith.constant 0 : index
    %get3A_17 = arith.constant 0 : index
    %get3A_18 = vector.load %arg3[%get3A_16, %get3A_17] : memref<128x32xf32, #tpu.memory_space<vmem>>, vector<128x32xf32>
    %dot_general3A = arith.constant dense<0.000000e+00> : vector<1250x32xf32>
    %dot_general3A_19 = tpu.matmul %mul3A, %get3A_18, %dot_general3A {dimension_numbers = #tpu.dot_dimension_numbers<[1], [0], [0], [1], [0, 0, 1, 1], [], []>, transpose_lhs_hint = false} : vector<1250x128xf32>, vector<128x32xf32>, vector<1250x32xf32> -> vector<1250x32xf32>
    %get3A_20 = arith.constant 0 : index
    %get3A_21 = vector.load %arg4[%get3A_20] : memref<32xf32, #tpu.memory_space<vmem>>, vector<32xf32>
    %broadcast_in_dim3A = vector.shape_cast %get3A_21 : vector<32xf32> to vector<1x32xf32>
    %add3A_22 = vector.broadcast %broadcast_in_dim3A : vector<1x32xf32> to vector<1250x32xf32>
    %add3A_23 = arith.addf %dot_general3A_19, %add3A_22 : vector<1250x32xf32>
    %reduce_max3A = arith.constant dense<0xFF800000> : vector<1250xf32>
    %reduce_max3A_24 = vector.multi_reduction <maximumf>, %add3A_23, %reduce_max3A [1] : vector<1250x32xf32> to vector<1250xf32>
    %broadcast_in_dim3A_25 = vector.shape_cast %reduce_max3A_24 : vector<1250xf32> to vector<1250x1xf32>
    %sub3A = vector.broadcast %broadcast_in_dim3A_25 : vector<1250x1xf32> to vector<1250x32xf32>
    %sub3A_26 = arith.subf %add3A_23, %sub3A : vector<1250x32xf32>
    %exp3A = math.exp %sub3A_26 : vector<1250x32xf32>
    %get3A_27 = arith.constant 0 : index
    %get3A_28 = arith.constant 0 : index
    %get3A_29 = vector.load %arg5[%get3A_27, %get3A_28] : memref<32x32xf32, #tpu.memory_space<vmem>>, vector<32x32xf32>
    %dot_general3A_30 = arith.constant dense<0.000000e+00> : vector<1250x32xf32>
    %dot_general3A_31 = tpu.matmul %exp3A, %get3A_29, %dot_general3A_30 {dimension_numbers = #tpu.dot_dimension_numbers<[1], [0], [0], [1], [0, 0, 1, 1], [], []>, transpose_lhs_hint = false} : vector<1250x32xf32>, vector<32x32xf32>, vector<1250x32xf32> -> vector<1250x32xf32>
    %sub3A_32 = vector.broadcast %broadcast_in_dim3A_25 : vector<1250x1xf32> to vector<1250x32xf32>
    %sub3A_33 = arith.subf %add3A_23, %sub3A_32 : vector<1250x32xf32>
    %log3A = math.log %dot_general3A_31 : vector<1250x32xf32>
    %sub3A_34 = arith.subf %sub3A_33, %log3A : vector<1250x32xf32>
    %swap3A = arith.constant 0 : index
    %swap3A_35 = arith.constant 0 : index
    %swap3A_36 = vector.load %arg6[%swap3A, %swap3A_35] : memref<1250x32xf32, #tpu.memory_space<vmem>>, vector<1250x32xf32>
    tpu.vector_store %arg6[%swap3A, %swap3A_35], %sub3A_34 {strides = array<i32>} : memref<1250x32xf32, #tpu.memory_space<vmem>>, vector<1250x32xf32>,
    return
  }
}

</mosaic_0001>

<sc_bundles>
// kernel: kernel.12.cloned.1.call-start
scs
__scs_entry_jumppad:
0x0: {  	(pc) =	sbr.rel $0x88, $3  }
0x1: {  	(tag) =	ssettag $0x0;
	lr =	simm.s32 $0x1  }
0x2: {  	[smem:$0x3F9B] =	sst lr;
	_ =	strace $0xD0000000  }
0x3: {  	_ = 	snop  }
0x4: {  	_ = 	snop  }
0x5: {  	_ = 	snop  }
0x6: {  	_ = 	snop  }
0x7: {  	_ = 	snop  }
__scs_overlays_trampoline_lowered:
0x8: {  	[smem:$0x3FAA] =	sst s0  }
0x9: {  	[smem:$0x3FAB] =	sst s1  }
0xa: {  	[smem:$0x3FAC] =	sst s2  }
0xb: {  	[smem:$0x3FAD] =	sst s3  }
0xc: {  	[smem:$0x3FAE] =	sst s4  }
0xd: {  	[smem:$0x3FAF] =	sst s5  }
0xe: {  	[smem:$0x3FB0] =	sst s6  }
0xf: {  	[smem:$0x3FB1] =	sst s7  }
0x10: {  	[smem:$0x3FB2] =	sst s8  }
0x11: {  	[smem:$0x3FB3] =	sst s9;
	s0 =	simm.s32 @!p0 $0x0  }
0x12: {  	s1 =	sld [smem:$0x3F99];
	s0 =	simm.s32 @p0 $0x1  }
0x13: {  	[smem:$0x3FB4] =	sst s0;
	s0 =	simm.s32 @!p1 $0x0  }
0x14: {  	s2 =	sld [smem:$0x3F98];
	s0 =	simm.s32 @p1 $0x1  }
0x15: {  	[smem:$0x3FB5] =	sst s0;
	s0 =	simm.s32 @!p2 $0x0  }
0x16: {  	s3 =	sld [smem:$0x3FDB];
	s0 =	simm.s32 @p2 $0x1  }
0x17: {  	s4 =	simm.s32 $0x1BF5;
	[smem:$0x3FB7] =	sst s0  }
0x18: {  	s0 =	sld [smem:$0x3F9A];
	_ =	swait.ge [sflag:s4], $0x0  }
0x19: {  	s7 =	sld [smem:$0x3F9B]  }
0x1a: {  	s8 =	sadd.s32 $0xFFFFE003, lr  }
0x1b: {  	s9 =	sadd.s32 $0xFFFFFEF7, lr;
	s5 =	simm.s32 $0xFFFFFFFF;
	p2 =	slt.u32 s8, $0xFFFFF086  }
0x1c: {  	p1 =	slt.u32 s9, $0xF7A;
	s5 =	simm.s32 @!p2 $0x0  }
0x1d: {  	s5 =	simm.s32 @p1 $0x1;
	p0 =	seq.s32 s7, s2  }
0x1e: {  	s7 =	smul.u32 @!p0 $0xF7A, s2;
	p2 =	seq.s32 @!p0 s5, $0x0  }
0x1f: {  	s9 =	smul.u32 $0xF7A, s1;
	s8 =	simm.s32 @!p0 $0x1BF5;
	p2 =	por !p2, p0  }
0x20: {  	[sflag:s8] =	ssyncset.s32 @!p0 $0xFFFFF086;
	s6 =	sadd.s32 @!p0 s3, s7;
	s7 =	simm.s32 @!p0 $0x108  }
0x21: {  	s3 =	sadd.s32 s3, s9;
	s6 =	sadd.s32 @!p0 $0x88, s6;
	s7 =	simm.s32 @p2 $0x1082  }
0x22: {  	[simem:s7], [sflag:s8] =	dma.local @!p0 [hbm:s6], $0xF7A  }
0x23: {  	s9 =	sor.u32 $0xD0000000, s2;
	s6 =	simm.s32 $0x108;
	_ =	swait.ge @!p0 [sflag:s8], $0x0  }
0x24: {  	s3 =	sadd.s32 $0x88, s3;
	s6 =	simm.s32 @!p1 $0x1082;
	[sflag:s4] =	ssyncset.s32 $0xFFFFF086  }
0x25: {  	[simem:s6], [sflag:s4] =	dma.local [hbm:s3], $0xF7A  }
0x26: {  	[smem:$0x3F9B] =	sst s1;
	(tag) =	ssettag s2;
	_ =	strace s9  }
0x27: {  	s1 =	sld [smem:$0x3FAB]  }
0x28: {  	s2 =	sld [smem:$0x3FAC]  }
0x29: {  	s4 =	sld [smem:$0x3FAE]  }
0x2a: {  	p0 =	seq.s32 s5, $0x0;
	s5 =	sld [smem:$0x3FAF]  }
0x2b: {  	s6 =	sld [smem:$0x3FB0]  }
0x2c: {  	s7 =	sld [smem:$0x3FB1]  }
0x2d: {  	s3 =	simm.s32 $0x108;
	s8 =	sld [smem:$0x3FB2]  }
0x2e: {  	s3 =	simm.s32 @!p0 $0x1082;
	s9 =	sld [smem:$0x3FB3]  }
0x2f: {  	lr =	sadd.s32 s0, s3;
	s0 =	sld [smem:$0x3FAA]  }
0x30: {  	s3 =	sld [smem:$0x3FAD]  }
0x31: {  	[smem:$0x3FB6] =	sst s10  }
0x32: {  	s10 =	sld [smem:$0x3FB4];
	_ =	sdelay $0x3  }
0x33: {  	p0 =	seq.s32 s10, $0x1;
	s10 =	sld [smem:$0x3FB6];
	_ =	sdelay $0x3  }
0x34: {  	[smem:$0x3FB6] =	sst s10  }
0x35: {  	s10 =	sld [smem:$0x3FB5];
	_ =	sdelay $0x3  }
0x36: {  	p1 =	seq.s32 s10, $0x1;
	s10 =	sld [smem:$0x3FB6];
	_ =	sdelay $0x3  }
0x37: {  	[smem:$0x3FB6] =	sst s10  }
0x38: {  	s10 =	sld [smem:$0x3FB7]  }
0x39: {  	_ = 	snop;
	(pc) =	sbr.ind lr, $3  }
0x3a: {  	_ = 	snop  }
0x3b: {  	_ = 	snop  }
0x3c: {  	p2 =	seq.s32 s10, $0x1;
	s10 =	sld [smem:$0x3FB6]  }
0x3d: {  	_ =	shalt  }
0x3e: {  	_ =	shalt  }
0x3f: {  	_ =	shalt  }
0x40: {  	_ =	shalt  }
0x41: {  	_ =	shalt  }
0x42: {  	_ =	shalt  }
0x43: {  	_ =	shalt  }
0x44: {  	_ =	shalt  }
0x45: {  	_ =	shalt  }
0x46: {  	_ =	shalt  }
0x47: {  	_ =	shalt  }
0x48: {  	_ =	shalt  }
0x49: {  	_ =	shalt  }
0x4a: {  	_ =	shalt  }
0x4b: {  	_ =	shalt  }
0x4c: {  	_ =	shalt  }
0x4d: {  	_ =	shalt  }
0x4e: {  	_ =	shalt  }
0x4f: {  	_ =	shalt  }
0x50: {  	_ =	shalt  }
0x51: {  	_ =	shalt  }
0x52: {  	_ =	shalt  }
0x53: {  	_ =	shalt  }
0x54: {  	_ =	shalt  }
0x55: {  	_ =	shalt  }
0x56: {  	_ =	shalt  }
0x57: {  	_ =	shalt  }
0x58: {  	_ =	shalt  }
0x59: {  	_ =	shalt  }
0x5a: {  	_ =	shalt  }
0x5b: {  	_ =	shalt  }
0x5c: {  	_ =	shalt  }
0x5d: {  	_ =	shalt  }
0x5e: {  	_ =	shalt  }
0x5f: {  	_ =	shalt  }
0x60: {  	_ =	shalt  }
0x61: {  	_ =	shalt  }
0x62: {  	_ =	shalt  }
0x63: {  	_ =	shalt  }
0x64: {  	_ =	shalt  }
0x65: {  	_ =	shalt  }
0x66: {  	_ =	shalt  }
0x67: {  	_ =	shalt  }
0x68: {  	_ =	shalt  }
0x69: {  	_ =	shalt  }
0x6a: {  	_ =	shalt  }
0x6b: {  	_ =	shalt  }
0x6c: {  	_ =	shalt  }
0x6d: {  	_ =	shalt  }
0x6e: {  	_ =	shalt  }
0x6f: {  	_ =	shalt  }
0x70: {  	_ =	shalt  }
0x71: {  	_ =	shalt  }
0x72: {  	_ =	shalt  }
0x73: {  	_ =	shalt  }
0x74: {  	_ =	shalt  }
0x75: {  	_ =	shalt  }
0x76: {  	_ =	shalt  }
0x77: {  	_ =	shalt  }
0x78: {  	_ =	shalt  }
0x79: {  	_ =	shalt  }
0x7a: {  	_ =	shalt  }
0x7b: {  	_ =	shalt  }
0x7c: {  	_ =	shalt  }
0x7d: {  	_ =	shalt  }
0x7e: {  	_ =	shalt  }
0x7f: {  	_ =	shalt  }
0x80: {  	_ =	shalt  }
0x81: {  	_ =	shalt  }
0x82: {  	_ =	shalt  }
0x83: {  	_ =	shalt  }
0x84: {  	_ =	shalt  }
0x85: {  	_ =	shalt  }
0x86: {  	_ =	shalt  }
0x87: {  	_ =	shalt  }
.Lfunc_end0:
.L_simem_size_0:
called_computation.1_lowered:
.L_overlay_start_0:
0x88: {  	s2 =	sld [smem:$0x3FD9]  }
0x89: {  	s3 =	sld [smem:$0x3FFE];
	_ =	sdelay $0x1  }
0x8a: {  	s1 =	srdreg.scid  }
0x8b: {  	s0 =	sand.u32 $0x1, s1  }
0x8c: {  	s16 =	sshll.u32 s0, $0xA;
	s2 =	sadd.s32 s3, s2  }
0x8d: {  	s2 =	sadd.s32 s2, s16  }
0x8e: {  	[smem:$0x3FC2] =	sst s2  }
0x8f: {  	_ = 	snop  }
0x90: {  	(tm) =	ssettm $0x1  }
0x91: {  	s17 =	sld [smem:$0x3FFB];
	_ =	sdelay $0x3  }
0x92: {  	_ =	strace s17  }
0x93: {  	s2 =	sld [smem:$0x3FFC];
	_ =	sdelay $0x3  }
0x94: {  	_ =	strace s2  }
0x95: {  	s2 =	sld [smem:$0x3FFD];
	_ =	sdelay $0x3  }
0x96: {  	_ =	strace s2  }
0x97: {  	_ =	strace $0x8FFFFFFF  }
0x98: {  	s18 =	sld [smem:$0x3FDB];
	_ =	sdelay $0x1  }
0x99: {  	s19 =	simm.s32 $_scs_section_size  }
0x9a: {  	s4 =	simm.s32 $_size__tile_overlayer_lowered;
	s5 =	simm.s32 $_tile_overlayer_lowered  }
0x9b: {  	s22 =	simm.s32 $0x1BFF;
	s21 =	sshll.u32 s5, $0x1;
	s2 =	sadd.s32 s19, s18  }
0x9c: {  	s6 =	simm.s32 $0x0;
	s20 =	sshll.u32 s4, $0x1;
	s4 =	sadd.s32 s21, s2  }
0x9d: {  	[timem:s6], [sflag:s22] =	dma.local [hbm:s4], s20  }
0x9e: {  	_ =	swait.ge [sflag:s22], s20  }
0x9f: {  	s3 =	ssub.s32 $0x0, s20;
	[sflag:s22] =	ssyncset.done $0x0  }
0xa0: {  	[sflag:s22] =	ssyncadd.s32 s3;
	_ =	sdelay $0x1  }
0xa1: {  	s23 =	simm.s32 $0x1B8B  }
0xa2: {  	_ =	swait.ge [sflag:s23], $0x1  }
0xa3: {  	[sflag:s23] =	ssyncset.done $0x0  }
0xa4: {  	s25 =	simm.s32 $0x1B8E;
	s24 =	sld [smem:$0x3FFE];
	[sflag:s23] =	ssyncadd.s32 $0xFFFFFFFF  }
0xa5: {  	s26 =	simm.s32 $execute0_lowered;
	[smem:$0x3FD2] =	sst s25  }
0xa6: {  	s4 =	sshll.u32 s26, $0x1;
	_ =	strace $0x80000049;
	[dreg:$0x1] =	wrdreg $0xFFFFFFFF  }
0xa7: {  	s28 =	simm.s32 $_size_execute0_lowered;
	s2 =	sadd.s32 s2, s4;
	[dreg:$0x0] =	wrdreg $0x0  }
0xa8: {  	s4 =	sshll.u32 s28, $0x1;
	[dreg:$0x2] =	wrdreg s2  }
0xa9: {  	[dreg:$0x3] =	wrdreg s4  }
0xaa: {  	[dreg:$0x4] =	wrdreg $0xC0  }
0xab: {  	_ =	task [dreg:s6], $0x5FFFF  }
0xac: {  	[dreg:$0x1] =	wrdreg $0xFFFFFFFF  }
0xad: {  	[dreg:$0x0] =	wrdreg $0x60  }
0xae: {  	[dreg:$0x2] =	wrdreg s24  }
0xaf: {  	[dreg:$0x3] =	wrdreg $0x148200  }
0xb0: {  	[dreg:$0x4] =	wrdreg $0x9  }
0xb1: {  	_ =	task.clear_ibuf [dreg:s6], $0x5FFFF;
	_ =	strace $0x90000049  }
0xb2: {  	s29 =	simm.s32 $0x9;
	_ =	strace $0x8000004B  }
0xb3: {  	_ =	swait.ge [sflag:s29], $0x1  }
0xb4: {  	[sflag:s29] =	ssyncadd.s32 $0xFFFFFFFF  }
0xb5: {  	_ =	strace $0x9000004B  }
0xb6: {  	_ =	sfence  }
0xb7: {  	s30 =	sld [smem:$0x0];
	_ =	sdelay $0x2  }
0xb8: {  	s31 =	sshll.u32 s1, $0xD;
	s1 =	sshrl.u32 s1, $0x2  }
0xb9: {  	s3 =	sand.u32 $0x4000, s31;
	s1 =	sadd.s32 s1, s30  }
0xba: {  	s0 =	sor.u32 s3, s0;
	s1 =	sshll.u32 s1, $0x11  }
0xbb: {  	s0 =	sor.u32 s1, s0  }
0xbc: {  	s0 =	sadd.s32 $0x8F2B, s0  }
0xbd: {  	[sflag:s0] =	ssyncadd.remote.s32 $0x1  }
0xbe: {  	_ =	sfence.sel $0xFFFF  }
0xbf: {  	[dreg:$0x0] =	wrdreg $0xFFFFFFFF;
	(pc) =	sbr.abs _section_cstart, $3  }
0xc0: {  	[dreg:$0x1] =	wrdreg $0xFFFFFFFF  }
0xc1: {  	_ =	task.clear_ibuf [dreg:s6], $0x2FFFF;
	_ =	strace $0x9FFFFFFF  }
0xc2: {  	(tm) =	ssettm $0x7FFFFFFF  }
0xc3: {  	_ =	shalt  }
tec
execute0_lowered:
.L_overlay_start_1:
0x0: {  	(tag) =	ssettag $0x1  }
0x1: {  	s0 =	srdreg.scid;
	s1 =	rddreg [dreg:$0x0]  }
0x2: {  	s21 =	stileid.u32;
	s2 =	rddreg [dreg:$0x1]  }
0x3: {  	s24 =	simm.s32 $0x0;
	s31 =	simm.s32 $0x2710;
	s9 =	simm.s32 $0x4E20  }
0x4: {  	s8 =	simm.s32 $0x8CA0;
	s10 =	simm.s32 $0x1;
	s11 =	simm.s32 $0x7D0  }
0x5: {  	s20 =	simm.s32 $0x2AF8;
	s12 =	simm.s32 $0x2;
	s22 =	simm.s32 $0xBB8  }
0x6: {  	s23 =	simm.s32 $0x2EE0;
	s13 =	simm.s32 $0xFA0;
	s25 =	simm.s32 $0x32C8  }
0x7: {  	s26 =	simm.s32 $0x36B0;
	s29 =	simm.s32 $0x1B58;
	p0 =	por $0x0, $0x0  }
0x8: {  	s30 =	simm.s32 $0x3E80;
	s28 =	simm.s32 $0x1F40;
	[smem:$0x7FF] =	sst s24  }
0x9: {  	s0 =	sand.u32 $0x1, s0;
	_ =	strace $0x8000004A;
	[dreg:$0x6] =	wrdreg s11  }
0xa: {  	s3 =	sshll.u32 s21, $0x1;
	s4 =	smul.u32 $0x2710, s21;
	[dreg:$0x7] =	wrdreg s20  }
0xb: {  	s6 =	sadd.s32 $0x15800, s1;
	s19 =	sshll.u32 s21, $0x6;
	[dreg:$0x8] =	wrdreg s22  }
0xc: {  	s3 =	sor.u32 s0, s3;
	s5 =	smul.u32 $0x4E20, s0;
	[dreg:$0x9] =	wrdreg s23  }
0xd: {  	s0 =	ssub.s32 $0x2, s0;
	s20 =	simm.s32 $0x3;
	[dreg:$0xa] =	wrdreg s13  }
0xe: {  	s11 =	simm.s32 $0x5;
	[dreg:$0xb] =	wrdreg s25;
	s13 =	simm.s32 $0x6  }
0xf: {  	[dreg:$0xd] =	wrdreg s26;
	s26 =	simm.s32 $0x4268;
	s25 =	simm.s32 $0x2328  }
0x10: {  	s23 =	simm.s32 $0x4650;
	s22 =	simm.s32 $0x4A38;
	s3 =	smul.u32 $0x4E2, s3  }
0x11: {  	s14 =	sshrl.u32 s4, $0x3;
	s16 =	sshrl.u32 s0, $0x1;
	s18 =	sadd.s32 s4, s2  }
0x12: {  	s4 =	sor.u32 $0x1C09, s19;
	s19 =	simm.s32 $0x4;
	s7 =	sadd.s32 s14, s1  }
0x13: {  	s0 =	ssub.s32 s0, s16;
	s16 =	simm.s32 $0x1388;
	s3 =	sadd.s32 s3, s1  }
0x14: {  	s1 =	sadd.s32 s5, s1;
	s17 =	sadd.s32 $0x1A800, s7;
	s0 =	smax.u32 s0, $0x1  }
0x15: {  	s5 =	sshrl.u32 s18, $0x3;
	s7 =	simm.s32 $0x3E8;
	s18 =	simm.s32 $0xCB20  }
0x16: {  	[dreg:$0xc] =	wrdreg s16;
	s16 =	simm.s32 $0x7;
	p1 =	sne.s32 s0, $0x1  }
.Ltmp0:
0x17: {  	s15 =	sadd.s32 $0xBA00, s3;
	[dreg:$0x5] =	wrdreg s17;
	(pc) =	sbr.rel @!p1 .LBB2_1-.Ltmp0, $4  }
0x18: {  	s3 =	sadd.s32 $0x1C00, s3;
	s1 =	sadd.s32 $0x1F800, s1;
	[dreg:$0x3] =	wrdreg s15  }
0x19: {  	s17 =	simm.s32 $0x1770;
	[dreg:$0x4] =	wrdreg s3;
	s3 =	simm.s32 $0x9  }
0x1a: {  	s15 =	simm.s32 $0x109A0;
	[dreg:$0xe] =	wrdreg s17;
	s17 =	simm.s32 $0x8  }
0x1b: {  	s14 =	sadd.s32 s14, s1;
	s1 =	sadd.s32 $0xFFFFFFFF, s0;
	s0 =	rddreg [dreg:$0x3]  }
0x1c: {  	[tilespmem:s24], [sflag:$0x9] =	stream.linear.gather [hbm4b:s0+s24], $0x2710, $0x38;
	[tilespmem:$0x16F30] =	vst v63  }
0x1d: {  	_ =	swait.ge [sflag:s3], $0x2710  }
0x1e: {  	[sflag:s3] =	ssyncset.done $0x0  }
0x1f: {  	s21 =	rddreg [dreg:$0x4];
	[sflag:s3] =	ssyncadd.s32 $0xFFFFD8F0  }
0x20: {  	[tilespmem:s31], [sflag:$0x9] =	stream.linear.gather [hbm4b:s21+s24], $0x2710, $0x38;
	[tilespmem:$0x16F30] =	vst v63  }
0x21: {  	_ =	swait.ge [sflag:s3], $0x2710  }
0x22: {  	[sflag:s3] =	ssyncset.done $0x0  }
0x23: {  	s21 =	rddreg [dreg:$0x5];
	[sflag:s3] =	ssyncadd.s32 $0xFFFFD8F0  }
0x24: {  	[spmem:s5], [sflag:s4] =	dma.local [hbm:s21], $0x4E2  }
0x25: {  	_ =	swait.ge [sflag:s3], $0x4E2  }
0x26: {  	[sflag:s3] =	ssyncset.done $0x0  }
0x27: {  	[sflag:s3] =	ssyncadd.s32 $0xFFFFFB1E  }
0x28: {  	[tilespmem:s9], [sflag:$0x1] =	stream.indirect.gather [hbm4b:s6+s7], $0x10, s24, s7, $0xb8;
	[tilespmem:$0x16F30] =	vst v63  }
0x29: {  	_ = 	snop  }
0x2a: {  	[tilespmem:s8], [sflag:$0x2] =	stream.indirect.gather [hbm4b:s6+s7], $0x10, s7, s7, $0xb8;
	[tilespmem:$0x16F30] =	vst v63  }
0x2b: {  	[bflag:$0x0] =	sbarrier.arrive $0xFFFF  }
0x2c: {  	_ =	swait.ge [sflag:s10], $0x3E80  }
0x2d: {  	[sflag:s10] =	ssyncset.done $0x0  }
0x2e: {  	[sflag:s10] =	ssyncadd.s32 $0xFFFFC180  }
0x2f: {  	[spmem:s2] =	stream.indirect.scatter.add.f32 [tilespmem:s9], [sflag:$0x5], $0x10, s31, s7, $0xb8;
	[tilespmem:$0x16F30] =	vst v63  }
0x30: {  	s21 =	rddreg [dreg:$0x6]  }
0x31: {  	[tilespmem:s18], [sflag:$0x3] =	stream.indirect.gather [hbm4b:s6+s7], $0x10, s21, s7, $0xb8;
	[tilespmem:$0x16F30] =	vst v63  }
0x32: {  	_ =	swait.ge [sflag:s12], $0x3E80  }
0x33: {  	[sflag:s12] =	ssyncset.done $0x0  }
0x34: {  	s0 =	rddreg [dreg:$0x7];
	[sflag:s12] =	ssyncadd.s32 $0xFFFFC180  }
0x35: {  	[spmem:s2] =	stream.indirect.scatter.add.f32 [tilespmem:s8], [sflag:$0x6], $0x10, s0, s7, $0xb8;
	[tilespmem:$0x16F30] =	vst v63  }
0x36: {  	s21 =	smov.u32 s1;
	s1 =	rddreg [dreg:$0x8]  }
0x37: {  	[tilespmem:s15], [sflag:$0x4] =	stream.indirect.gather [hbm4b:s6+s7], $0x10, s1, s7, $0xb8;
	[tilespmem:$0x16F30] =	vst v63  }
0x38: {  	_ =	swait.ge [sflag:s20], $0x3E80  }
0x39: {  	[sflag:s20] =	ssyncset.done $0x0  }
0x3a: {  	s1 =	rddreg [dreg:$0x9];
	[sflag:s20] =	ssyncadd.s32 $0xFFFFC180  }
0x3b: {  	[spmem:s2] =	stream.indirect.scatter.add.f32 [tilespmem:s18], [sflag:$0x7], $0x10, s1, s7, $0xb8;
	[tilespmem:$0x16F30] =	vst v63  }
0x3c: {  	_ =	swait.ge [sflag:s11], $0x3E80  }
0x3d: {  	[sflag:s11] =	ssyncset.done $0x0  }
0x3e: {  	s1 =	rddreg [dreg:$0xa];
	[sflag:s11] =	ssyncadd.s32 $0xFFFFC180  }
0x3f: {  	[tilespmem:s9], [sflag:$0x1] =	stream.indirect.gather [hbm4b:s6+s7], $0x10, s1, s7, $0xb8;
	[tilespmem:$0x16F30] =	vst v63  }
0x40: {  	_ =	swait.ge [sflag:s19], $0x3E80  }
0x41: {  	[sflag:s19] =	ssyncset.done $0x0  }
0x42: {  	s1 =	rddreg [dreg:$0xb];
	[sflag:s19] =	ssyncadd.s32 $0xFFFFC180  }
0x43: {  	[spmem:s2] =	stream.indirect.scatter.add.f32 [tilespmem:s15], [sflag:$0x8], $0x10, s1, s7, $0xb8;
	[tilespmem:$0x16F30] =	vst v63  }
0x44: {  	_ =	swait.ge [sflag:s13], $0x3E80  }
0x45: {  	[sflag:s13] =	ssyncset.done $0x0  }
0x46: {  	s1 =	rddreg [dreg:$0xc];
	[sflag:s13] =	ssyncadd.s32 $0xFFFFC180  }
0x47: {  	[tilespmem:s8], [sflag:$0x2] =	stream.indirect.gather [hbm4b:s6+s7], $0x10, s1, s7, $0xb8;
	[tilespmem:$0x16F30] =	vst v63  }
0x48: {  	_ =	swait.ge [sflag:s10], $0x3E80  }
0x49: {  	[sflag:s10] =	ssyncset.done $0x0  }
0x4a: {  	s1 =	rddreg [dreg:$0xd];
	[sflag:s10] =	ssyncadd.s32 $0xFFFFC180  }
0x4b: {  	[spmem:s2] =	stream.indirect.scatter.add.f32 [tilespmem:s9], [sflag:$0x5], $0x10, s1, s7, $0xb8;
	[tilespmem:$0x16F30] =	vst v63  }
0x4c: {  	_ =	swait.ge [sflag:s16], $0x3E80  }
0x4d: {  	[sflag:s16] =	ssyncset.done $0x0  }
0x4e: {  	s1 =	rddreg [dreg:$0xe];
	[sflag:s16] =	ssyncadd.s32 $0xFFFFC180  }
0x4f: {  	[tilespmem:s18], [sflag:$0x3] =	stream.indirect.gather [hbm4b:s6+s7], $0x10, s1, s7, $0xb8;
	[tilespmem:$0x16F30] =	vst v63  }
0x50: {  	_ =	swait.ge [sflag:s12], $0x3E80  }
0x51: {  	[sflag:s12] =	ssyncset.done $0x0  }
0x52: {  	s1 =	simm.s32 $0x3A98;
	[sflag:s12] =	ssyncadd.s32 $0xFFFFC180  }
0x53: {  	[spmem:s2] =	stream.indirect.scatter.add.f32 [tilespmem:s8], [sflag:$0x6], $0x10, s1, s7, $0xb8;
	[tilespmem:$0x16F30] =	vst v63  }
0x54: {  	_ =	swait.ge [sflag:s17], $0x3E80  }
0x55: {  	[sflag:s17] =	ssyncset.done $0x0  }
0x56: {  	[sflag:s17] =	ssyncadd.s32 $0xFFFFC180  }
0x57: {  	[tilespmem:s15], [sflag:$0x4] =	stream.indirect.gather [hbm4b:s6+s7], $0x10, s29, s7, $0xb8;
	[tilespmem:$0x16F30] =	vst v63  }
0x58: {  	_ =	swait.ge [sflag:s20], $0x3E80  }
0x59: {  	[sflag:s20] =	ssyncset.done $0x0  }
0x5a: {  	[sflag:s20] =	ssyncadd.s32 $0xFFFFC180  }
0x5b: {  	[spmem:s2] =	stream.indirect.scatter.add.f32 [tilespmem:s18], [sflag:$0x7], $0x10, s30, s7, $0xb8;
	[tilespmem:$0x16F30] =	vst v63  }
0x5c: {  	_ =	swait.ge [sflag:s11], $0x3E80  }
0x5d: {  	[sflag:s11] =	ssyncset.done $0x0  }
0x5e: {  	[sflag:s11] =	ssyncadd.s32 $0xFFFFC180  }
0x5f: {  	[tilespmem:s9], [sflag:$0x1] =	stream.indirect.gather [hbm4b:s6+s7], $0x10, s28, s7, $0xb8;
	[tilespmem:$0x16F30] =	vst v63  }
0x60: {  	_ =	swait.ge [sflag:s19], $0x3E80  }
0x61: {  	[sflag:s19] =	ssyncset.done $0x0  }
0x62: {  	[sflag:s19] =	ssyncadd.s32 $0xFFFFC180  }
0x63: {  	[spmem:s2] =	stream.indirect.scatter.add.f32 [tilespmem:s15], [sflag:$0x8], $0x10, s26, s7, $0xb8;
	[tilespmem:$0x16F30] =	vst v63  }
0x64: {  	_ =	swait.ge [sflag:s13], $0x3E80  }
0x65: {  	[sflag:s13] =	ssyncset.done $0x0  }
0x66: {  	[sflag:s13] =	ssyncadd.s32 $0xFFFFC180  }
0x67: {  	[tilespmem:s8], [sflag:$0x2] =	stream.indirect.gather [hbm4b:s6+s7], $0x10, s25, s7, $0xb8;
	[tilespmem:$0x16F30] =	vst v63  }
0x68: {  	_ =	swait.ge [sflag:s10], $0x3E80  }
0x69: {  	[sflag:s10] =	ssyncset.done $0x0  }
0x6a: {  	[sflag:s10] =	ssyncadd.s32 $0xFFFFC180  }
0x6b: {  	[spmem:s2] =	stream.indirect.scatter.add.f32 [tilespmem:s9], [sflag:$0x5], $0x10, s23, s7, $0xb8;
	[tilespmem:$0x16F30] =	vst v63  }
0x6c: {  	_ =	swait.ge [sflag:s12], $0x3E80  }
0x6d: {  	[sflag:s12] =	ssyncset.done $0x0  }
0x6e: {  	[sflag:s12] =	ssyncadd.s32 $0xFFFFC180  }
0x6f: {  	[spmem:s2] =	stream.indirect.scatter.add.f32 [tilespmem:s8], [sflag:$0x6], $0x10, s22, s7, $0xb8;
	[tilespmem:$0x16F30] =	vst v63  }
0x70: {  	_ =	swait.ge [sflag:s16], $0x3E80  }
0x71: {  	[sflag:s16] =	ssyncset.done $0x0  }
0x72: {  	[sflag:s16] =	ssyncadd.s32 $0xFFFFC180  }
0x73: {  	_ =	swait.ge [sflag:s17], $0x3E80  }
0x74: {  	[sflag:s17] =	ssyncset.done $0x0  }
0x75: {  	[sflag:s17] =	ssyncadd.s32 $0xFFFFC180  }
0x76: {  	_ =	swait.ge [sflag:s11], $0x3E80  }
0x77: {  	[sflag:s11] =	ssyncset.done $0x0  }
0x78: {  	[sflag:s11] =	ssyncadd.s32 $0xFFFFC180  }
0x79: {  	_ =	swait.ge [sflag:s13], $0x3E80  }
0x7a: {  	p1 =	sne.s32 s21, $0x1;
	[sflag:s13] =	ssyncset.done $0x0  }
.Ltmp1:
0x7b: {  	[sflag:s13] =	ssyncadd.s32 $0xFFFFC180;
	(pc) =	sbr.rel @!p1 .LBB2_3-.Ltmp1, $4  }
0x7c: {  	[bflag:$0x0] =	sbarrier.arrive $0xFFFF  }
0x7d: {  	[hbm:s14], [sflag:s4] =	dma.local [spmem:s5], $0x4E2  }
0x7e: {  	p0 =	por $0x1, $0x1;
	_ =	swait.ge [sflag:s3], $0x4E2  }
0x7f: {  	s1 =	sadd.s32 $0xFFFFFFFF, s21;
	s0 =	rddreg [dreg:$0x3];
	[sflag:s3] =	ssyncset.done $0x0  }
.LBB2_4:
0x80: {  	[sflag:s3] =	ssyncadd.s32 $0xFFFFFB1E  }
0x81: {  	[tilespmem:s24], [sflag:$0x9] =	stream.linear.gather [hbm4b:s0+s24], $0x2710, $0x38;
	[tilespmem:$0x16F30] =	vst v63  }
0x82: {  	_ =	swait.ge [sflag:s3], $0x2710  }
0x83: {  	[sflag:s3] =	ssyncset.done $0x0  }
0x84: {  	s21 =	rddreg [dreg:$0x4];
	[sflag:s3] =	ssyncadd.s32 $0xFFFFD8F0  }
0x85: {  	[tilespmem:s31], [sflag:$0x9] =	stream.linear.gather [hbm4b:s21+s24], $0x2710, $0x38;
	[tilespmem:$0x16F30] =	vst v63  }
0x86: {  	_ =	swait.ge [sflag:s3], $0x2710  }
0x87: {  	[sflag:s3] =	ssyncset.done $0x0  }
0x88: {  	s21 =	rddreg [dreg:$0x5];
	[sflag:s3] =	ssyncadd.s32 $0xFFFFD8F0  }
0x89: {  	[spmem:s5], [sflag:s4] =	dma.local [hbm:s21], $0x4E2  }
0x8a: {  	_ =	swait.ge [sflag:s3], $0x4E2  }
0x8b: {  	[sflag:s3] =	ssyncset.done $0x0  }
0x8c: {  	[sflag:s3] =	ssyncadd.s32 $0xFFFFFB1E  }
0x8d: {  	[tilespmem:s9], [sflag:$0x1] =	stream.indirect.gather [hbm4b:s6+s7], $0x10, s24, s7, $0xb8;
	[tilespmem:$0x16F30] =	vst v63  }
0x8e: {  	_ = 	snop  }
0x8f: {  	[tilespmem:s8], [sflag:$0x2] =	stream.indirect.gather [hbm4b:s6+s7], $0x10, s7, s7, $0xb8;
	[tilespmem:$0x16F30] =	vst v63  }
0x90: {  	[bflag:$0x0] =	sbarrier.arrive $0xFFFF  }
0x91: {  	_ =	swait.ge [sflag:s10], $0x3E80  }
0x92: {  	[sflag:s10] =	ssyncset.done $0x0  }
0x93: {  	[sflag:s10] =	ssyncadd.s32 $0xFFFFC180  }
0x94: {  	[spmem:s2] =	stream.indirect.scatter.add.f32 [tilespmem:s9], [sflag:$0x5], $0x10, s31, s7, $0xb8;
	[tilespmem:$0x16F30] =	vst v63  }
0x95: {  	s21 =	rddreg [dreg:$0x6]  }
0x96: {  	[tilespmem:s18], [sflag:$0x3] =	stream.indirect.gather [hbm4b:s6+s7], $0x10, s21, s7, $0xb8;
	[tilespmem:$0x16F30] =	vst v63  }
0x97: {  	_ =	swait.ge [sflag:s12], $0x3E80  }
0x98: {  	[sflag:s12] =	ssyncset.done $0x0  }
0x99: {  	s0 =	rddreg [dreg:$0x7];
	[sflag:s12] =	ssyncadd.s32 $0xFFFFC180  }
0x9a: {  	[spmem:s2] =	stream.indirect.scatter.add.f32 [tilespmem:s8], [sflag:$0x6], $0x10, s0, s7, $0xb8;
	[tilespmem:$0x16F30] =	vst v63  }
0x9b: {  	s21 =	rddreg [dreg:$0x8]  }
0x9c: {  	[tilespmem:s15], [sflag:$0x4] =	stream.indirect.gather [hbm4b:s6+s7], $0x10, s21, s7, $0xb8;
	[tilespmem:$0x16F30] =	vst v63  }
0x9d: {  	_ =	swait.ge [sflag:s20], $0x3E80  }
0x9e: {  	[sflag:s20] =	ssyncset.done $0x0  }
0x9f: {  	s21 =	rddreg [dreg:$0x9];
	[sflag:s20] =	ssyncadd.s32 $0xFFFFC180  }
0xa0: {  	[spmem:s2] =	stream.indirect.scatter.add.f32 [tilespmem:s18], [sflag:$0x7], $0x10, s21, s7, $0xb8;
	[tilespmem:$0x16F30] =	vst v63  }
0xa1: {  	_ =	swait.ge [sflag:s11], $0x3E80  }
0xa2: {  	[sflag:s11] =	ssyncset.done $0x0  }
0xa3: {  	s21 =	rddreg [dreg:$0xa];
	[sflag:s11] =	ssyncadd.s32 $0xFFFFC180  }
0xa4: {  	[tilespmem:s9], [sflag:$0x1] =	stream.indirect.gather [hbm4b:s6+s7], $0x10, s21, s7, $0xb8;
	[tilespmem:$0x16F30] =	vst v63  }
0xa5: {  	_ =	swait.ge [sflag:s19], $0x3E80  }
0xa6: {  	[sflag:s19] =	ssyncset.done $0x0  }
0xa7: {  	s21 =	rddreg [dreg:$0xb];
	[sflag:s19] =	ssyncadd.s32 $0xFFFFC180  }
0xa8: {  	[spmem:s2] =	stream.indirect.scatter.add.f32 [tilespmem:s15], [sflag:$0x8], $0x10, s21, s7, $0xb8;
	[tilespmem:$0x16F30] =	vst v63  }
0xa9: {  	_ =	swait.ge [sflag:s13], $0x3E80  }
0xaa: {  	[sflag:s13] =	ssyncset.done $0x0  }
0xab: {  	s21 =	rddreg [dreg:$0xc];
	[sflag:s13] =	ssyncadd.s32 $0xFFFFC180  }
0xac: {  	[tilespmem:s8], [sflag:$0x2] =	stream.indirect.gather [hbm4b:s6+s7], $0x10, s21, s7, $0xb8;
	[tilespmem:$0x16F30] =	vst v63  }
0xad: {  	_ =	swait.ge [sflag:s10], $0x3E80  }
0xae: {  	[sflag:s10] =	ssyncset.done $0x0  }
0xaf: {  	s21 =	rddreg [dreg:$0xd];
	[sflag:s10] =	ssyncadd.s32 $0xFFFFC180  }
0xb0: {  	[spmem:s2] =	stream.indirect.scatter.add.f32 [tilespmem:s9], [sflag:$0x5], $0x10, s21, s7, $0xb8;
	[tilespmem:$0x16F30] =	vst v63  }
0xb1: {  	_ =	swait.ge [sflag:s16], $0x3E80  }
0xb2: {  	[sflag:s16] =	ssyncset.done $0x0  }
0xb3: {  	s21 =	rddreg [dreg:$0xe];
	[sflag:s16] =	ssyncadd.s32 $0xFFFFC180  }
0xb4: {  	[tilespmem:s18], [sflag:$0x3] =	stream.indirect.gather [hbm4b:s6+s7], $0x10, s21, s7, $0xb8;
	[tilespmem:$0x16F30] =	vst v63  }
0xb5: {  	_ =	swait.ge [sflag:s12], $0x3E80  }
0xb6: {  	[sflag:s12] =	ssyncset.done $0x0  }
0xb7: {  	s21 =	simm.s32 $0x3A98;
	[sflag:s12] =	ssyncadd.s32 $0xFFFFC180  }
0xb8: {  	[spmem:s2] =	stream.indirect.scatter.add.f32 [tilespmem:s8], [sflag:$0x6], $0x10, s21, s7, $0xb8;
	[tilespmem:$0x16F30] =	vst v63  }
0xb9: {  	_ =	swait.ge [sflag:s17], $0x3E80  }
0xba: {  	[sflag:s17] =	ssyncset.done $0x0  }
0xbb: {  	[sflag:s17] =	ssyncadd.s32 $0xFFFFC180  }
0xbc: {  	[tilespmem:s15], [sflag:$0x4] =	stream.indirect.gather [hbm4b:s6+s7], $0x10, s29, s7, $0xb8;
	[tilespmem:$0x16F30] =	vst v63  }
0xbd: {  	_ =	swait.ge [sflag:s20], $0x3E80  }
0xbe: {  	[sflag:s20] =	ssyncset.done $0x0  }
0xbf: {  	[sflag:s20] =	ssyncadd.s32 $0xFFFFC180  }
0xc0: {  	[spmem:s2] =	stream.indirect.scatter.add.f32 [tilespmem:s18], [sflag:$0x7], $0x10, s30, s7, $0xb8;
	[tilespmem:$0x16F30] =	vst v63  }
0xc1: {  	_ =	swait.ge [sflag:s11], $0x3E80  }
0xc2: {  	[sflag:s11] =	ssyncset.done $0x0  }
0xc3: {  	[sflag:s11] =	ssyncadd.s32 $0xFFFFC180  }
0xc4: {  	[tilespmem:s9], [sflag:$0x1] =	stream.indirect.gather [hbm4b:s6+s7], $0x10, s28, s7, $0xb8;
	[tilespmem:$0x16F30] =	vst v63  }
0xc5: {  	_ =	swait.ge [sflag:s19], $0x3E80  }
0xc6: {  	[sflag:s19] =	ssyncset.done $0x0  }
0xc7: {  	[sflag:s19] =	ssyncadd.s32 $0xFFFFC180  }
0xc8: {  	[spmem:s2] =	stream.indirect.scatter.add.f32 [tilespmem:s15], [sflag:$0x8], $0x10, s26, s7, $0xb8;
	[tilespmem:$0x16F30] =	vst v63  }
0xc9: {  	_ =	swait.ge [sflag:s13], $0x3E80  }
0xca: {  	[sflag:s13] =	ssyncset.done $0x0  }
0xcb: {  	[sflag:s13] =	ssyncadd.s32 $0xFFFFC180  }
0xcc: {  	[tilespmem:s8], [sflag:$0x2] =	stream.indirect.gather [hbm4b:s6+s7], $0x10, s25, s7, $0xb8;
	[tilespmem:$0x16F30] =	vst v63  }
0xcd: {  	_ =	swait.ge [sflag:s10], $0x3E80  }
0xce: {  	[sflag:s10] =	ssyncset.done $0x0  }
0xcf: {  	[sflag:s10] =	ssyncadd.s32 $0xFFFFC180  }
0xd0: {  	[spmem:s2] =	stream.indirect.scatter.add.f32 [tilespmem:s9], [sflag:$0x5], $0x10, s23, s7, $0xb8;
	[tilespmem:$0x16F30] =	vst v63  }
0xd1: {  	_ =	swait.ge [sflag:s12], $0x3E80  }
0xd2: {  	[sflag:s12] =	ssyncset.done $0x0  }
0xd3: {  	[sflag:s12] =	ssyncadd.s32 $0xFFFFC180  }
0xd4: {  	[spmem:s2] =	stream.indirect.scatter.add.f32 [tilespmem:s8], [sflag:$0x6], $0x10, s22, s7, $0xb8;
	[tilespmem:$0x16F30] =	vst v63  }
0xd5: {  	_ =	swait.ge [sflag:s16], $0x3E80  }
0xd6: {  	[sflag:s16] =	ssyncset.done $0x0  }
0xd7: {  	[sflag:s16] =	ssyncadd.s32 $0xFFFFC180  }
0xd8: {  	_ =	swait.ge [sflag:s17], $0x3E80  }
0xd9: {  	[sflag:s17] =	ssyncset.done $0x0  }
0xda: {  	[sflag:s17] =	ssyncadd.s32 $0xFFFFC180  }
0xdb: {  	_ =	swait.ge [sflag:s11], $0x3E80  }
0xdc: {  	[sflag:s11] =	ssyncset.done $0x0  }
0xdd: {  	[sflag:s11] =	ssyncadd.s32 $0xFFFFC180  }
0xde: {  	_ =	swait.ge [sflag:s13], $0x3E80  }
0xdf: {  	p1 =	sne.s32 s1, $0x1;
	[sflag:s13] =	ssyncset.done $0x0  }
.Ltmp2:
0xe0: {  	[sflag:s13] =	ssyncadd.s32 $0xFFFFC180;
	(pc) =	sbr.rel @p1 .LBB2_4-.Ltmp2, $4  }
0xe1: {  	[bflag:$0x0] =	sbarrier.arrive $0xFFFF  }
0xe2: {  	[hbm:s14], [sflag:s4] =	dma.local [spmem:s5], $0x4E2  }
0xe3: {  	_ =	swait.ge [sflag:s3], $0x4E2  }
0xe4: {  	s1 =	sadd.s32 $0xFFFFFFFF, s1;
	s0 =	rddreg [dreg:$0x3];
	[sflag:s3] =	ssyncset.done $0x0  }
0xe5: {  	s22 =	simm.s32 $0x3A98;
	s30 =	simm.s32 $0x3E80  }
0xe6: {  	s29 =	simm.s32 $0x1B58;
	s28 =	simm.s32 $0x1F40;
	s26 =	simm.s32 $0x4268  }
0xe7: {  	s25 =	simm.s32 $0x2328;
	s23 =	simm.s32 $0x4650;
	s21 =	stileid.u32  }
.LBB2_6:
0xe8: {  	[sflag:s3] =	ssyncadd.s32 @p0 $0xFFFFFB1E  }
0xe9: {  	[tilespmem:s24], [sflag:$0x9] =	stream.linear.gather [hbm4b:s0+s24], $0x2710, $0x38;
	[tilespmem:$0x16F30] =	vst v63  }
0xea: {  	_ =	swait.ge [sflag:s3], $0x2710  }
0xeb: {  	[sflag:s3] =	ssyncset.done $0x0  }
0xec: {  	s1 =	rddreg [dreg:$0x4];
	[sflag:s3] =	ssyncadd.s32 $0xFFFFD8F0  }
0xed: {  	[tilespmem:s31], [sflag:$0x9] =	stream.linear.gather [hbm4b:s1+s24], $0x2710, $0x38;
	[tilespmem:$0x16F30] =	vst v63  }
0xee: {  	_ =	swait.ge [sflag:s3], $0x2710  }
0xef: {  	[sflag:s3] =	ssyncset.done $0x0  }
0xf0: {  	s1 =	rddreg [dreg:$0x5];
	[sflag:s3] =	ssyncadd.s32 $0xFFFFD8F0  }
0xf1: {  	[spmem:s5], [sflag:s4] =	dma.local [hbm:s1], $0x4E2  }
0xf2: {  	_ =	swait.ge [sflag:s3], $0x4E2  }
0xf3: {  	[sflag:s3] =	ssyncset.done $0x0  }
0xf4: {  	[sflag:s3] =	ssyncadd.s32 $0xFFFFFB1E  }
0xf5: {  	[tilespmem:s9], [sflag:$0x1] =	stream.indirect.gather [hbm4b:s6+s7], $0x10, s24, s7, $0xb8;
	[tilespmem:$0x16F30] =	vst v63  }
0xf6: {  	_ = 	snop  }
0xf7: {  	[tilespmem:s8], [sflag:$0x2] =	stream.indirect.gather [hbm4b:s6+s7], $0x10, s7, s7, $0xb8;
	[tilespmem:$0x16F30] =	vst v63  }
0xf8: {  	[bflag:$0x0] =	sbarrier.arrive $0xFFFF  }
0xf9: {  	_ =	swait.ge [sflag:s10], $0x3E80  }
0xfa: {  	[sflag:s10] =	ssyncset.done $0x0  }
0xfb: {  	[sflag:s10] =	ssyncadd.s32 $0xFFFFC180  }
0xfc: {  	[spmem:s2] =	stream.indirect.scatter.add.f32 [tilespmem:s9], [sflag:$0x5], $0x10, s31, s7, $0xb8;
	[tilespmem:$0x16F30] =	vst v63  }
0xfd: {  	s1 =	rddreg [dreg:$0x6]  }
0xfe: {  	[tilespmem:s18], [sflag:$0x3] =	stream.indirect.gather [hbm4b:s6+s7], $0x10, s1, s7, $0xb8;
	[tilespmem:$0x16F30] =	vst v63  }
0xff: {  	_ =	swait.ge [sflag:s12], $0x3E80  }
0x100: {  	[sflag:s12] =	ssyncset.done $0x0  }
0x101: {  	s24 =	rddreg [dreg:$0x7];
	[sflag:s12] =	ssyncadd.s32 $0xFFFFC180  }
0x102: {  	[spmem:s2] =	stream.indirect.scatter.add.f32 [tilespmem:s8], [sflag:$0x6], $0x10, s24, s7, $0xb8;
	[tilespmem:$0x16F30] =	vst v63  }
0x103: {  	s1 =	rddreg [dreg:$0x8]  }
0x104: {  	[tilespmem:s15], [sflag:$0x4] =	stream.indirect.gather [hbm4b:s6+s7], $0x10, s1, s7, $0xb8;
	[tilespmem:$0x16F30] =	vst v63  }
0x105: {  	_ =	swait.ge [sflag:s20], $0x3E80  }
0x106: {  	[sflag:s20] =	ssyncset.done $0x0  }
0x107: {  	s31 =	rddreg [dreg:$0x9];
	[sflag:s20] =	ssyncadd.s32 $0xFFFFC180  }
0x108: {  	[spmem:s2] =	stream.indirect.scatter.add.f32 [tilespmem:s18], [sflag:$0x7], $0x10, s31, s7, $0xb8;
	[tilespmem:$0x16F30] =	vst v63  }
0x109: {  	_ =	swait.ge [sflag:s11], $0x3E80  }
0x10a: {  	[sflag:s11] =	ssyncset.done $0x0  }
0x10b: {  	s1 =	rddreg [dreg:$0xa];
	[sflag:s11] =	ssyncadd.s32 $0xFFFFC180  }
0x10c: {  	[tilespmem:s9], [sflag:$0x1] =	stream.indirect.gather [hbm4b:s6+s7], $0x10, s1, s7, $0xb8;
	[tilespmem:$0x16F30] =	vst v63  }
0x10d: {  	_ =	swait.ge [sflag:s19], $0x3E80  }
0x10e: {  	[sflag:s19] =	ssyncset.done $0x0  }
0x10f: {  	s24 =	rddreg [dreg:$0xb];
	[sflag:s19] =	ssyncadd.s32 $0xFFFFC180  }
0x110: {  	[spmem:s2] =	stream.indirect.scatter.add.f32 [tilespmem:s15], [sflag:$0x8], $0x10, s24, s7, $0xb8;
	[tilespmem:$0x16F30] =	vst v63  }
0x111: {  	_ =	swait.ge [sflag:s13], $0x3E80  }
0x112: {  	[sflag:s13] =	ssyncset.done $0x0  }
0x113: {  	s31 =	rddreg [dreg:$0xc];
	[sflag:s13] =	ssyncadd.s32 $0xFFFFC180  }
0x114: {  	[tilespmem:s8], [sflag:$0x2] =	stream.indirect.gather [hbm4b:s6+s7], $0x10, s31, s7, $0xb8;
	[tilespmem:$0x16F30] =	vst v63  }
0x115: {  	_ =	swait.ge [sflag:s10], $0x3E80  }
0x116: {  	[sflag:s10] =	ssyncset.done $0x0  }
0x117: {  	s1 =	rddreg [dreg:$0xd];
	[sflag:s10] =	ssyncadd.s32 $0xFFFFC180  }
0x118: {  	[spmem:s2] =	stream.indirect.scatter.add.f32 [tilespmem:s9], [sflag:$0x5], $0x10, s1, s7, $0xb8;
	[tilespmem:$0x16F30] =	vst v63  }
0x119: {  	_ =	swait.ge [sflag:s16], $0x3E80  }
0x11a: {  	[sflag:s16] =	ssyncset.done $0x0  }
0x11b: {  	s24 =	rddreg [dreg:$0xe];
	[sflag:s16] =	ssyncadd.s32 $0xFFFFC180  }
0x11c: {  	[tilespmem:s18], [sflag:$0x3] =	stream.indirect.gather [hbm4b:s6+s7], $0x10, s24, s7, $0xb8;
	[tilespmem:$0x16F30] =	vst v63  }
0x11d: {  	_ =	swait.ge [sflag:s12], $0x3E80  }
0x11e: {  	[sflag:s12] =	ssyncset.done $0x0  }
0x11f: {  	[sflag:s12] =	ssyncadd.s32 $0xFFFFC180  }
0x120: {  	[spmem:s2] =	stream.indirect.scatter.add.f32 [tilespmem:s8], [sflag:$0x6], $0x10, s22, s7, $0xb8;
	[tilespmem:$0x16F30] =	vst v63  }
0x121: {  	_ =	swait.ge [sflag:s17], $0x3E80  }
0x122: {  	[sflag:s17] =	ssyncset.done $0x0  }
0x123: {  	[sflag:s17] =	ssyncadd.s32 $0xFFFFC180  }
0x124: {  	[tilespmem:s15], [sflag:$0x4] =	stream.indirect.gather [hbm4b:s6+s7], $0x10, s29, s7, $0xb8;
	[tilespmem:$0x16F30] =	vst v63  }
0x125: {  	_ =	swait.ge [sflag:s20], $0x3E80  }
0x126: {  	[sflag:s20] =	ssyncset.done $0x0  }
0x127: {  	[sflag:s20] =	ssyncadd.s32 $0xFFFFC180  }
0x128: {  	[spmem:s2] =	stream.indirect.scatter.add.f32 [tilespmem:s18], [sflag:$0x7], $0x10, s30, s7, $0xb8;
	[tilespmem:$0x16F30] =	vst v63  }
0x129: {  	_ =	swait.ge [sflag:s11], $0x3E80  }
0x12a: {  	[sflag:s11] =	ssyncset.done $0x0  }
0x12b: {  	[sflag:s11] =	ssyncadd.s32 $0xFFFFC180  }
0x12c: {  	[tilespmem:s9], [sflag:$0x1] =	stream.indirect.gather [hbm4b:s6+s7], $0x10, s28, s7, $0xb8;
	[tilespmem:$0x16F30] =	vst v63  }
0x12d: {  	_ =	swait.ge [sflag:s19], $0x3E80  }
0x12e: {  	[sflag:s19] =	ssyncset.done $0x0  }
0x12f: {  	[sflag:s19] =	ssyncadd.s32 $0xFFFFC180  }
0x130: {  	[spmem:s2] =	stream.indirect.scatter.add.f32 [tilespmem:s15], [sflag:$0x8], $0x10, s26, s7, $0xb8;
	[tilespmem:$0x16F30] =	vst v63  }
0x131: {  	_ =	swait.ge [sflag:s13], $0x3E80  }
0x132: {  	[sflag:s13] =	ssyncset.done $0x0  }
0x133: {  	[sflag:s13] =	ssyncadd.s32 $0xFFFFC180  }
0x134: {  	[tilespmem:s8], [sflag:$0x2] =	stream.indirect.gather [hbm4b:s6+s7], $0x10, s25, s7, $0xb8;
	[tilespmem:$0x16F30] =	vst v63  }
0x135: {  	_ =	swait.ge [sflag:s10], $0x3E80  }
0x136: {  	[sflag:s10] =	ssyncset.done $0x0  }
0x137: {  	[sflag:s10] =	ssyncadd.s32 $0xFFFFC180  }
0x138: {  	[spmem:s2] =	stream.indirect.scatter.add.f32 [tilespmem:s9], [sflag:$0x5], $0x10, s23, s7, $0xb8;
	[tilespmem:$0x16F30] =	vst v63  }
0x139: {  	_ =	swait.ge [sflag:s12], $0x3E80  }
0x13a: {  	[sflag:s12] =	ssyncset.done $0x0  }
0x13b: {  	s31 =	simm.s32 $0x4A38;
	[sflag:s12] =	ssyncadd.s32 $0xFFFFC180  }
0x13c: {  	[spmem:s2] =	stream.indirect.scatter.add.f32 [tilespmem:s8], [sflag:$0x6], $0x10, s31, s7, $0xb8;
	[tilespmem:$0x16F30] =	vst v63  }
0x13d: {  	_ =	swait.ge [sflag:s16], $0x3E80  }
0x13e: {  	[sflag:s16] =	ssyncset.done $0x0  }
0x13f: {  	[sflag:s16] =	ssyncadd.s32 $0xFFFFC180  }
0x140: {  	_ =	swait.ge [sflag:s17], $0x3E80  }
0x141: {  	[sflag:s17] =	ssyncset.done $0x0  }
0x142: {  	[sflag:s17] =	ssyncadd.s32 $0xFFFFC180  }
0x143: {  	_ =	swait.ge [sflag:s11], $0x3E80  }
0x144: {  	[sflag:s11] =	ssyncset.done $0x0  }
0x145: {  	[sflag:s11] =	ssyncadd.s32 $0xFFFFC180  }
0x146: {  	_ =	swait.ge [sflag:s13], $0x3E80  }
0x147: {  	[sflag:s13] =	ssyncset.done $0x0  }
0x148: {  	[sflag:s13] =	ssyncadd.s32 $0xFFFFC180  }
0x149: {  	[bflag:$0x0] =	sbarrier.arrive $0xFFFF  }
0x14a: {  	[hbm:s14], [sflag:s4] =	dma.local [spmem:s5], $0x4E2  }
0x14b: {  	_ =	swait.ge [sflag:s3], $0x4E2  }
0x14c: {  	[sflag:s3] =	ssyncset.done $0x0  }
0x14d: {  	[sflag:s3] =	ssyncadd.s32 $0xFFFFFB1E  }
0x14e: {  	_ =	sfence.sel $0x180000  }
0x14f: {  	[bflag:$0x0] =	sbarrier.arrive $0xFFFF  }
0x150: {  	_ =	strace $0x9000004A  }
0x151: {  	[bflag:$0x2] =	sbarrier.arrive $0xFFFF  }
0x152: {  	p0 =	sne.s32 s21, $0x0;
	s0 =	rddreg [dreg:$0x2]  }
0x153: {  	s0 =	sadd.s32 @!p0 $0x100000, s0  }
0x154: {  	[sflag:s0] =	ssyncadd.tile.s32 @!p0 $0x1;
	_ =	shalt  }
.LBB2_1:
.Ltmp3:
0x155: {  	(pc) =	sbr.rel .LBB2_6-.Ltmp3, $4  }
0x156: {  	_ = 	snop  }
0x157: {  	s22 =	simm.s32 $0x3A98  }
0x158: {  	s30 =	simm.s32 $0x3E80;
	s29 =	simm.s32 $0x1B58;
	s28 =	simm.s32 $0x1F40  }
0x159: {  	s26 =	simm.s32 $0x4268;
	s25 =	simm.s32 $0x2328;
	s23 =	simm.s32 $0x4650  }
.LBB2_3:
.Ltmp4:
0x15a: {  	(pc) =	sbr.rel .LBB2_6-.Ltmp4, $4  }
0x15b: {  	_ = 	snop  }
0x15c: {  	s22 =	simm.s32 $0x3A98;
	s30 =	simm.s32 $0x3E80  }
0x15d: {  	s29 =	simm.s32 $0x1B58;
	s28 =	simm.s32 $0x1F40;
	s26 =	simm.s32 $0x4268  }
0x15e: {  	s25 =	simm.s32 $0x2328;
	s23 =	simm.s32 $0x4650;
	s21 =	stileid.u32  }
.Lfunc_end2:
_tile_overlayer_lowered:
.L_overlay_start_2:
0x15f: {  	(tag) =	ssettag $0x2  }
0x160: {  	s0 =	rddreg [dreg:$0x0];
	s2 =	stileid.u32  }
0x161: {  	s1 =	rddreg [dreg:$0x1];
	p0 =	sne.s32 s2, $0x0  }
0x162: {  	s3 =	rddreg [dreg:$0x2];
	[bflag:$0x3] =	sbarrier.arrive $0xFFFF;
	s2 =	simm.s32 @!p0 $0x1C09  }
0x163: {  	[timem:s3], [sflag:s2] =	dma.local @!p0 [hbm:s0], s1  }
0x164: {  	s0 =	simm.s32 @!p0 $0x9  }
0x165: {  	_ =	swait.ge @!p0 [sflag:s0], s1  }
0x166: {  	s1 =	ssub.s32 @!p0 $0x0, s1;
	[sflag:s0] =	ssyncset.done @!p0 $0x0  }
0x167: {  	[sflag:s0] =	ssyncadd.s32 @!p0 s1  }
0x168: {  	[bflag:$0x3] =	sbarrier.arrive $0xFFFF  }
0x169: {  	_ =	shalt  }

// kernel: kernel.15.cloned.1.call-start
scs
__scs_entry_jumppad:
0x0: {  	(pc) =	sbr.rel $0x88, $3  }
0x1: {  	(tag) =	ssettag $0x0;
	lr =	simm.s32 $0x1  }
0x2: {  	[smem:$0x3F9B] =	sst lr;
	_ =	strace $0xD0000000  }
0x3: {  	_ = 	snop  }
0x4: {  	_ = 	snop  }
0x5: {  	_ = 	snop  }
0x6: {  	_ = 	snop  }
0x7: {  	_ = 	snop  }
__scs_overlays_trampoline_lowered:
0x8: {  	[smem:$0x3FAA] =	sst s0  }
0x9: {  	[smem:$0x3FAB] =	sst s1  }
0xa: {  	[smem:$0x3FAC] =	sst s2  }
0xb: {  	[smem:$0x3FAD] =	sst s3  }
0xc: {  	[smem:$0x3FAE] =	sst s4  }
0xd: {  	[smem:$0x3FAF] =	sst s5  }
0xe: {  	[smem:$0x3FB0] =	sst s6  }
0xf: {  	[smem:$0x3FB1] =	sst s7  }
0x10: {  	[smem:$0x3FB2] =	sst s8  }
0x11: {  	[smem:$0x3FB3] =	sst s9;
	s0 =	simm.s32 @!p0 $0x0  }
0x12: {  	s1 =	sld [smem:$0x3F99];
	s0 =	simm.s32 @p0 $0x1  }
0x13: {  	[smem:$0x3FB4] =	sst s0;
	s0 =	simm.s32 @!p1 $0x0  }
0x14: {  	s2 =	sld [smem:$0x3F98];
	s0 =	simm.s32 @p1 $0x1  }
0x15: {  	[smem:$0x3FB5] =	sst s0;
	s0 =	simm.s32 @!p2 $0x0  }
0x16: {  	s3 =	sld [smem:$0x3FDB];
	s0 =	simm.s32 @p2 $0x1  }
0x17: {  	s4 =	simm.s32 $0x1BF5;
	[smem:$0x3FB7] =	sst s0  }
0x18: {  	s0 =	sld [smem:$0x3F9A];
	_ =	swait.ge [sflag:s4], $0x0  }
0x19: {  	s7 =	sld [smem:$0x3F9B]  }
0x1a: {  	s8 =	sadd.s32 $0xFFFFE003, lr  }
0x1b: {  	s9 =	sadd.s32 $0xFFFFFEF7, lr;
	s5 =	simm.s32 $0xFFFFFFFF;
	p2 =	slt.u32 s8, $0xFFFFF086  }
0x1c: {  	p1 =	slt.u32 s9, $0xF7A;
	s5 =	simm.s32 @!p2 $0x0  }
0x1d: {  	s5 =	simm.s32 @p1 $0x1;
	p0 =	seq.s32 s7, s2  }
0x1e: {  	s7 =	smul.u32 @!p0 $0xF7A, s2;
	p2 =	seq.s32 @!p0 s5, $0x0  }
0x1f: {  	s9 =	smul.u32 $0xF7A, s1;
	s8 =	simm.s32 @!p0 $0x1BF5;
	p2 =	por !p2, p0  }
0x20: {  	[sflag:s8] =	ssyncset.s32 @!p0 $0xFFFFF086;
	s6 =	sadd.s32 @!p0 s3, s7;
	s7 =	simm.s32 @!p0 $0x108  }
0x21: {  	s3 =	sadd.s32 s3, s9;
	s6 =	sadd.s32 @!p0 $0x88, s6;
	s7 =	simm.s32 @p2 $0x1082  }
0x22: {  	[simem:s7], [sflag:s8] =	dma.local @!p0 [hbm:s6], $0xF7A  }
0x23: {  	s9 =	sor.u32 $0xD0000000, s2;
	s6 =	simm.s32 $0x108;
	_ =	swait.ge @!p0 [sflag:s8], $0x0  }
0x24: {  	s3 =	sadd.s32 $0x88, s3;
	s6 =	simm.s32 @!p1 $0x1082;
	[sflag:s4] =	ssyncset.s32 $0xFFFFF086  }
0x25: {  	[simem:s6], [sflag:s4] =	dma.local [hbm:s3], $0xF7A  }
0x26: {  	[smem:$0x3F9B] =	sst s1;
	(tag) =	ssettag s2;
	_ =	strace s9  }
0x27: {  	s1 =	sld [smem:$0x3FAB]  }
0x28: {  	s2 =	sld [smem:$0x3FAC]  }
0x29: {  	s4 =	sld [smem:$0x3FAE]  }
0x2a: {  	p0 =	seq.s32 s5, $0x0;
	s5 =	sld [smem:$0x3FAF]  }
0x2b: {  	s6 =	sld [smem:$0x3FB0]  }
0x2c: {  	s7 =	sld [smem:$0x3FB1]  }
0x2d: {  	s3 =	simm.s32 $0x108;
	s8 =	sld [smem:$0x3FB2]  }
0x2e: {  	s3 =	simm.s32 @!p0 $0x1082;
	s9 =	sld [smem:$0x3FB3]  }
0x2f: {  	lr =	sadd.s32 s0, s3;
	s0 =	sld [smem:$0x3FAA]  }
0x30: {  	s3 =	sld [smem:$0x3FAD]  }
0x31: {  	[smem:$0x3FB6] =	sst s10  }
0x32: {  	s10 =	sld [smem:$0x3FB4];
	_ =	sdelay $0x3  }
0x33: {  	p0 =	seq.s32 s10, $0x1;
	s10 =	sld [smem:$0x3FB6];
	_ =	sdelay $0x3  }
0x34: {  	[smem:$0x3FB6] =	sst s10  }
0x35: {  	s10 =	sld [smem:$0x3FB5];
	_ =	sdelay $0x3  }
0x36: {  	p1 =	seq.s32 s10, $0x1;
	s10 =	sld [smem:$0x3FB6];
	_ =	sdelay $0x3  }
0x37: {  	[smem:$0x3FB6] =	sst s10  }
0x38: {  	s10 =	sld [smem:$0x3FB7]  }
0x39: {  	_ = 	snop;
	(pc) =	sbr.ind lr, $3  }
0x3a: {  	_ = 	snop  }
0x3b: {  	_ = 	snop  }
0x3c: {  	p2 =	seq.s32 s10, $0x1;
	s10 =	sld [smem:$0x3FB6]  }
0x3d: {  	_ =	shalt  }
0x3e: {  	_ =	shalt  }
0x3f: {  	_ =	shalt  }
0x40: {  	_ =	shalt  }
0x41: {  	_ =	shalt  }
0x42: {  	_ =	shalt  }
0x43: {  	_ =	shalt  }
0x44: {  	_ =	shalt  }
0x45: {  	_ =	shalt  }
0x46: {  	_ =	shalt  }
0x47: {  	_ =	shalt  }
0x48: {  	_ =	shalt  }
0x49: {  	_ =	shalt  }
0x4a: {  	_ =	shalt  }
0x4b: {  	_ =	shalt  }
0x4c: {  	_ =	shalt  }
0x4d: {  	_ =	shalt  }
0x4e: {  	_ =	shalt  }
0x4f: {  	_ =	shalt  }
0x50: {  	_ =	shalt  }
0x51: {  	_ =	shalt  }
0x52: {  	_ =	shalt  }
0x53: {  	_ =	shalt  }
0x54: {  	_ =	shalt  }
0x55: {  	_ =	shalt  }
0x56: {  	_ =	shalt  }
0x57: {  	_ =	shalt  }
0x58: {  	_ =	shalt  }
0x59: {  	_ =	shalt  }
0x5a: {  	_ =	shalt  }
0x5b: {  	_ =	shalt  }
0x5c: {  	_ =	shalt  }
0x5d: {  	_ =	shalt  }
0x5e: {  	_ =	shalt  }
0x5f: {  	_ =	shalt  }
0x60: {  	_ =	shalt  }
0x61: {  	_ =	shalt  }
0x62: {  	_ =	shalt  }
0x63: {  	_ =	shalt  }
0x64: {  	_ =	shalt  }
0x65: {  	_ =	shalt  }
0x66: {  	_ =	shalt  }
0x67: {  	_ =	shalt  }
0x68: {  	_ =	shalt  }
0x69: {  	_ =	shalt  }
0x6a: {  	_ =	shalt  }
0x6b: {  	_ =	shalt  }
0x6c: {  	_ =	shalt  }
0x6d: {  	_ =	shalt  }
0x6e: {  	_ =	shalt  }
0x6f: {  	_ =	shalt  }
0x70: {  	_ =	shalt  }
0x71: {  	_ =	shalt  }
0x72: {  	_ =	shalt  }
0x73: {  	_ =	shalt  }
0x74: {  	_ =	shalt  }
0x75: {  	_ =	shalt  }
0x76: {  	_ =	shalt  }
0x77: {  	_ =	shalt  }
0x78: {  	_ =	shalt  }
0x79: {  	_ =	shalt  }
0x7a: {  	_ =	shalt  }
0x7b: {  	_ =	shalt  }
0x7c: {  	_ =	shalt  }
0x7d: {  	_ =	shalt  }
0x7e: {  	_ =	shalt  }
0x7f: {  	_ =	shalt  }
0x80: {  	_ =	shalt  }
0x81: {  	_ =	shalt  }
0x82: {  	_ =	shalt  }
0x83: {  	_ =	shalt  }
0x84: {  	_ =	shalt  }
0x85: {  	_ =	shalt  }
0x86: {  	_ =	shalt  }
0x87: {  	_ =	shalt  }
.Lfunc_end0:
.L_simem_size_0:
called_computation.2_lowered:
.L_overlay_start_0:
0x88: {  	s2 =	sld [smem:$0x3FD9]  }
0x89: {  	s3 =	sld [smem:$0x3FFE];
	_ =	sdelay $0x1  }
0x8a: {  	s1 =	srdreg.scid  }
0x8b: {  	s0 =	sand.u32 $0x1, s1  }
0x8c: {  	s16 =	sshll.u32 s0, $0xA;
	s2 =	sadd.s32 s3, s2  }
0x8d: {  	s2 =	sadd.s32 s2, s16  }
0x8e: {  	[smem:$0x3FC2] =	sst s2  }
0x8f: {  	_ = 	snop  }
0x90: {  	(tm) =	ssettm $0x1  }
0x91: {  	s17 =	sld [smem:$0x3FFB];
	_ =	sdelay $0x3  }
0x92: {  	_ =	strace s17  }
0x93: {  	s2 =	sld [smem:$0x3FFC];
	_ =	sdelay $0x3  }
0x94: {  	_ =	strace s2  }
0x95: {  	s2 =	sld [smem:$0x3FFD];
	_ =	sdelay $0x3  }
0x96: {  	_ =	strace s2  }
0x97: {  	_ =	strace $0x8FFFFFFF  }
0x98: {  	s18 =	sld [smem:$0x3FDB];
	_ =	sdelay $0x1  }
0x99: {  	s19 =	simm.s32 $_scs_section_size  }
0x9a: {  	s4 =	simm.s32 $_size__tile_overlayer_lowered;
	s5 =	simm.s32 $_tile_overlayer_lowered  }
0x9b: {  	s22 =	simm.s32 $0x1BFF;
	s21 =	sshll.u32 s5, $0x1;
	s2 =	sadd.s32 s19, s18  }
0x9c: {  	s6 =	simm.s32 $0x0;
	s20 =	sshll.u32 s4, $0x1;
	s4 =	sadd.s32 s21, s2  }
0x9d: {  	[timem:s6], [sflag:s22] =	dma.local [hbm:s4], s20  }
0x9e: {  	_ =	swait.ge [sflag:s22], s20  }
0x9f: {  	s3 =	ssub.s32 $0x0, s20;
	[sflag:s22] =	ssyncset.done $0x0  }
0xa0: {  	[sflag:s22] =	ssyncadd.s32 s3;
	_ =	sdelay $0x1  }
0xa1: {  	s23 =	simm.s32 $0x1B8B  }
0xa2: {  	_ =	swait.ge [sflag:s23], $0x1  }
0xa3: {  	[sflag:s23] =	ssyncset.done $0x0  }
0xa4: {  	s25 =	simm.s32 $0x1B8E;
	s24 =	sld [smem:$0x3FFE];
	[sflag:s23] =	ssyncadd.s32 $0xFFFFFFFF  }
0xa5: {  	s26 =	simm.s32 $execute0_lowered;
	[smem:$0x3FD2] =	sst s25  }
0xa6: {  	s4 =	sshll.u32 s26, $0x1;
	_ =	strace $0x8000004C;
	[dreg:$0x1] =	wrdreg $0xFFFFFFFF  }
0xa7: {  	s28 =	simm.s32 $_size_execute0_lowered;
	s2 =	sadd.s32 s2, s4;
	[dreg:$0x0] =	wrdreg $0x0  }
0xa8: {  	s4 =	sshll.u32 s28, $0x1;
	[dreg:$0x2] =	wrdreg s2  }
0xa9: {  	[dreg:$0x3] =	wrdreg s4  }
0xaa: {  	[dreg:$0x4] =	wrdreg $0xC0  }
0xab: {  	_ =	task [dreg:s6], $0x5FFFF  }
0xac: {  	[dreg:$0x1] =	wrdreg $0xFFFFFFFF  }
0xad: {  	[dreg:$0x0] =	wrdreg $0x60  }
0xae: {  	[dreg:$0x2] =	wrdreg s24  }
0xaf: {  	[dreg:$0x3] =	wrdreg $0x148200  }
0xb0: {  	[dreg:$0x4] =	wrdreg $0x9  }
0xb1: {  	_ =	task.clear_ibuf [dreg:s6], $0x5FFFF;
	_ =	strace $0x9000004C  }
0xb2: {  	s29 =	simm.s32 $0x9;
	_ =	strace $0x8000004E  }
0xb3: {  	_ =	swait.ge [sflag:s29], $0x1  }
0xb4: {  	[sflag:s29] =	ssyncadd.s32 $0xFFFFFFFF  }
0xb5: {  	_ =	strace $0x9000004E  }
0xb6: {  	_ =	sfence  }
0xb7: {  	s30 =	sld [smem:$0x0];
	_ =	sdelay $0x2  }
0xb8: {  	s31 =	sshll.u32 s1, $0xD;
	s1 =	sshrl.u32 s1, $0x2  }
0xb9: {  	s3 =	sand.u32 $0x4000, s31;
	s1 =	sadd.s32 s1, s30  }
0xba: {  	s0 =	sor.u32 s3, s0;
	s1 =	sshll.u32 s1, $0x11  }
0xbb: {  	s0 =	sor.u32 s1, s0  }
0xbc: {  	s0 =	sadd.s32 $0x8F2B, s0  }
0xbd: {  	[sflag:s0] =	ssyncadd.remote.s32 $0x1  }
0xbe: {  	_ =	sfence.sel $0xFFFF  }
0xbf: {  	[dreg:$0x0] =	wrdreg $0xFFFFFFFF;
	(pc) =	sbr.abs _section_cstart, $3  }
0xc0: {  	[dreg:$0x1] =	wrdreg $0xFFFFFFFF  }
0xc1: {  	_ =	task.clear_ibuf [dreg:s6], $0x2FFFF;
	_ =	strace $0x9FFFFFFF  }
0xc2: {  	(tm) =	ssettm $0x7FFFFFFF  }
0xc3: {  	_ =	shalt  }
tec
execute0_lowered:
.L_overlay_start_1:
0x0: {  	(tag) =	ssettag $0x1  }
0x1: {  	s0 =	srdreg.scid;
	s1 =	rddreg [dreg:$0x0]  }
0x2: {  	s21 =	stileid.u32;
	s2 =	rddreg [dreg:$0x1]  }
0x3: {  	s24 =	simm.s32 $0x0;
	s31 =	simm.s32 $0x2710;
	s9 =	simm.s32 $0x4E20  }
0x4: {  	s8 =	simm.s32 $0x8CA0;
	s10 =	simm.s32 $0x1;
	s11 =	simm.s32 $0x7D0  }
0x5: {  	s20 =	simm.s32 $0x2AF8;
	s12 =	simm.s32 $0x2;
	s22 =	simm.s32 $0xBB8  }
0x6: {  	s23 =	simm.s32 $0x2EE0;
	s13 =	simm.s32 $0xFA0;
	s25 =	simm.s32 $0x32C8  }
0x7: {  	s26 =	simm.s32 $0x36B0;
	s29 =	simm.s32 $0x1B58;
	p0 =	por $0x0, $0x0  }
0x8: {  	s30 =	simm.s32 $0x3E80;
	s28 =	simm.s32 $0x1F40;
	[smem:$0x7FF] =	sst s24  }
0x9: {  	s0 =	sand.u32 $0x1, s0;
	_ =	strace $0x8000004D;
	[dreg:$0x6] =	wrdreg s11  }
0xa: {  	s3 =	sshll.u32 s21, $0x1;
	s4 =	smul.u32 $0x2710, s21;
	[dreg:$0x7] =	wrdreg s20  }
0xb: {  	s6 =	sadd.s32 $0x15800, s1;
	s19 =	sshll.u32 s21, $0x6;
	[dreg:$0x8] =	wrdreg s22  }
0xc: {  	s3 =	sor.u32 s0, s3;
	s5 =	smul.u32 $0x4E20, s0;
	[dreg:$0x9] =	wrdreg s23  }
0xd: {  	s0 =	ssub.s32 $0x2, s0;
	s20 =	simm.s32 $0x3;
	[dreg:$0xa] =	wrdreg s13  }
0xe: {  	s11 =	simm.s32 $0x5;
	[dreg:$0xb] =	wrdreg s25;
	s13 =	simm.s32 $0x6  }
0xf: {  	[dreg:$0xd] =	wrdreg s26;
	s26 =	simm.s32 $0x4268;
	s25 =	simm.s32 $0x2328  }
0x10: {  	s23 =	simm.s32 $0x4650;
	s22 =	simm.s32 $0x4A38;
	s3 =	smul.u32 $0x4E2, s3  }
0x11: {  	s14 =	sshrl.u32 s4, $0x3;
	s16 =	sshrl.u32 s0, $0x1;
	s18 =	sadd.s32 s4, s2  }
0x12: {  	s4 =	sor.u32 $0x1C09, s19;
	s19 =	simm.s32 $0x4;
	s7 =	sadd.s32 s14, s1  }
0x13: {  	s0 =	ssub.s32 s0, s16;
	s16 =	simm.s32 $0x1388;
	s3 =	sadd.s32 s3, s1  }
0x14: {  	s1 =	sadd.s32 s5, s1;
	s17 =	sadd.s32 $0x1A800, s7;
	s0 =	smax.u32 s0, $0x1  }
0x15: {  	s5 =	sshrl.u32 s18, $0x3;
	s7 =	simm.s32 $0x3E8;
	s18 =	simm.s32 $0xCB20  }
0x16: {  	[dreg:$0xc] =	wrdreg s16;
	s16 =	simm.s32 $0x7;
	p1 =	sne.s32 s0, $0x1  }
.Ltmp0:
0x17: {  	s15 =	sadd.s32 $0xBA00, s3;
	[dreg:$0x5] =	wrdreg s17;
	(pc) =	sbr.rel @!p1 .LBB2_1-.Ltmp0, $4  }
0x18: {  	s3 =	sadd.s32 $0x1C00, s3;
	s1 =	sadd.s32 $0x1F800, s1;
	[dreg:$0x3] =	wrdreg s15  }
0x19: {  	s17 =	simm.s32 $0x1770;
	[dreg:$0x4] =	wrdreg s3;
	s3 =	simm.s32 $0x9  }
0x1a: {  	s15 =	simm.s32 $0x109A0;
	[dreg:$0xe] =	wrdreg s17;
	s17 =	simm.s32 $0x8  }
0x1b: {  	s14 =	sadd.s32 s14, s1;
	s1 =	sadd.s32 $0xFFFFFFFF, s0;
	s0 =	rddreg [dreg:$0x3]  }
0x1c: {  	[tilespmem:s24], [sflag:$0x9] =	stream.linear.gather [hbm4b:s0+s24], $0x2710, $0x38;
	[tilespmem:$0x16F30] =	vst v63  }
0x1d: {  	_ =	swait.ge [sflag:s3], $0x2710  }
0x1e: {  	[sflag:s3] =	ssyncset.done $0x0  }
0x1f: {  	s21 =	rddreg [dreg:$0x4];
	[sflag:s3] =	ssyncadd.s32 $0xFFFFD8F0  }
0x20: {  	[tilespmem:s31], [sflag:$0x9] =	stream.linear.gather [hbm4b:s21+s24], $0x2710, $0x38;
	[tilespmem:$0x16F30] =	vst v63  }
0x21: {  	_ =	swait.ge [sflag:s3], $0x2710  }
0x22: {  	[sflag:s3] =	ssyncset.done $0x0  }
0x23: {  	s21 =	rddreg [dreg:$0x5];
	[sflag:s3] =	ssyncadd.s32 $0xFFFFD8F0  }
0x24: {  	[spmem:s5], [sflag:s4] =	dma.local [hbm:s21], $0x4E2  }
0x25: {  	_ =	swait.ge [sflag:s3], $0x4E2  }
0x26: {  	[sflag:s3] =	ssyncset.done $0x0  }
0x27: {  	[sflag:s3] =	ssyncadd.s32 $0xFFFFFB1E  }
0x28: {  	[tilespmem:s9], [sflag:$0x1] =	stream.indirect.gather [hbm4b:s6+s7], $0x10, s24, s7, $0xb8;
	[tilespmem:$0x16F30] =	vst v63  }
0x29: {  	_ = 	snop  }
0x2a: {  	[tilespmem:s8], [sflag:$0x2] =	stream.indirect.gather [hbm4b:s6+s7], $0x10, s7, s7, $0xb8;
	[tilespmem:$0x16F30] =	vst v63  }
0x2b: {  	[bflag:$0x0] =	sbarrier.arrive $0xFFFF  }
0x2c: {  	_ =	swait.ge [sflag:s10], $0x3E80  }
0x2d: {  	[sflag:s10] =	ssyncset.done $0x0  }
0x2e: {  	[sflag:s10] =	ssyncadd.s32 $0xFFFFC180  }
0x2f: {  	[spmem:s2] =	stream.indirect.scatter.add.f32 [tilespmem:s9], [sflag:$0x5], $0x10, s31, s7, $0xb8;
	[tilespmem:$0x16F30] =	vst v63  }
0x30: {  	s21 =	rddreg [dreg:$0x6]  }
0x31: {  	[tilespmem:s18], [sflag:$0x3] =	stream.indirect.gather [hbm4b:s6+s7], $0x10, s21, s7, $0xb8;
	[tilespmem:$0x16F30] =	vst v63  }
0x32: {  	_ =	swait.ge [sflag:s12], $0x3E80  }
0x33: {  	[sflag:s12] =	ssyncset.done $0x0  }
0x34: {  	s0 =	rddreg [dreg:$0x7];
	[sflag:s12] =	ssyncadd.s32 $0xFFFFC180  }
0x35: {  	[spmem:s2] =	stream.indirect.scatter.add.f32 [tilespmem:s8], [sflag:$0x6], $0x10, s0, s7, $0xb8;
	[tilespmem:$0x16F30] =	vst v63  }
0x36: {  	s21 =	smov.u32 s1;
	s1 =	rddreg [dreg:$0x8]  }
0x37: {  	[tilespmem:s15], [sflag:$0x4] =	stream.indirect.gather [hbm4b:s6+s7], $0x10, s1, s7, $0xb8;
	[tilespmem:$0x16F30] =	vst v63  }
0x38: {  	_ =	swait.ge [sflag:s20], $0x3E80  }
0x39: {  	[sflag:s20] =	ssyncset.done $0x0  }
0x3a: {  	s1 =	rddreg [dreg:$0x9];
	[sflag:s20] =	ssyncadd.s32 $0xFFFFC180  }
0x3b: {  	[spmem:s2] =	stream.indirect.scatter.add.f32 [tilespmem:s18], [sflag:$0x7], $0x10, s1, s7, $0xb8;
	[tilespmem:$0x16F30] =	vst v63  }
0x3c: {  	_ =	swait.ge [sflag:s11], $0x3E80  }
0x3d: {  	[sflag:s11] =	ssyncset.done $0x0  }
0x3e: {  	s1 =	rddreg [dreg:$0xa];
	[sflag:s11] =	ssyncadd.s32 $0xFFFFC180  }
0x3f: {  	[tilespmem:s9], [sflag:$0x1] =	stream.indirect.gather [hbm4b:s6+s7], $0x10, s1, s7, $0xb8;
	[tilespmem:$0x16F30] =	vst v63  }
0x40: {  	_ =	swait.ge [sflag:s19], $0x3E80  }
0x41: {  	[sflag:s19] =	ssyncset.done $0x0  }
0x42: {  	s1 =	rddreg [dreg:$0xb];
	[sflag:s19] =	ssyncadd.s32 $0xFFFFC180  }
0x43: {  	[spmem:s2] =	stream.indirect.scatter.add.f32 [tilespmem:s15], [sflag:$0x8], $0x10, s1, s7, $0xb8;
	[tilespmem:$0x16F30] =	vst v63  }
0x44: {  	_ =	swait.ge [sflag:s13], $0x3E80  }
0x45: {  	[sflag:s13] =	ssyncset.done $0x0  }
0x46: {  	s1 =	rddreg [dreg:$0xc];
	[sflag:s13] =	ssyncadd.s32 $0xFFFFC180  }
0x47: {  	[tilespmem:s8], [sflag:$0x2] =	stream.indirect.gather [hbm4b:s6+s7], $0x10, s1, s7, $0xb8;
	[tilespmem:$0x16F30] =	vst v63  }
0x48: {  	_ =	swait.ge [sflag:s10], $0x3E80  }
0x49: {  	[sflag:s10] =	ssyncset.done $0x0  }
0x4a: {  	s1 =	rddreg [dreg:$0xd];
	[sflag:s10] =	ssyncadd.s32 $0xFFFFC180  }
0x4b: {  	[spmem:s2] =	stream.indirect.scatter.add.f32 [tilespmem:s9], [sflag:$0x5], $0x10, s1, s7, $0xb8;
	[tilespmem:$0x16F30] =	vst v63  }
0x4c: {  	_ =	swait.ge [sflag:s16], $0x3E80  }
0x4d: {  	[sflag:s16] =	ssyncset.done $0x0  }
0x4e: {  	s1 =	rddreg [dreg:$0xe];
	[sflag:s16] =	ssyncadd.s32 $0xFFFFC180  }
0x4f: {  	[tilespmem:s18], [sflag:$0x3] =	stream.indirect.gather [hbm4b:s6+s7], $0x10, s1, s7, $0xb8;
	[tilespmem:$0x16F30] =	vst v63  }
0x50: {  	_ =	swait.ge [sflag:s12], $0x3E80  }
0x51: {  	[sflag:s12] =	ssyncset.done $0x0  }
0x52: {  	s1 =	simm.s32 $0x3A98;
	[sflag:s12] =	ssyncadd.s32 $0xFFFFC180  }
0x53: {  	[spmem:s2] =	stream.indirect.scatter.add.f32 [tilespmem:s8], [sflag:$0x6], $0x10, s1, s7, $0xb8;
	[tilespmem:$0x16F30] =	vst v63  }
0x54: {  	_ =	swait.ge [sflag:s17], $0x3E80  }
0x55: {  	[sflag:s17] =	ssyncset.done $0x0  }
0x56: {  	[sflag:s17] =	ssyncadd.s32 $0xFFFFC180  }
0x57: {  	[tilespmem:s15], [sflag:$0x4] =	stream.indirect.gather [hbm4b:s6+s7], $0x10, s29, s7, $0xb8;
	[tilespmem:$0x16F30] =	vst v63  }
0x58: {  	_ =	swait.ge [sflag:s20], $0x3E80  }
0x59: {  	[sflag:s20] =	ssyncset.done $0x0  }
0x5a: {  	[sflag:s20] =	ssyncadd.s32 $0xFFFFC180  }
0x5b: {  	[spmem:s2] =	stream.indirect.scatter.add.f32 [tilespmem:s18], [sflag:$0x7], $0x10, s30, s7, $0xb8;
	[tilespmem:$0x16F30] =	vst v63  }
0x5c: {  	_ =	swait.ge [sflag:s11], $0x3E80  }
0x5d: {  	[sflag:s11] =	ssyncset.done $0x0  }
0x5e: {  	[sflag:s11] =	ssyncadd.s32 $0xFFFFC180  }
0x5f: {  	[tilespmem:s9], [sflag:$0x1] =	stream.indirect.gather [hbm4b:s6+s7], $0x10, s28, s7, $0xb8;
	[tilespmem:$0x16F30] =	vst v63  }
0x60: {  	_ =	swait.ge [sflag:s19], $0x3E80  }
0x61: {  	[sflag:s19] =	ssyncset.done $0x0  }
0x62: {  	[sflag:s19] =	ssyncadd.s32 $0xFFFFC180  }
0x63: {  	[spmem:s2] =	stream.indirect.scatter.add.f32 [tilespmem:s15], [sflag:$0x8], $0x10, s26, s7, $0xb8;
	[tilespmem:$0x16F30] =	vst v63  }
0x64: {  	_ =	swait.ge [sflag:s13], $0x3E80  }
0x65: {  	[sflag:s13] =	ssyncset.done $0x0  }
0x66: {  	[sflag:s13] =	ssyncadd.s32 $0xFFFFC180  }
0x67: {  	[tilespmem:s8], [sflag:$0x2] =	stream.indirect.gather [hbm4b:s6+s7], $0x10, s25, s7, $0xb8;
	[tilespmem:$0x16F30] =	vst v63  }
0x68: {  	_ =	swait.ge [sflag:s10], $0x3E80  }
0x69: {  	[sflag:s10] =	ssyncset.done $0x0  }
0x6a: {  	[sflag:s10] =	ssyncadd.s32 $0xFFFFC180  }
0x6b: {  	[spmem:s2] =	stream.indirect.scatter.add.f32 [tilespmem:s9], [sflag:$0x5], $0x10, s23, s7, $0xb8;
	[tilespmem:$0x16F30] =	vst v63  }
0x6c: {  	_ =	swait.ge [sflag:s12], $0x3E80  }
0x6d: {  	[sflag:s12] =	ssyncset.done $0x0  }
0x6e: {  	[sflag:s12] =	ssyncadd.s32 $0xFFFFC180  }
0x6f: {  	[spmem:s2] =	stream.indirect.scatter.add.f32 [tilespmem:s8], [sflag:$0x6], $0x10, s22, s7, $0xb8;
	[tilespmem:$0x16F30] =	vst v63  }
0x70: {  	_ =	swait.ge [sflag:s16], $0x3E80  }
0x71: {  	[sflag:s16] =	ssyncset.done $0x0  }
0x72: {  	[sflag:s16] =	ssyncadd.s32 $0xFFFFC180  }
0x73: {  	_ =	swait.ge [sflag:s17], $0x3E80  }
0x74: {  	[sflag:s17] =	ssyncset.done $0x0  }
0x75: {  	[sflag:s17] =	ssyncadd.s32 $0xFFFFC180  }
0x76: {  	_ =	swait.ge [sflag:s11], $0x3E80  }
0x77: {  	[sflag:s11] =	ssyncset.done $0x0  }
0x78: {  	[sflag:s11] =	ssyncadd.s32 $0xFFFFC180  }
0x79: {  	_ =	swait.ge [sflag:s13], $0x3E80  }
0x7a: {  	p1 =	sne.s32 s21, $0x1;
	[sflag:s13] =	ssyncset.done $0x0  }
.Ltmp1:
0x7b: {  	[sflag:s13] =	ssyncadd.s32 $0xFFFFC180;
	(pc) =	sbr.rel @!p1 .LBB2_3-.Ltmp1, $4  }
0x7c: {  	[bflag:$0x0] =	sbarrier.arrive $0xFFFF  }
0x7d: {  	[hbm:s14], [sflag:s4] =	dma.local [spmem:s5], $0x4E2  }
0x7e: {  	p0 =	por $0x1, $0x1;
	_ =	swait.ge [sflag:s3], $0x4E2  }
0x7f: {  	s1 =	sadd.s32 $0xFFFFFFFF, s21;
	s0 =	rddreg [dreg:$0x3];
	[sflag:s3] =	ssyncset.done $0x0  }
.LBB2_4:
0x80: {  	[sflag:s3] =	ssyncadd.s32 $0xFFFFFB1E  }
0x81: {  	[tilespmem:s24], [sflag:$0x9] =	stream.linear.gather [hbm4b:s0+s24], $0x2710, $0x38;
	[tilespmem:$0x16F30] =	vst v63  }
0x82: {  	_ =	swait.ge [sflag:s3], $0x2710  }
0x83: {  	[sflag:s3] =	ssyncset.done $0x0  }
0x84: {  	s21 =	rddreg [dreg:$0x4];
	[sflag:s3] =	ssyncadd.s32 $0xFFFFD8F0  }
0x85: {  	[tilespmem:s31], [sflag:$0x9] =	stream.linear.gather [hbm4b:s21+s24], $0x2710, $0x38;
	[tilespmem:$0x16F30] =	vst v63  }
0x86: {  	_ =	swait.ge [sflag:s3], $0x2710  }
0x87: {  	[sflag:s3] =	ssyncset.done $0x0  }
0x88: {  	s21 =	rddreg [dreg:$0x5];
	[sflag:s3] =	ssyncadd.s32 $0xFFFFD8F0  }
0x89: {  	[spmem:s5], [sflag:s4] =	dma.local [hbm:s21], $0x4E2  }
0x8a: {  	_ =	swait.ge [sflag:s3], $0x4E2  }
0x8b: {  	[sflag:s3] =	ssyncset.done $0x0  }
0x8c: {  	[sflag:s3] =	ssyncadd.s32 $0xFFFFFB1E  }
0x8d: {  	[tilespmem:s9], [sflag:$0x1] =	stream.indirect.gather [hbm4b:s6+s7], $0x10, s24, s7, $0xb8;
	[tilespmem:$0x16F30] =	vst v63  }
0x8e: {  	_ = 	snop  }
0x8f: {  	[tilespmem:s8], [sflag:$0x2] =	stream.indirect.gather [hbm4b:s6+s7], $0x10, s7, s7, $0xb8;
	[tilespmem:$0x16F30] =	vst v63  }
0x90: {  	[bflag:$0x0] =	sbarrier.arrive $0xFFFF  }
0x91: {  	_ =	swait.ge [sflag:s10], $0x3E80  }
0x92: {  	[sflag:s10] =	ssyncset.done $0x0  }
0x93: {  	[sflag:s10] =	ssyncadd.s32 $0xFFFFC180  }
0x94: {  	[spmem:s2] =	stream.indirect.scatter.add.f32 [tilespmem:s9], [sflag:$0x5], $0x10, s31, s7, $0xb8;
	[tilespmem:$0x16F30] =	vst v63  }
0x95: {  	s21 =	rddreg [dreg:$0x6]  }
0x96: {  	[tilespmem:s18], [sflag:$0x3] =	stream.indirect.gather [hbm4b:s6+s7], $0x10, s21, s7, $0xb8;
	[tilespmem:$0x16F30] =	vst v63  }
0x97: {  	_ =	swait.ge [sflag:s12], $0x3E80  }
0x98: {  	[sflag:s12] =	ssyncset.done $0x0  }
0x99: {  	s0 =	rddreg [dreg:$0x7];
	[sflag:s12] =	ssyncadd.s32 $0xFFFFC180  }
0x9a: {  	[spmem:s2] =	stream.indirect.scatter.add.f32 [tilespmem:s8], [sflag:$0x6], $0x10, s0, s7, $0xb8;
	[tilespmem:$0x16F30] =	vst v63  }
0x9b: {  	s21 =	rddreg [dreg:$0x8]  }
0x9c: {  	[tilespmem:s15], [sflag:$0x4] =	stream.indirect.gather [hbm4b:s6+s7], $0x10, s21, s7, $0xb8;
	[tilespmem:$0x16F30] =	vst v63  }
0x9d: {  	_ =	swait.ge [sflag:s20], $0x3E80  }
0x9e: {  	[sflag:s20] =	ssyncset.done $0x0  }
0x9f: {  	s21 =	rddreg [dreg:$0x9];
	[sflag:s20] =	ssyncadd.s32 $0xFFFFC180  }
0xa0: {  	[spmem:s2] =	stream.indirect.scatter.add.f32 [tilespmem:s18], [sflag:$0x7], $0x10, s21, s7, $0xb8;
	[tilespmem:$0x16F30] =	vst v63  }
0xa1: {  	_ =	swait.ge [sflag:s11], $0x3E80  }
0xa2: {  	[sflag:s11] =	ssyncset.done $0x0  }
0xa3: {  	s21 =	rddreg [dreg:$0xa];
	[sflag:s11] =	ssyncadd.s32 $0xFFFFC180  }
0xa4: {  	[tilespmem:s9], [sflag:$0x1] =	stream.indirect.gather [hbm4b:s6+s7], $0x10, s21, s7, $0xb8;
	[tilespmem:$0x16F30] =	vst v63  }
0xa5: {  	_ =	swait.ge [sflag:s19], $0x3E80  }
0xa6: {  	[sflag:s19] =	ssyncset.done $0x0  }
0xa7: {  	s21 =	rddreg [dreg:$0xb];
	[sflag:s19] =	ssyncadd.s32 $0xFFFFC180  }
0xa8: {  	[spmem:s2] =	stream.indirect.scatter.add.f32 [tilespmem:s15], [sflag:$0x8], $0x10, s21, s7, $0xb8;
	[tilespmem:$0x16F30] =	vst v63  }
0xa9: {  	_ =	swait.ge [sflag:s13], $0x3E80  }
0xaa: {  	[sflag:s13] =	ssyncset.done $0x0  }
0xab: {  	s21 =	rddreg [dreg:$0xc];
	[sflag:s13] =	ssyncadd.s32 $0xFFFFC180  }
0xac: {  	[tilespmem:s8], [sflag:$0x2] =	stream.indirect.gather [hbm4b:s6+s7], $0x10, s21, s7, $0xb8;
	[tilespmem:$0x16F30] =	vst v63  }
0xad: {  	_ =	swait.ge [sflag:s10], $0x3E80  }
0xae: {  	[sflag:s10] =	ssyncset.done $0x0  }
0xaf: {  	s21 =	rddreg [dreg:$0xd];
	[sflag:s10] =	ssyncadd.s32 $0xFFFFC180  }
0xb0: {  	[spmem:s2] =	stream.indirect.scatter.add.f32 [tilespmem:s9], [sflag:$0x5], $0x10, s21, s7, $0xb8;
	[tilespmem:$0x16F30] =	vst v63  }
0xb1: {  	_ =	swait.ge [sflag:s16], $0x3E80  }
0xb2: {  	[sflag:s16] =	ssyncset.done $0x0  }
0xb3: {  	s21 =	rddreg [dreg:$0xe];
	[sflag:s16] =	ssyncadd.s32 $0xFFFFC180  }
0xb4: {  	[tilespmem:s18], [sflag:$0x3] =	stream.indirect.gather [hbm4b:s6+s7], $0x10, s21, s7, $0xb8;
	[tilespmem:$0x16F30] =	vst v63  }
0xb5: {  	_ =	swait.ge [sflag:s12], $0x3E80  }
0xb6: {  	[sflag:s12] =	ssyncset.done $0x0  }
0xb7: {  	s21 =	simm.s32 $0x3A98;
	[sflag:s12] =	ssyncadd.s32 $0xFFFFC180  }
0xb8: {  	[spmem:s2] =	stream.indirect.scatter.add.f32 [tilespmem:s8], [sflag:$0x6], $0x10, s21, s7, $0xb8;
	[tilespmem:$0x16F30] =	vst v63  }
0xb9: {  	_ =	swait.ge [sflag:s17], $0x3E80  }
0xba: {  	[sflag:s17] =	ssyncset.done $0x0  }
0xbb: {  	[sflag:s17] =	ssyncadd.s32 $0xFFFFC180  }
0xbc: {  	[tilespmem:s15], [sflag:$0x4] =	stream.indirect.gather [hbm4b:s6+s7], $0x10, s29, s7, $0xb8;
	[tilespmem:$0x16F30] =	vst v63  }
0xbd: {  	_ =	swait.ge [sflag:s20], $0x3E80  }
0xbe: {  	[sflag:s20] =	ssyncset.done $0x0  }
0xbf: {  	[sflag:s20] =	ssyncadd.s32 $0xFFFFC180  }
0xc0: {  	[spmem:s2] =	stream.indirect.scatter.add.f32 [tilespmem:s18], [sflag:$0x7], $0x10, s30, s7, $0xb8;
	[tilespmem:$0x16F30] =	vst v63  }
0xc1: {  	_ =	swait.ge [sflag:s11], $0x3E80  }
0xc2: {  	[sflag:s11] =	ssyncset.done $0x0  }
0xc3: {  	[sflag:s11] =	ssyncadd.s32 $0xFFFFC180  }
0xc4: {  	[tilespmem:s9], [sflag:$0x1] =	stream.indirect.gather [hbm4b:s6+s7], $0x10, s28, s7, $0xb8;
	[tilespmem:$0x16F30] =	vst v63  }
0xc5: {  	_ =	swait.ge [sflag:s19], $0x3E80  }
0xc6: {  	[sflag:s19] =	ssyncset.done $0x0  }
0xc7: {  	[sflag:s19] =	ssyncadd.s32 $0xFFFFC180  }
0xc8: {  	[spmem:s2] =	stream.indirect.scatter.add.f32 [tilespmem:s15], [sflag:$0x8], $0x10, s26, s7, $0xb8;
	[tilespmem:$0x16F30] =	vst v63  }
0xc9: {  	_ =	swait.ge [sflag:s13], $0x3E80  }
0xca: {  	[sflag:s13] =	ssyncset.done $0x0  }
0xcb: {  	[sflag:s13] =	ssyncadd.s32 $0xFFFFC180  }
0xcc: {  	[tilespmem:s8], [sflag:$0x2] =	stream.indirect.gather [hbm4b:s6+s7], $0x10, s25, s7, $0xb8;
	[tilespmem:$0x16F30] =	vst v63  }
0xcd: {  	_ =	swait.ge [sflag:s10], $0x3E80  }
0xce: {  	[sflag:s10] =	ssyncset.done $0x0  }
0xcf: {  	[sflag:s10] =	ssyncadd.s32 $0xFFFFC180  }
0xd0: {  	[spmem:s2] =	stream.indirect.scatter.add.f32 [tilespmem:s9], [sflag:$0x5], $0x10, s23, s7, $0xb8;
	[tilespmem:$0x16F30] =	vst v63  }
0xd1: {  	_ =	swait.ge [sflag:s12], $0x3E80  }
0xd2: {  	[sflag:s12] =	ssyncset.done $0x0  }
0xd3: {  	[sflag:s12] =	ssyncadd.s32 $0xFFFFC180  }
0xd4: {  	[spmem:s2] =	stream.indirect.scatter.add.f32 [tilespmem:s8], [sflag:$0x6], $0x10, s22, s7, $0xb8;
	[tilespmem:$0x16F30] =	vst v63  }
0xd5: {  	_ =	swait.ge [sflag:s16], $0x3E80  }
0xd6: {  	[sflag:s16] =	ssyncset.done $0x0  }
0xd7: {  	[sflag:s16] =	ssyncadd.s32 $0xFFFFC180  }
0xd8: {  	_ =	swait.ge [sflag:s17], $0x3E80  }
0xd9: {  	[sflag:s17] =	ssyncset.done $0x0  }
0xda: {  	[sflag:s17] =	ssyncadd.s32 $0xFFFFC180  }
0xdb: {  	_ =	swait.ge [sflag:s11], $0x3E80  }
0xdc: {  	[sflag:s11] =	ssyncset.done $0x0  }
0xdd: {  	[sflag:s11] =	ssyncadd.s32 $0xFFFFC180  }
0xde: {  	_ =	swait.ge [sflag:s13], $0x3E80  }
0xdf: {  	p1 =	sne.s32 s1, $0x1;
	[sflag:s13] =	ssyncset.done $0x0  }
.Ltmp2:
0xe0: {  	[sflag:s13] =	ssyncadd.s32 $0xFFFFC180;
	(pc) =	sbr.rel @p1 .LBB2_4-.Ltmp2, $4  }
0xe1: {  	[bflag:$0x0] =	sbarrier.arrive $0xFFFF  }
0xe2: {  	[hbm:s14], [sflag:s4] =	dma.local [spmem:s5], $0x4E2  }
0xe3: {  	_ =	swait.ge [sflag:s3], $0x4E2  }
0xe4: {  	s1 =	sadd.s32 $0xFFFFFFFF, s1;
	s0 =	rddreg [dreg:$0x3];
	[sflag:s3] =	ssyncset.done $0x0  }
0xe5: {  	s22 =	simm.s32 $0x3A98;
	s30 =	simm.s32 $0x3E80  }
0xe6: {  	s29 =	simm.s32 $0x1B58;
	s28 =	simm.s32 $0x1F40;
	s26 =	simm.s32 $0x4268  }
0xe7: {  	s25 =	simm.s32 $0x2328;
	s23 =	simm.s32 $0x4650;
	s21 =	stileid.u32  }
.LBB2_6:
0xe8: {  	[sflag:s3] =	ssyncadd.s32 @p0 $0xFFFFFB1E  }
0xe9: {  	[tilespmem:s24], [sflag:$0x9] =	stream.linear.gather [hbm4b:s0+s24], $0x2710, $0x38;
	[tilespmem:$0x16F30] =	vst v63  }
0xea: {  	_ =	swait.ge [sflag:s3], $0x2710  }
0xeb: {  	[sflag:s3] =	ssyncset.done $0x0  }
0xec: {  	s1 =	rddreg [dreg:$0x4];
	[sflag:s3] =	ssyncadd.s32 $0xFFFFD8F0  }
0xed: {  	[tilespmem:s31], [sflag:$0x9] =	stream.linear.gather [hbm4b:s1+s24], $0x2710, $0x38;
	[tilespmem:$0x16F30] =	vst v63  }
0xee: {  	_ =	swait.ge [sflag:s3], $0x2710  }
0xef: {  	[sflag:s3] =	ssyncset.done $0x0  }
0xf0: {  	s1 =	rddreg [dreg:$0x5];
	[sflag:s3] =	ssyncadd.s32 $0xFFFFD8F0  }
0xf1: {  	[spmem:s5], [sflag:s4] =	dma.local [hbm:s1], $0x4E2  }
0xf2: {  	_ =	swait.ge [sflag:s3], $0x4E2  }
0xf3: {  	[sflag:s3] =	ssyncset.done $0x0  }
0xf4: {  	[sflag:s3] =	ssyncadd.s32 $0xFFFFFB1E  }
0xf5: {  	[tilespmem:s9], [sflag:$0x1] =	stream.indirect.gather [hbm4b:s6+s7], $0x10, s24, s7, $0xb8;
	[tilespmem:$0x16F30] =	vst v63  }
0xf6: {  	_ = 	snop  }
0xf7: {  	[tilespmem:s8], [sflag:$0x2] =	stream.indirect.gather [hbm4b:s6+s7], $0x10, s7, s7, $0xb8;
	[tilespmem:$0x16F30] =	vst v63  }
0xf8: {  	[bflag:$0x0] =	sbarrier.arrive $0xFFFF  }
0xf9: {  	_ =	swait.ge [sflag:s10], $0x3E80  }
0xfa: {  	[sflag:s10] =	ssyncset.done $0x0  }
0xfb: {  	[sflag:s10] =	ssyncadd.s32 $0xFFFFC180  }
0xfc: {  	[spmem:s2] =	stream.indirect.scatter.add.f32 [tilespmem:s9], [sflag:$0x5], $0x10, s31, s7, $0xb8;
	[tilespmem:$0x16F30] =	vst v63  }
0xfd: {  	s1 =	rddreg [dreg:$0x6]  }
0xfe: {  	[tilespmem:s18], [sflag:$0x3] =	stream.indirect.gather [hbm4b:s6+s7], $0x10, s1, s7, $0xb8;
	[tilespmem:$0x16F30] =	vst v63  }
0xff: {  	_ =	swait.ge [sflag:s12], $0x3E80  }
0x100: {  	[sflag:s12] =	ssyncset.done $0x0  }
0x101: {  	s24 =	rddreg [dreg:$0x7];
	[sflag:s12] =	ssyncadd.s32 $0xFFFFC180  }
0x102: {  	[spmem:s2] =	stream.indirect.scatter.add.f32 [tilespmem:s8], [sflag:$0x6], $0x10, s24, s7, $0xb8;
	[tilespmem:$0x16F30] =	vst v63  }
0x103: {  	s1 =	rddreg [dreg:$0x8]  }
0x104: {  	[tilespmem:s15], [sflag:$0x4] =	stream.indirect.gather [hbm4b:s6+s7], $0x10, s1, s7, $0xb8;
	[tilespmem:$0x16F30] =	vst v63  }
0x105: {  	_ =	swait.ge [sflag:s20], $0x3E80  }
0x106: {  	[sflag:s20] =	ssyncset.done $0x0  }
0x107: {  	s31 =	rddreg [dreg:$0x9];
	[sflag:s20] =	ssyncadd.s32 $0xFFFFC180  }
0x108: {  	[spmem:s2] =	stream.indirect.scatter.add.f32 [tilespmem:s18], [sflag:$0x7], $0x10, s31, s7, $0xb8;
	[tilespmem:$0x16F30] =	vst v63  }
0x109: {  	_ =	swait.ge [sflag:s11], $0x3E80  }
0x10a: {  	[sflag:s11] =	ssyncset.done $0x0  }
0x10b: {  	s1 =	rddreg [dreg:$0xa];
	[sflag:s11] =	ssyncadd.s32 $0xFFFFC180  }
0x10c: {  	[tilespmem:s9], [sflag:$0x1] =	stream.indirect.gather [hbm4b:s6+s7], $0x10, s1, s7, $0xb8;
	[tilespmem:$0x16F30] =	vst v63  }
0x10d: {  	_ =	swait.ge [sflag:s19], $0x3E80  }
0x10e: {  	[sflag:s19] =	ssyncset.done $0x0  }
0x10f: {  	s24 =	rddreg [dreg:$0xb];
	[sflag:s19] =	ssyncadd.s32 $0xFFFFC180  }
0x110: {  	[spmem:s2] =	stream.indirect.scatter.add.f32 [tilespmem:s15], [sflag:$0x8], $0x10, s24, s7, $0xb8;
	[tilespmem:$0x16F30] =	vst v63  }
0x111: {  	_ =	swait.ge [sflag:s13], $0x3E80  }
0x112: {  	[sflag:s13] =	ssyncset.done $0x0  }
0x113: {  	s31 =	rddreg [dreg:$0xc];
	[sflag:s13] =	ssyncadd.s32 $0xFFFFC180  }
0x114: {  	[tilespmem:s8], [sflag:$0x2] =	stream.indirect.gather [hbm4b:s6+s7], $0x10, s31, s7, $0xb8;
	[tilespmem:$0x16F30] =	vst v63  }
0x115: {  	_ =	swait.ge [sflag:s10], $0x3E80  }
0x116: {  	[sflag:s10] =	ssyncset.done $0x0  }
0x117: {  	s1 =	rddreg [dreg:$0xd];
	[sflag:s10] =	ssyncadd.s32 $0xFFFFC180  }
0x118: {  	[spmem:s2] =	stream.indirect.scatter.add.f32 [tilespmem:s9], [sflag:$0x5], $0x10, s1, s7, $0xb8;
	[tilespmem:$0x16F30] =	vst v63  }
0x119: {  	_ =	swait.ge [sflag:s16], $0x3E80  }
0x11a: {  	[sflag:s16] =	ssyncset.done $0x0  }
0x11b: {  	s24 =	rddreg [dreg:$0xe];
	[sflag:s16] =	ssyncadd.s32 $0xFFFFC180  }
0x11c: {  	[tilespmem:s18], [sflag:$0x3] =	stream.indirect.gather [hbm4b:s6+s7], $0x10, s24, s7, $0xb8;
	[tilespmem:$0x16F30] =	vst v63  }
0x11d: {  	_ =	swait.ge [sflag:s12], $0x3E80  }
0x11e: {  	[sflag:s12] =	ssyncset.done $0x0  }
0x11f: {  	[sflag:s12] =	ssyncadd.s32 $0xFFFFC180  }
0x120: {  	[spmem:s2] =	stream.indirect.scatter.add.f32 [tilespmem:s8], [sflag:$0x6], $0x10, s22, s7, $0xb8;
	[tilespmem:$0x16F30] =	vst v63  }
0x121: {  	_ =	swait.ge [sflag:s17], $0x3E80  }
0x122: {  	[sflag:s17] =	ssyncset.done $0x0  }
0x123: {  	[sflag:s17] =	ssyncadd.s32 $0xFFFFC180  }
0x124: {  	[tilespmem:s15], [sflag:$0x4] =	stream.indirect.gather [hbm4b:s6+s7], $0x10, s29, s7, $0xb8;
	[tilespmem:$0x16F30] =	vst v63  }
0x125: {  	_ =	swait.ge [sflag:s20], $0x3E80  }
0x126: {  	[sflag:s20] =	ssyncset.done $0x0  }
0x127: {  	[sflag:s20] =	ssyncadd.s32 $0xFFFFC180  }
0x128: {  	[spmem:s2] =	stream.indirect.scatter.add.f32 [tilespmem:s18], [sflag:$0x7], $0x10, s30, s7, $0xb8;
	[tilespmem:$0x16F30] =	vst v63  }
0x129: {  	_ =	swait.ge [sflag:s11], $0x3E80  }
0x12a: {  	[sflag:s11] =	ssyncset.done $0x0  }
0x12b: {  	[sflag:s11] =	ssyncadd.s32 $0xFFFFC180  }
0x12c: {  	[tilespmem:s9], [sflag:$0x1] =	stream.indirect.gather [hbm4b:s6+s7], $0x10, s28, s7, $0xb8;
	[tilespmem:$0x16F30] =	vst v63  }
0x12d: {  	_ =	swait.ge [sflag:s19], $0x3E80  }
0x12e: {  	[sflag:s19] =	ssyncset.done $0x0  }
0x12f: {  	[sflag:s19] =	ssyncadd.s32 $0xFFFFC180  }
0x130: {  	[spmem:s2] =	stream.indirect.scatter.add.f32 [tilespmem:s15], [sflag:$0x8], $0x10, s26, s7, $0xb8;
	[tilespmem:$0x16F30] =	vst v63  }
0x131: {  	_ =	swait.ge [sflag:s13], $0x3E80  }
0x132: {  	[sflag:s13] =	ssyncset.done $0x0  }
0x133: {  	[sflag:s13] =	ssyncadd.s32 $0xFFFFC180  }
0x134: {  	[tilespmem:s8], [sflag:$0x2] =	stream.indirect.gather [hbm4b:s6+s7], $0x10, s25, s7, $0xb8;
	[tilespmem:$0x16F30] =	vst v63  }
0x135: {  	_ =	swait.ge [sflag:s10], $0x3E80  }
0x136: {  	[sflag:s10] =	ssyncset.done $0x0  }
0x137: {  	[sflag:s10] =	ssyncadd.s32 $0xFFFFC180  }
0x138: {  	[spmem:s2] =	stream.indirect.scatter.add.f32 [tilespmem:s9], [sflag:$0x5], $0x10, s23, s7, $0xb8;
	[tilespmem:$0x16F30] =	vst v63  }
0x139: {  	_ =	swait.ge [sflag:s12], $0x3E80  }
0x13a: {  	[sflag:s12] =	ssyncset.done $0x0  }
0x13b: {  	s31 =	simm.s32 $0x4A38;
	[sflag:s12] =	ssyncadd.s32 $0xFFFFC180  }
0x13c: {  	[spmem:s2] =	stream.indirect.scatter.add.f32 [tilespmem:s8], [sflag:$0x6], $0x10, s31, s7, $0xb8;
	[tilespmem:$0x16F30] =	vst v63  }
0x13d: {  	_ =	swait.ge [sflag:s16], $0x3E80  }
0x13e: {  	[sflag:s16] =	ssyncset.done $0x0  }
0x13f: {  	[sflag:s16] =	ssyncadd.s32 $0xFFFFC180  }
0x140: {  	_ =	swait.ge [sflag:s17], $0x3E80  }
0x141: {  	[sflag:s17] =	ssyncset.done $0x0  }
0x142: {  	[sflag:s17] =	ssyncadd.s32 $0xFFFFC180  }
0x143: {  	_ =	swait.ge [sflag:s11], $0x3E80  }
0x144: {  	[sflag:s11] =	ssyncset.done $0x0  }
0x145: {  	[sflag:s11] =	ssyncadd.s32 $0xFFFFC180  }
0x146: {  	_ =	swait.ge [sflag:s13], $0x3E80  }
0x147: {  	[sflag:s13] =	ssyncset.done $0x0  }
0x148: {  	[sflag:s13] =	ssyncadd.s32 $0xFFFFC180  }
0x149: {  	[bflag:$0x0] =	sbarrier.arrive $0xFFFF  }
0x14a: {  	[hbm:s14], [sflag:s4] =	dma.local [spmem:s5], $0x4E2  }
0x14b: {  	_ =	swait.ge [sflag:s3], $0x4E2  }
0x14c: {  	[sflag:s3] =	ssyncset.done $0x0  }
0x14d: {  	[sflag:s3] =	ssyncadd.s32 $0xFFFFFB1E  }
0x14e: {  	_ =	sfence.sel $0x180000  }
0x14f: {  	[bflag:$0x0] =	sbarrier.arrive $0xFFFF  }
0x150: {  	_ =	strace $0x9000004D  }
0x151: {  	[bflag:$0x2] =	sbarrier.arrive $0xFFFF  }
0x152: {  	p0 =	sne.s32 s21, $0x0;
	s0 =	rddreg [dreg:$0x2]  }
0x153: {  	s0 =	sadd.s32 @!p0 $0x100000, s0  }
0x154: {  	[sflag:s0] =	ssyncadd.tile.s32 @!p0 $0x1;
	_ =	shalt  }
.LBB2_1:
.Ltmp3:
0x155: {  	(pc) =	sbr.rel .LBB2_6-.Ltmp3, $4  }
0x156: {  	_ = 	snop  }
0x157: {  	s22 =	simm.s32 $0x3A98  }
0x158: {  	s30 =	simm.s32 $0x3E80;
	s29 =	simm.s32 $0x1B58;
	s28 =	simm.s32 $0x1F40  }
0x159: {  	s26 =	simm.s32 $0x4268;
	s25 =	simm.s32 $0x2328;
	s23 =	simm.s32 $0x4650  }
.LBB2_3:
.Ltmp4:
0x15a: {  	(pc) =	sbr.rel .LBB2_6-.Ltmp4, $4  }
0x15b: {  	_ = 	snop  }
0x15c: {  	s22 =	simm.s32 $0x3A98;
	s30 =	simm.s32 $0x3E80  }
0x15d: {  	s29 =	simm.s32 $0x1B58;
	s28 =	simm.s32 $0x1F40;
	s26 =	simm.s32 $0x4268  }
0x15e: {  	s25 =	simm.s32 $0x2328;
	s23 =	simm.s32 $0x4650;
	s21 =	stileid.u32  }
.Lfunc_end2:
_tile_overlayer_lowered:
.L_overlay_start_2:
0x15f: {  	(tag) =	ssettag $0x2  }
0x160: {  	s0 =	rddreg [dreg:$0x0];
	s2 =	stileid.u32  }
0x161: {  	s1 =	rddreg [dreg:$0x1];
	p0 =	sne.s32 s2, $0x0  }
0x162: {  	s3 =	rddreg [dreg:$0x2];
	[bflag:$0x3] =	sbarrier.arrive $0xFFFF;
	s2 =	simm.s32 @!p0 $0x1C09  }
0x163: {  	[timem:s3], [sflag:s2] =	dma.local @!p0 [hbm:s0], s1  }
0x164: {  	s0 =	simm.s32 @!p0 $0x9  }
0x165: {  	_ =	swait.ge @!p0 [sflag:s0], s1  }
0x166: {  	s1 =	ssub.s32 @!p0 $0x0, s1;
	[sflag:s0] =	ssyncset.done @!p0 $0x0  }
0x167: {  	[sflag:s0] =	ssyncadd.s32 @!p0 s1  }
0x168: {  	[bflag:$0x3] =	sbarrier.arrive $0xFFFF  }
0x169: {  	_ =	shalt  }

// kernel: kernel.9.cloned.1.call-start
scs
__scs_entry_jumppad:
0x0: {  	(pc) =	sbr.rel $0x88, $3  }
0x1: {  	(tag) =	ssettag $0x0;
	lr =	simm.s32 $0x1  }
0x2: {  	[smem:$0x3F9B] =	sst lr;
	_ =	strace $0xD0000000  }
0x3: {  	_ = 	snop  }
0x4: {  	_ = 	snop  }
0x5: {  	_ = 	snop  }
0x6: {  	_ = 	snop  }
0x7: {  	_ = 	snop  }
__scs_overlays_trampoline_lowered:
0x8: {  	[smem:$0x3FAA] =	sst s0  }
0x9: {  	[smem:$0x3FAB] =	sst s1  }
0xa: {  	[smem:$0x3FAC] =	sst s2  }
0xb: {  	[smem:$0x3FAD] =	sst s3  }
0xc: {  	[smem:$0x3FAE] =	sst s4  }
0xd: {  	[smem:$0x3FAF] =	sst s5  }
0xe: {  	[smem:$0x3FB0] =	sst s6  }
0xf: {  	[smem:$0x3FB1] =	sst s7  }
0x10: {  	[smem:$0x3FB2] =	sst s8  }
0x11: {  	[smem:$0x3FB3] =	sst s9;
	s0 =	simm.s32 @!p0 $0x0  }
0x12: {  	s1 =	sld [smem:$0x3F99];
	s0 =	simm.s32 @p0 $0x1  }
0x13: {  	[smem:$0x3FB4] =	sst s0;
	s0 =	simm.s32 @!p1 $0x0  }
0x14: {  	s2 =	sld [smem:$0x3F98];
	s0 =	simm.s32 @p1 $0x1  }
0x15: {  	[smem:$0x3FB5] =	sst s0;
	s0 =	simm.s32 @!p2 $0x0  }
0x16: {  	s3 =	sld [smem:$0x3FDB];
	s0 =	simm.s32 @p2 $0x1  }
0x17: {  	s4 =	simm.s32 $0x1BF5;
	[smem:$0x3FB7] =	sst s0  }
0x18: {  	s0 =	sld [smem:$0x3F9A];
	_ =	swait.ge [sflag:s4], $0x0  }
0x19: {  	s7 =	sld [smem:$0x3F9B]  }
0x1a: {  	s8 =	sadd.s32 $0xFFFFE003, lr  }
0x1b: {  	s9 =	sadd.s32 $0xFFFFFEF7, lr;
	s5 =	simm.s32 $0xFFFFFFFF;
	p2 =	slt.u32 s8, $0xFFFFF086  }
0x1c: {  	p1 =	slt.u32 s9, $0xF7A;
	s5 =	simm.s32 @!p2 $0x0  }
0x1d: {  	s5 =	simm.s32 @p1 $0x1;
	p0 =	seq.s32 s7, s2  }
0x1e: {  	s7 =	smul.u32 @!p0 $0xF7A, s2;
	p2 =	seq.s32 @!p0 s5, $0x0  }
0x1f: {  	s9 =	smul.u32 $0xF7A, s1;
	s8 =	simm.s32 @!p0 $0x1BF5;
	p2 =	por !p2, p0  }
0x20: {  	[sflag:s8] =	ssyncset.s32 @!p0 $0xFFFFF086;
	s6 =	sadd.s32 @!p0 s3, s7;
	s7 =	simm.s32 @!p0 $0x108  }
0x21: {  	s3 =	sadd.s32 s3, s9;
	s6 =	sadd.s32 @!p0 $0x88, s6;
	s7 =	simm.s32 @p2 $0x1082  }
0x22: {  	[simem:s7], [sflag:s8] =	dma.local @!p0 [hbm:s6], $0xF7A  }
0x23: {  	s9 =	sor.u32 $0xD0000000, s2;
	s6 =	simm.s32 $0x108;
	_ =	swait.ge @!p0 [sflag:s8], $0x0  }
0x24: {  	s3 =	sadd.s32 $0x88, s3;
	s6 =	simm.s32 @!p1 $0x1082;
	[sflag:s4] =	ssyncset.s32 $0xFFFFF086  }
0x25: {  	[simem:s6], [sflag:s4] =	dma.local [hbm:s3], $0xF7A  }
0x26: {  	[smem:$0x3F9B] =	sst s1;
	(tag) =	ssettag s2;
	_ =	strace s9  }
0x27: {  	s1 =	sld [smem:$0x3FAB]  }
0x28: {  	s2 =	sld [smem:$0x3FAC]  }
0x29: {  	s4 =	sld [smem:$0x3FAE]  }
0x2a: {  	p0 =	seq.s32 s5, $0x0;
	s5 =	sld [smem:$0x3FAF]  }
0x2b: {  	s6 =	sld [smem:$0x3FB0]  }
0x2c: {  	s7 =	sld [smem:$0x3FB1]  }
0x2d: {  	s3 =	simm.s32 $0x108;
	s8 =	sld [smem:$0x3FB2]  }
0x2e: {  	s3 =	simm.s32 @!p0 $0x1082;
	s9 =	sld [smem:$0x3FB3]  }
0x2f: {  	lr =	sadd.s32 s0, s3;
	s0 =	sld [smem:$0x3FAA]  }
0x30: {  	s3 =	sld [smem:$0x3FAD]  }
0x31: {  	[smem:$0x3FB6] =	sst s10  }
0x32: {  	s10 =	sld [smem:$0x3FB4];
	_ =	sdelay $0x3  }
0x33: {  	p0 =	seq.s32 s10, $0x1;
	s10 =	sld [smem:$0x3FB6];
	_ =	sdelay $0x3  }
0x34: {  	[smem:$0x3FB6] =	sst s10  }
0x35: {  	s10 =	sld [smem:$0x3FB5];
	_ =	sdelay $0x3  }
0x36: {  	p1 =	seq.s32 s10, $0x1;
	s10 =	sld [smem:$0x3FB6];
	_ =	sdelay $0x3  }
0x37: {  	[smem:$0x3FB6] =	sst s10  }
0x38: {  	s10 =	sld [smem:$0x3FB7]  }
0x39: {  	_ = 	snop;
	(pc) =	sbr.ind lr, $3  }
0x3a: {  	_ = 	snop  }
0x3b: {  	_ = 	snop  }
0x3c: {  	p2 =	seq.s32 s10, $0x1;
	s10 =	sld [smem:$0x3FB6]  }
0x3d: {  	_ =	shalt  }
0x3e: {  	_ =	shalt  }
0x3f: {  	_ =	shalt  }
0x40: {  	_ =	shalt  }
0x41: {  	_ =	shalt  }
0x42: {  	_ =	shalt  }
0x43: {  	_ =	shalt  }
0x44: {  	_ =	shalt  }
0x45: {  	_ =	shalt  }
0x46: {  	_ =	shalt  }
0x47: {  	_ =	shalt  }
0x48: {  	_ =	shalt  }
0x49: {  	_ =	shalt  }
0x4a: {  	_ =	shalt  }
0x4b: {  	_ =	shalt  }
0x4c: {  	_ =	shalt  }
0x4d: {  	_ =	shalt  }
0x4e: {  	_ =	shalt  }
0x4f: {  	_ =	shalt  }
0x50: {  	_ =	shalt  }
0x51: {  	_ =	shalt  }
0x52: {  	_ =	shalt  }
0x53: {  	_ =	shalt  }
0x54: {  	_ =	shalt  }
0x55: {  	_ =	shalt  }
0x56: {  	_ =	shalt  }
0x57: {  	_ =	shalt  }
0x58: {  	_ =	shalt  }
0x59: {  	_ =	shalt  }
0x5a: {  	_ =	shalt  }
0x5b: {  	_ =	shalt  }
0x5c: {  	_ =	shalt  }
0x5d: {  	_ =	shalt  }
0x5e: {  	_ =	shalt  }
0x5f: {  	_ =	shalt  }
0x60: {  	_ =	shalt  }
0x61: {  	_ =	shalt  }
0x62: {  	_ =	shalt  }
0x63: {  	_ =	shalt  }
0x64: {  	_ =	shalt  }
0x65: {  	_ =	shalt  }
0x66: {  	_ =	shalt  }
0x67: {  	_ =	shalt  }
0x68: {  	_ =	shalt  }
0x69: {  	_ =	shalt  }
0x6a: {  	_ =	shalt  }
0x6b: {  	_ =	shalt  }
0x6c: {  	_ =	shalt  }
0x6d: {  	_ =	shalt  }
0x6e: {  	_ =	shalt  }
0x6f: {  	_ =	shalt  }
0x70: {  	_ =	shalt  }
0x71: {  	_ =	shalt  }
0x72: {  	_ =	shalt  }
0x73: {  	_ =	shalt  }
0x74: {  	_ =	shalt  }
0x75: {  	_ =	shalt  }
0x76: {  	_ =	shalt  }
0x77: {  	_ =	shalt  }
0x78: {  	_ =	shalt  }
0x79: {  	_ =	shalt  }
0x7a: {  	_ =	shalt  }
0x7b: {  	_ =	shalt  }
0x7c: {  	_ =	shalt  }
0x7d: {  	_ =	shalt  }
0x7e: {  	_ =	shalt  }
0x7f: {  	_ =	shalt  }
0x80: {  	_ =	shalt  }
0x81: {  	_ =	shalt  }
0x82: {  	_ =	shalt  }
0x83: {  	_ =	shalt  }
0x84: {  	_ =	shalt  }
0x85: {  	_ =	shalt  }
0x86: {  	_ =	shalt  }
0x87: {  	_ =	shalt  }
.Lfunc_end0:
.L_simem_size_0:
called_computation_lowered:
.L_overlay_start_0:
0x88: {  	s2 =	sld [smem:$0x3FD9]  }
0x89: {  	s3 =	sld [smem:$0x3FFE];
	_ =	sdelay $0x1  }
0x8a: {  	s1 =	srdreg.scid  }
0x8b: {  	s0 =	sand.u32 $0x1, s1  }
0x8c: {  	s17 =	sshll.u32 s0, $0xA;
	s2 =	sadd.s32 s3, s2  }
0x8d: {  	s2 =	sadd.s32 s2, s17  }
0x8e: {  	[smem:$0x3FC2] =	sst s2  }
0x8f: {  	_ = 	snop  }
0x90: {  	s2 =	sld [smem:$0x3FD0];
	(tm) =	ssettm $0x1  }
0x91: {  	s18 =	sld [smem:$0x3FFB];
	_ =	sdelay $0x3  }
0x92: {  	_ =	strace s18  }
0x93: {  	s3 =	sld [smem:$0x3FFC];
	_ =	sdelay $0x3  }
0x94: {  	_ =	strace s3  }
0x95: {  	s3 =	sld [smem:$0x3FFD];
	_ =	sdelay $0x3  }
0x96: {  	_ =	strace s3  }
0x97: {  	_ =	strace $0x8FFFFFFF  }
0x98: {  	s19 =	sld [smem:$0x3FDB];
	_ =	sdelay $0x1  }
0x99: {  	s4 =	simm.s32 $_scs_section_size  }
0x9a: {  	s5 =	simm.s32 $_size__tile_overlayer_lowered;
	s6 =	simm.s32 $_tile_overlayer_lowered  }
0x9b: {  	s22 =	simm.s32 $0x1BFF;
	s21 =	sshll.u32 s6, $0x1;
	s3 =	sadd.s32 s4, s19  }
0x9c: {  	s7 =	simm.s32 $0x0;
	s20 =	sshll.u32 s5, $0x1;
	s5 =	sadd.s32 s21, s3  }
0x9d: {  	[timem:s7], [sflag:s22] =	dma.local [hbm:s5], s20  }
0x9e: {  	_ =	swait.ge [sflag:s22], s20  }
0x9f: {  	s4 =	ssub.s32 $0x0, s20;
	[sflag:s22] =	ssyncset.done $0x0  }
0xa0: {  	[sflag:s22] =	ssyncadd.s32 s4;
	_ =	sdelay $0x1  }
0xa1: {  	s23 =	simm.s32 $0x1B8B  }
0xa2: {  	_ =	swait.ge [sflag:s23], $0x1  }
0xa3: {  	[sflag:s23] =	ssyncset.done $0x0  }
0xa4: {  	s25 =	simm.s32 $0x1B8E;
	s24 =	sld [smem:$0x3FFE];
	[sflag:s23] =	ssyncadd.s32 $0xFFFFFFFF  }
0xa5: {  	s26 =	simm.s32 $execute0_lowered;
	[smem:$0x3FD2] =	sst s25  }
0xa6: {  	s5 =	sshll.u32 s26, $0x1;
	_ =	strace $0x80000046;
	[dreg:$0x1] =	wrdreg $0xFFFFFFFF  }
0xa7: {  	s28 =	simm.s32 $_size_execute0_lowered;
	s3 =	sadd.s32 s3, s5;
	[dreg:$0x0] =	wrdreg $0x0  }
0xa8: {  	s5 =	sshll.u32 s28, $0x1;
	[dreg:$0x2] =	wrdreg s3  }
0xa9: {  	[dreg:$0x3] =	wrdreg s5  }
0xaa: {  	[dreg:$0x4] =	wrdreg $0xC0  }
0xab: {  	_ =	task [dreg:s7], $0x5FFFF  }
0xac: {  	[dreg:$0x1] =	wrdreg $0xFFFFFFFF  }
0xad: {  	[dreg:$0x0] =	wrdreg $0x60  }
0xae: {  	[dreg:$0x2] =	wrdreg s24  }
0xaf: {  	[dreg:$0x3] =	wrdreg s2  }
0xb0: {  	[dreg:$0x4] =	wrdreg $0x2AF80  }
0xb1: {  	[dreg:$0x5] =	wrdreg $0x9  }
0xb2: {  	_ =	task.clear_ibuf [dreg:s7], $0x6FFFF;
	_ =	strace $0x90000046  }
0xb3: {  	s29 =	simm.s32 $0x9;
	_ =	strace $0x80000048  }
0xb4: {  	_ =	swait.ge [sflag:s29], $0x1  }
0xb5: {  	[sflag:s29] =	ssyncadd.s32 $0xFFFFFFFF  }
0xb6: {  	_ =	strace $0x90000048  }
0xb7: {  	_ =	sfence  }
0xb8: {  	s30 =	sld [smem:$0x0];
	_ =	sdelay $0x2  }
0xb9: {  	s31 =	sshll.u32 s1, $0xD;
	s1 =	sshrl.u32 s1, $0x2  }
0xba: {  	s3 =	sand.u32 $0x4000, s31;
	s1 =	sadd.s32 s1, s30  }
0xbb: {  	s0 =	sor.u32 s3, s0;
	s1 =	sshll.u32 s1, $0x11  }
0xbc: {  	s0 =	sor.u32 s1, s0  }
0xbd: {  	s0 =	sadd.s32 $0x8F2B, s0  }
0xbe: {  	[sflag:s0] =	ssyncadd.remote.s32 $0x1  }
0xbf: {  	_ =	sfence.sel $0xFFFF  }
0xc0: {  	[dreg:$0x0] =	wrdreg $0xFFFFFFFF;
	(pc) =	sbr.abs _section_cstart, $3  }
0xc1: {  	[dreg:$0x1] =	wrdreg $0xFFFFFFFF  }
0xc2: {  	_ =	task.clear_ibuf [dreg:s7], $0x2FFFF;
	_ =	strace $0x9FFFFFFF  }
0xc3: {  	(tm) =	ssettm $0x7FFFFFFF  }
tec
execute0_lowered:
.L_overlay_start_1:
0x0: {  	(tag) =	ssettag $0x1  }
0x1: {  	s0 =	srdreg.scid;
	s24 =	stileid.u32  }
0x2: {  	s26 =	sand.u32 $0x1, s0;
	s23 =	sshll.u32 s24, $0x1  }
0x3: {  	s25 =	rddreg [dreg:$0x0];
	s0 =	sor.u32 s26, s23  }
0x4: {  	s1 =	rddreg [dreg:$0x1];
	s4 =	smul.u32 $0x4E2, s0  }
0x5: {  	s2 =	rddreg [dreg:$0x2];
	s3 =	simm.s32 $0x0  }
0x6: {  	s5 =	simm.s32 $0x2;
	[smem:$0x7FF] =	sst s3;
	s4 =	sadd.s32 s4, s25  }
0x7: {  	s0 =	rddreg [dreg:$0x3];
	_ =	strace $0x80000047;
	s4 =	sadd.s32 $0x1C00, s4  }
0x8: {  	[tilespmem:s3], [sflag:$0x2] =	stream.linear.gather [hbm4b:s4+s3], $0x2710, $0x38;
	[tilespmem:$0x2D70] =	vst v63  }
0x9: {  	_ =	swait.ge [sflag:s5], $0x2710  }
0xa: {  	[sflag:s5] =	ssyncset.done $0x0  }
0xb: {  	s7 =	simm.s32 $0x2710;
	s6 =	sadd.s32 $0x15800, s25;
	[sflag:s5] =	ssyncadd.s32 $0xFFFFD8F0  }
0xc: {  	[tilespmem:s7], [sflag:$0x2] =	stream.linear.gather [hbm4b:s6+s3], $0x3E8, $0x38;
	[tilespmem:$0x2D70] =	vst v63  }
0xd: {  	p0 =	sne.s32 s24, $0x0;
	_ =	swait.ge [sflag:s5], $0x3E8  }
0xe: {  	s8 =	sshrl.u32 @!p0 s2, $0x3;
	[sflag:s5] =	ssyncset.done $0x0  }
0xf: {  	s9 =	simm.s32 @!p0 $0x1C02;
	s10 =	simm.s32 @!p0 $0x2;
	[sflag:s5] =	ssyncadd.s32 $0xFFFFFC18  }
0x10: {  	[spmem:s8], [sflag:s9] =	dma.local @!p0 [hbm:s1], $0x4E2  }
0x11: {  	_ =	swait.ge @!p0 [sflag:s10], $0x4E2  }
0x12: {  	[sflag:s10] =	ssyncset.done @!p0 $0x0  }
0x13: {  	[sflag:s10] =	ssyncadd.s32 @!p0 $0xFFFFFB1E  }
0x14: {  	s11 =	simm.s32 $0x3E8;
	[bflag:$0x0] =	sbarrier.arrive $0xFFFF  }
0x15: {  	[spmem:s2] =	stream.indirect.scatter.add.f32 [tilespmem:s7], [sflag:$0x1], $0x1, s3, s11, $0xb8;
	[tilespmem:$0x2D70] =	vst v63  }
0x16: {  	_ = 	snop  }
0x17: {  	[spmem:s2] =	stream.indirect.scatter.add.f32 [tilespmem:s7], [sflag:$0x1], $0x1, s11, s11, $0xb8;
	[tilespmem:$0x2D70] =	vst v63  }
0x18: {  	s12 =	simm.s32 $0x7D0  }
0x19: {  	[spmem:s2] =	stream.indirect.scatter.add.f32 [tilespmem:s7], [sflag:$0x1], $0x1, s12, s11, $0xb8;
	[tilespmem:$0x2D70] =	vst v63  }
0x1a: {  	s13 =	simm.s32 $0xBB8  }
0x1b: {  	[spmem:s2] =	stream.indirect.scatter.add.f32 [tilespmem:s7], [sflag:$0x1], $0x1, s13, s11, $0xb8;
	[tilespmem:$0x2D70] =	vst v63  }
0x1c: {  	s14 =	simm.s32 $0xFA0  }
0x1d: {  	[spmem:s2] =	stream.indirect.scatter.add.f32 [tilespmem:s7], [sflag:$0x1], $0x1, s14, s11, $0xb8;
	[tilespmem:$0x2D70] =	vst v63  }
0x1e: {  	s15 =	simm.s32 $0x1388  }
0x1f: {  	[spmem:s2] =	stream.indirect.scatter.add.f32 [tilespmem:s7], [sflag:$0x1], $0x1, s15, s11, $0xb8;
	[tilespmem:$0x2D70] =	vst v63  }
0x20: {  	s16 =	simm.s32 $0x1770  }
0x21: {  	[spmem:s2] =	stream.indirect.scatter.add.f32 [tilespmem:s7], [sflag:$0x1], $0x1, s16, s11, $0xb8;
	[tilespmem:$0x2D70] =	vst v63  }
0x22: {  	s17 =	simm.s32 $0x1B58  }
0x23: {  	[spmem:s2] =	stream.indirect.scatter.add.f32 [tilespmem:s7], [sflag:$0x1], $0x1, s17, s11, $0xb8;
	[tilespmem:$0x2D70] =	vst v63  }
0x24: {  	s18 =	simm.s32 $0x1F40  }
0x25: {  	[spmem:s2] =	stream.indirect.scatter.add.f32 [tilespmem:s7], [sflag:$0x1], $0x1, s18, s11, $0xb8;
	[tilespmem:$0x2D70] =	vst v63  }
0x26: {  	s19 =	simm.s32 $0x2328;
	s20 =	simm.s32 $0x1  }
0x27: {  	[spmem:s2] =	stream.indirect.scatter.add.f32 [tilespmem:s7], [sflag:$0x1], $0x1, s19, s11, $0xb8;
	[tilespmem:$0x2D70] =	vst v63  }
0x28: {  	_ =	swait.ge [sflag:s20], $0x3E8  }
0x29: {  	[sflag:s20] =	ssyncset.done $0x0  }
0x2a: {  	[sflag:s20] =	ssyncadd.s32 $0xFFFFFC18  }
0x2b: {  	_ =	swait.ge [sflag:s20], $0x3E8  }
0x2c: {  	[sflag:s20] =	ssyncset.done $0x0  }
0x2d: {  	[sflag:s20] =	ssyncadd.s32 $0xFFFFFC18  }
0x2e: {  	_ =	swait.ge [sflag:s20], $0x3E8  }
0x2f: {  	[sflag:s20] =	ssyncset.done $0x0  }
0x30: {  	[sflag:s20] =	ssyncadd.s32 $0xFFFFFC18  }
0x31: {  	_ =	swait.ge [sflag:s20], $0x3E8  }
0x32: {  	[sflag:s20] =	ssyncset.done $0x0  }
0x33: {  	[sflag:s20] =	ssyncadd.s32 $0xFFFFFC18  }
0x34: {  	_ =	swait.ge [sflag:s20], $0x3E8  }
0x35: {  	[sflag:s20] =	ssyncset.done $0x0  }
0x36: {  	[sflag:s20] =	ssyncadd.s32 $0xFFFFFC18  }
0x37: {  	_ =	swait.ge [sflag:s20], $0x3E8  }
0x38: {  	[sflag:s20] =	ssyncset.done $0x0  }
0x39: {  	[sflag:s20] =	ssyncadd.s32 $0xFFFFFC18  }
0x3a: {  	_ =	swait.ge [sflag:s20], $0x3E8  }
0x3b: {  	[sflag:s20] =	ssyncset.done $0x0  }
0x3c: {  	[sflag:s20] =	ssyncadd.s32 $0xFFFFFC18  }
0x3d: {  	_ =	swait.ge [sflag:s20], $0x3E8  }
0x3e: {  	[sflag:s20] =	ssyncset.done $0x0  }
0x3f: {  	p2 =	seq.s32 s24, $0x0;
	s21 =	sor.u32 s26, s24;
	[sflag:s20] =	ssyncadd.s32 $0xFFFFFC18  }
0x40: {  	s22 =	ssub.s32 $0x2, s26;
	p3 =	seq.s32 s26, $0x1;
	_ =	swait.ge [sflag:s20], $0x3E8  }
0x41: {  	p1 =	sne.s32 s21, $0x0;
	s31 =	sshrl.u32 s22, $0x1;
	[sflag:s20] =	ssyncset.done $0x0  }
0x42: {  	p2 =	por !p2, !p3;
	s23 =	sshll.u32 @!p1 s24, $0x6;
	[sflag:s20] =	ssyncadd.s32 $0xFFFFFC18  }
0x43: {  	s28 =	ssub.s32 s22, s31;
	s22 =	sadd.s32 $0x15A00, s25;
	_ =	swait.ge [sflag:s20], $0x3E8  }
0x44: {  	s24 =	simm.s32 @!p1 $0x2;
	p2 =	por !p2, !p2;
	[sflag:s20] =	ssyncset.done $0x0  }
0x45: {  	s21 =	sor.u32 @!p1 $0x1C02, s23;
	s31 =	smax.u32 s28, $0x1;
	[sflag:s20] =	ssyncadd.s32 $0xFFFFFC18  }
0x46: {  	s23 =	sshrl.u32 @!p1 s2, $0x3;
	s30 =	sadd.s32 $0xFFFFFFFF, s31;
	[bflag:$0x0] =	sbarrier.arrive $0xFFFF  }
0x47: {  	[hbm:s22], [sflag:s21] =	dma.local @!p1 [spmem:s23], $0x4E2  }
0x48: {  	s25 =	sadd.s32 $0x16000, s25;
	p3 =	sne.s32 s30, $0x0;
	_ =	swait.ge @!p1 [sflag:s24], $0x4E2  }
.Ltmp0:
0x49: {  	s28 =	sshrl.u32 @p2 s2, $0x3;
	[sflag:s24] =	ssyncset.done @!p1 $0x0;
	(pc) =	sbr.rel @!p3 .LBB2_2-.Ltmp0, $4  }
0x4a: {  	s29 =	simm.s32 @p2 $0x1C02;
	s26 =	simm.s32 @p2 $0x2;
	[sflag:s24] =	ssyncadd.s32 @!p1 $0xFFFFFB1E  }
0x4b: {  	[hbm:s25], [sflag:s29] =	dma.local @p2 [spmem:s28], $0x4E2  }
0x4c: {  	_ =	swait.ge @p2 [sflag:s26], $0x4E2  }
0x4d: {  	[sflag:s26] =	ssyncset.done @p2 $0x0  }
.LBB2_1:
0x4e: {  	s30 =	sadd.s32 $0xFFFFFFFF, s30;
	[sflag:s26] =	ssyncadd.s32 @p2 $0xFFFFFB1E  }
0x4f: {  	[tilespmem:s3], [sflag:$0x2] =	stream.linear.gather [hbm4b:s4+s3], $0x2710, $0x38;
	[tilespmem:$0x2D70] =	vst v63  }
0x50: {  	p3 =	sne.s32 s30, $0x0;
	_ =	swait.ge [sflag:s5], $0x2710  }
0x51: {  	[sflag:s5] =	ssyncset.done $0x0  }
0x52: {  	[sflag:s5] =	ssyncadd.s32 $0xFFFFD8F0  }
0x53: {  	[tilespmem:s7], [sflag:$0x2] =	stream.linear.gather [hbm4b:s6+s3], $0x3E8, $0x38;
	[tilespmem:$0x2D70] =	vst v63  }
0x54: {  	_ =	swait.ge [sflag:s5], $0x3E8  }
0x55: {  	[sflag:s5] =	ssyncset.done $0x0  }
0x56: {  	[sflag:s5] =	ssyncadd.s32 $0xFFFFFC18  }
0x57: {  	[spmem:s8], [sflag:s9] =	dma.local @!p0 [hbm:s1], $0x4E2  }
0x58: {  	_ =	swait.ge @!p0 [sflag:s10], $0x4E2  }
0x59: {  	[sflag:s10] =	ssyncset.done @!p0 $0x0  }
0x5a: {  	[sflag:s10] =	ssyncadd.s32 @!p0 $0xFFFFFB1E  }
0x5b: {  	[bflag:$0x0] =	sbarrier.arrive $0xFFFF  }
0x5c: {  	[spmem:s2] =	stream.indirect.scatter.add.f32 [tilespmem:s7], [sflag:$0x1], $0x1, s3, s11, $0xb8;
	[tilespmem:$0x2D70] =	vst v63  }
0x5d: {  	_ = 	snop  }
0x5e: {  	[spmem:s2] =	stream.indirect.scatter.add.f32 [tilespmem:s7], [sflag:$0x1], $0x1, s11, s11, $0xb8;
	[tilespmem:$0x2D70] =	vst v63  }
0x5f: {  	_ = 	snop  }
0x60: {  	[spmem:s2] =	stream.indirect.scatter.add.f32 [tilespmem:s7], [sflag:$0x1], $0x1, s12, s11, $0xb8;
	[tilespmem:$0x2D70] =	vst v63  }
0x61: {  	_ = 	snop  }
0x62: {  	[spmem:s2] =	stream.indirect.scatter.add.f32 [tilespmem:s7], [sflag:$0x1], $0x1, s13, s11, $0xb8;
	[tilespmem:$0x2D70] =	vst v63  }
0x63: {  	_ = 	snop  }
0x64: {  	[spmem:s2] =	stream.indirect.scatter.add.f32 [tilespmem:s7], [sflag:$0x1], $0x1, s14, s11, $0xb8;
	[tilespmem:$0x2D70] =	vst v63  }
0x65: {  	_ = 	snop  }
0x66: {  	[spmem:s2] =	stream.indirect.scatter.add.f32 [tilespmem:s7], [sflag:$0x1], $0x1, s15, s11, $0xb8;
	[tilespmem:$0x2D70] =	vst v63  }
0x67: {  	_ = 	snop  }
0x68: {  	[spmem:s2] =	stream.indirect.scatter.add.f32 [tilespmem:s7], [sflag:$0x1], $0x1, s16, s11, $0xb8;
	[tilespmem:$0x2D70] =	vst v63  }
0x69: {  	_ = 	snop  }
0x6a: {  	[spmem:s2] =	stream.indirect.scatter.add.f32 [tilespmem:s7], [sflag:$0x1], $0x1, s17, s11, $0xb8;
	[tilespmem:$0x2D70] =	vst v63  }
0x6b: {  	_ = 	snop  }
0x6c: {  	[spmem:s2] =	stream.indirect.scatter.add.f32 [tilespmem:s7], [sflag:$0x1], $0x1, s18, s11, $0xb8;
	[tilespmem:$0x2D70] =	vst v63  }
0x6d: {  	_ = 	snop  }
0x6e: {  	[spmem:s2] =	stream.indirect.scatter.add.f32 [tilespmem:s7], [sflag:$0x1], $0x1, s19, s11, $0xb8;
	[tilespmem:$0x2D70] =	vst v63  }
0x6f: {  	_ =	swait.ge [sflag:s20], $0x3E8  }
0x70: {  	[sflag:s20] =	ssyncset.done $0x0  }
0x71: {  	[sflag:s20] =	ssyncadd.s32 $0xFFFFFC18  }
0x72: {  	_ =	swait.ge [sflag:s20], $0x3E8  }
0x73: {  	[sflag:s20] =	ssyncset.done $0x0  }
0x74: {  	[sflag:s20] =	ssyncadd.s32 $0xFFFFFC18  }
0x75: {  	_ =	swait.ge [sflag:s20], $0x3E8  }
0x76: {  	[sflag:s20] =	ssyncset.done $0x0  }
0x77: {  	[sflag:s20] =	ssyncadd.s32 $0xFFFFFC18  }
0x78: {  	_ =	swait.ge [sflag:s20], $0x3E8  }
0x79: {  	[sflag:s20] =	ssyncset.done $0x0  }
0x7a: {  	[sflag:s20] =	ssyncadd.s32 $0xFFFFFC18  }
0x7b: {  	_ =	swait.ge [sflag:s20], $0x3E8  }
0x7c: {  	[sflag:s20] =	ssyncset.done $0x0  }
0x7d: {  	[sflag:s20] =	ssyncadd.s32 $0xFFFFFC18  }
0x7e: {  	_ =	swait.ge [sflag:s20], $0x3E8  }
0x7f: {  	[sflag:s20] =	ssyncset.done $0x0  }
0x80: {  	[sflag:s20] =	ssyncadd.s32 $0xFFFFFC18  }
0x81: {  	_ =	swait.ge [sflag:s20], $0x3E8  }
0x82: {  	[sflag:s20] =	ssyncset.done $0x0  }
0x83: {  	[sflag:s20] =	ssyncadd.s32 $0xFFFFFC18  }
0x84: {  	_ =	swait.ge [sflag:s20], $0x3E8  }
0x85: {  	[sflag:s20] =	ssyncset.done $0x0  }
0x86: {  	[sflag:s20] =	ssyncadd.s32 $0xFFFFFC18  }
0x87: {  	_ =	swait.ge [sflag:s20], $0x3E8  }
0x88: {  	[sflag:s20] =	ssyncset.done $0x0  }
0x89: {  	[sflag:s20] =	ssyncadd.s32 $0xFFFFFC18  }
0x8a: {  	_ =	swait.ge [sflag:s20], $0x3E8  }
0x8b: {  	[sflag:s20] =	ssyncset.done $0x0  }
0x8c: {  	[sflag:s20] =	ssyncadd.s32 $0xFFFFFC18  }
0x8d: {  	[bflag:$0x0] =	sbarrier.arrive $0xFFFF  }
0x8e: {  	[hbm:s22], [sflag:s21] =	dma.local @!p1 [spmem:s23], $0x4E2  }
0x8f: {  	_ =	swait.ge @!p1 [sflag:s24], $0x4E2  }
.Ltmp1:
0x90: {  	[sflag:s24] =	ssyncset.done @!p1 $0x0;
	(pc) =	sbr.rel @p3 .LBB2_1-.Ltmp1, $4  }
0x91: {  	[sflag:s24] =	ssyncadd.s32 @!p1 $0xFFFFFB1E  }
0x92: {  	[hbm:s25], [sflag:s29] =	dma.local @p2 [spmem:s28], $0x4E2  }
0x93: {  	_ =	swait.ge @p2 [sflag:s26], $0x4E2  }
0x94: {  	[sflag:s26] =	ssyncset.done @p2 $0x0  }
.LBB2_2:
0x95: {  	[sflag:s26] =	ssyncadd.s32 @p2 $0xFFFFFB1E  }
0x96: {  	_ =	sfence.sel $0x180000  }
0x97: {  	[bflag:$0x0] =	sbarrier.arrive $0xFFFF  }
0x98: {  	_ =	strace $0x90000047  }
0x99: {  	s0 =	sadd.s32 @!p0 $0x100000, s0;
	[bflag:$0x2] =	sbarrier.arrive $0xFFFF  }
0x9a: {  	[sflag:s0] =	ssyncadd.tile.s32 @!p0 $0x1;
	_ =	shalt  }
.Lfunc_end2:
_tile_overlayer_lowered:
.L_overlay_start_2:
0x9b: {  	(tag) =	ssettag $0x2  }
0x9c: {  	s0 =	rddreg [dreg:$0x0];
	s2 =	stileid.u32  }
0x9d: {  	s1 =	rddreg [dreg:$0x1];
	p0 =	sne.s32 s2, $0x0  }
0x9e: {  	s3 =	rddreg [dreg:$0x2];
	[bflag:$0x3] =	sbarrier.arrive $0xFFFF;
	s2 =	simm.s32 @!p0 $0x1C02  }
0x9f: {  	[timem:s3], [sflag:s2] =	dma.local @!p0 [hbm:s0], s1  }
0xa0: {  	s0 =	simm.s32 @!p0 $0x2  }
0xa1: {  	_ =	swait.ge @!p0 [sflag:s0], s1  }
0xa2: {  	s1 =	ssub.s32 @!p0 $0x0, s1;
	[sflag:s0] =	ssyncset.done @!p0 $0x0  }
0xa3: {  	[sflag:s0] =	ssyncadd.s32 @!p0 s1  }
0xa4: {  	[bflag:$0x3] =	sbarrier.arrive $0xFFFF  }
0xa5: {  	_ =	shalt  }

</sc_bundles>
